<compile_context>
chip_gen: v7x
topology: tpu7x:2x2x1
jax: 0.10.2.dev20260603
libtpu: 0.0.44.dev20260713+nightly
codegen_flags: <defaults>
</compile_context>

<pallas_src>
import functools

import jax
import jax.numpy as jnp
from jax import lax
from jax.experimental import pallas as pl
from jax.experimental.pallas import tpu as pltpu
from jax.experimental.pallas import tpu_sc as plsc

D = 64
LANES = 16
NW = 32
CHUNK = 128
NTAB = 5


def _permcast(x):
    r = x.shape[0]
    y = x.reshape(r, 2, 2, LANES).transpose(0, 1, 3, 2).reshape(r, D)
    return y.astype(jnp.bfloat16)


def _prep_body(flag_ref, contour_ref, order_ref, arg_ref, fcw_ref, fcb_ref,
               a0_ref, a1_ref, flagb_ref, cont_ref, ord_ref):
    fcw = fcw_ref[...]
    a0_ref[...] = _permcast(lax.dot_general(
        arg_ref[...], fcw[:, :D], (((1,), (1,)), ((), ())),
        preferred_element_type=jnp.float32))
    a1_ref[...] = _permcast(lax.dot_general(
        arg_ref[...], fcw[:, D:], (((1,), (1,)), ((), ())),
        preferred_element_type=jnp.float32))
    flagb_ref[...] = _permcast(flag_ref[...] + fcb_ref[...])
    cont_ref[...] = _permcast(contour_ref[...])
    ord_ref[...] = _permcast(order_ref[...])


def _prep_tables(flag_w, contour_w, order_w, arg_w, fc_w, fc_b):
    n_arg = arg_w.shape[0]
    return pl.pallas_call(
        _prep_body,
        out_shape=[
            jax.ShapeDtypeStruct((n_arg, D), jnp.bfloat16),
            jax.ShapeDtypeStruct((n_arg, D), jnp.bfloat16),
            jax.ShapeDtypeStruct((flag_w.shape[0], D), jnp.bfloat16),
            jax.ShapeDtypeStruct((contour_w.shape[0], D), jnp.bfloat16),
            jax.ShapeDtypeStruct((order_w.shape[0], D), jnp.bfloat16),
        ],
    )(flag_w, contour_w, order_w, arg_w, fc_w, fc_b.reshape(1, D))


@functools.lru_cache(maxsize=None)
def _make_sc_kernel(n_tokens):
    per_w = n_tokens // NW
    n_chunks = per_w // CHUNK
    assert per_w * NW == n_tokens and n_chunks * CHUNK == per_w
    assert n_chunks % 2 == 0
    mesh = plsc.VectorSubcoreMesh(core_axis_name="c", subcore_axis_name="s")

    @functools.partial(
        pl.kernel,
        mesh=mesh,
        out_type=jax.ShapeDtypeStruct((n_tokens, D), jnp.float32),
        scratch_types=[
            pltpu.VMEM((2, NTAB, CHUNK), jnp.int32),
            pltpu.VMEM((2, NTAB, CHUNK, D), jnp.bfloat16),
            pltpu.VMEM((2, CHUNK, D), jnp.float32),
            pltpu.SemaphoreType.DMA,
            pltpu.SemaphoreType.DMA,
        ],
        compiler_params=pltpu.CompilerParams(use_tc_tiling_on_sc=False,
                                             needs_layout_passes=False),
    )
    def sc_fn(idx_hbm, t0, t1, t2, t3, t4, out_hbm, idx_v, rows_v, obuf,
              sem0, sem1):
        wid = lax.axis_index("s") * 2 + lax.axis_index("c")
        tables = (t0, t1, t2, t3, t4)
        sems = (sem0, sem1)
        base = wid * per_w

        def load(g, slot):
            pltpu.sync_copy(idx_hbm.at[wid, g], idx_v.at[slot])
            for c in range(NTAB):
                pltpu.make_async_copy(
                    tables[c].at[idx_v.at[slot, c]],
                    rows_v.at[slot, c],
                    sems[slot],
                ).start()

        def process(g, slot):
            @pl.when(g + 1 < n_chunks)
            def _():
                load(g + 1, 1 - slot)

            for c in range(NTAB):
                pltpu.make_async_copy(
                    tables[c].at[idx_v.at[slot, c]],
                    rows_v.at[slot, c],
                    sems[slot],
                ).wait()

            @plsc.parallel_loop(0, CHUNK, step=4, unroll=2)
            def _(r):
                for dr in range(4):
                    rr = r + dr
                    for cc in range(2):
                        sl = pl.ds(cc * 2 * LANES, 2 * LANES)
                        acc = (rows_v[slot, 0, rr, sl]
                               + rows_v[slot, 1, rr, sl]
                               + rows_v[slot, 2, rr, sl]
                               + rows_v[slot, 3, rr, sl]
                               + rows_v[slot, 4, rr, sl])
                        lo, hi = plsc.unpack(
                            acc, format=plsc.PackFormat.INTERLEAVED)
                        obuf[slot, rr, pl.ds(cc * 2 * LANES, LANES)] = lo
                        obuf[slot, rr,
                             pl.ds(cc * 2 * LANES + LANES, LANES)] = hi
            pltpu.sync_copy(obuf.at[slot],
                            out_hbm.at[pl.ds(base + g * CHUNK, CHUNK)])

        load(0, 0)

        def pair(p, carry):
            process(2 * p, 0)
            process(2 * p + 1, 1)
            return carry

        lax.fori_loop(0, n_chunks // 2, pair, 0)

    return sc_fn


def kernel(fonts, flag_w, contour_w, order_w, arg_w, fc_w, fc_b):
    b, s, en = fonts.shape
    n_tokens = b * s
    a0, a1, flagb, cont, ordr = _prep_tables(
        flag_w, contour_w, order_w, arg_w, fc_w, fc_b)
    f = fonts.reshape(NW, n_tokens // (NW * CHUNK), CHUNK, en) + 1
    idx = f.transpose(0, 1, 3, 2)
    sc_fn = _make_sc_kernel(n_tokens)
    out = sc_fn(idx, a0, a1, flagb, cont, ordr)
    return out.reshape(b, s, D)

# --- scband reference (transcript-rebuilt; emitter-appended) ---
"""Pipeline reference for scband-query-embedding-74869869904276 (READ-ONLY COPY).

The authoritative reference and input builder live on the scoring server;
editing this copy changes nothing except your own understanding.
"""

import jax, jax.numpy as jnp
import numpy as np

B, S, EN = 4096, 200, 5
D_MODEL = 64
N_CONTOURS = 1000
N_ORDERS = 1000
N_FLAG = 513
ARGS_DIM = 257
N_ARGS = 2


def setup_inputs(seed: int = 0) -> dict:
    key = jax.random.key(seed)
    k1, k2, k3, k4, k5, k6, k7 = jax.random.split(key, 7)
    fonts = jax.random.randint(k1, (B, S, EN), 0, 513, dtype=jnp.int32)
    flag_w = jax.random.normal(k2, (N_FLAG + 1, D_MODEL), dtype=jnp.float32)
    contour_w = jax.random.normal(k3, (N_CONTOURS + 1, D_MODEL), dtype=jnp.float32)
    order_w = jax.random.normal(k4, (N_ORDERS + 1, D_MODEL), dtype=jnp.float32)
    arg_w = jax.random.normal(k5, (2 * ARGS_DIM, 64), dtype=jnp.float32)
    fc_w = jax.random.normal(k6, (D_MODEL, 64 * N_ARGS), dtype=jnp.float32) * (1.0 / np.sqrt(64 * N_ARGS))
    fc_b = jax.random.normal(k7, (D_MODEL,), dtype=jnp.float32) * 0.01
    return {"fonts": fonts, "flag_w": flag_w, "contour_w": contour_w, "order_w": order_w, "arg_w": arg_w, "fc_w": fc_w, "fc_b": fc_b}


def reference(fonts, flag_w, contour_w, order_w, arg_w, fc_w, fc_b):
    b, s, _ = fonts.shape
    f = fonts + 1
    flag_e = jnp.take(flag_w, f[:, :, 2], axis=0)
    contour_e = jnp.take(contour_w, f[:, :, 3], axis=0)
    order_e = jnp.take(order_w, f[:, :, 4], axis=0)
    arg_e = jnp.take(arg_w, f[:, :, :2], axis=0).reshape(b, s, -1)
    src = flag_e + contour_e + order_e + jnp.dot(arg_e, fc_w.T) + fc_b
    return src

if __name__ == "__main__":
    import jax
    _d = setup_inputs()
    print(jax.jit(kernel)(*tuple(_d.values())))

</pallas_src>

<mosaic_0001>
#map = affine_map<(d0, d1) -> (0, 0, 0, 0)>
#map1 = affine_map<(d0, d1) -> (0, 0)>
module attributes {stable_mosaic.version = 14 : i64} {
  func.func @sc_fn(%arg0: i32, %arg1: i32, %arg2: memref<32x200x5x128xi32, #tpu.memory_space<hbm>>, %arg3: memref<514x64xbf16, #tpu.memory_space<hbm>>, %arg4: memref<514x64xbf16, #tpu.memory_space<hbm>>, %arg5: memref<514x64xbf16, #tpu.memory_space<hbm>>, %arg6: memref<1001x64xbf16, #tpu.memory_space<hbm>>, %arg7: memref<1001x64xbf16, #tpu.memory_space<hbm>>, %arg8: memref<819200x64xf32, #tpu.memory_space<hbm>>, %arg9: memref<2x5x128xi32, #tpu.memory_space<vmem>>, %arg10: memref<2x5x128x64xbf16, #tpu.memory_space<vmem>>, %arg11: memref<2x128x64xf32, #tpu.memory_space<vmem>>, %arg12: memref<!tpu.dma_semaphore, #tpu.memory_space<semaphore_mem>>, %arg13: memref<!tpu.dma_semaphore, #tpu.memory_space<semaphore_mem>>) attributes {dimension_semantics = [#tpu.dimension_semantics<core_parallel>, #tpu.dimension_semantics<subcore_parallel>], iteration_bounds = array<i64: 2, 16>, scalar_prefetch = 0 : i64, scratch_operands = 5 : i64, tpu.core_type = #tpu.core_type<sc_vector_subcore>, window_params = [{transform_indices = #map}, {transform_indices = #map1}, {transform_indices = #map1}, {transform_indices = #map1}, {transform_indices = #map1}, {transform_indices = #map1}, {transform_indices = #map1}]} {
    %mul3A = arith.constant 2 : i32
    %mul3A_0 = arith.muli %arg1, %mul3A : i32
    %add3A = arith.addi %mul3A_0, %arg0 : i32
    %mul3A_1 = arith.constant 25600 : i32
    %mul3A_2 = arith.muli %add3A, %mul3A_1 : i32
    %run_scoped3A = arith.constant 0 : i32
    %run_scoped3A_3 = arith.constant 0 : i32
    "tpu.region"() ({
      %run_scoped3A_78 = tpu.sem_alloc : memref<!tpu.dma_semaphore, #tpu.memory_space<semaphore_mem>>
      %dma_start3A_79 = arith.constant 0 : i32
      %dma_start3A_80 = arith.constant 0 : i32
      %dma_start3A_81 = tpu.memref_slice %arg9[%run_scoped3A_3, %dma_start3A_79, %dma_start3A_80] : memref<2x5x128xi32, #tpu.memory_space<vmem>> -> memref<1x5x128xi32, #tpu.memory_space<vmem>>
      %dma_start3A_82 = tpu.memref_squeeze %dma_start3A_81 : memref<1x5x128xi32, #tpu.memory_space<vmem>> -> memref<5x128xi32, #tpu.memory_space<vmem>>
      %dma_start3A_83 = arith.constant 0 : i32
      %dma_start3A_84 = arith.constant 0 : i32
      %dma_start3A_85 = tpu.memref_slice %arg2[%add3A, %run_scoped3A, %dma_start3A_83, %dma_start3A_84] : memref<32x200x5x128xi32, #tpu.memory_space<hbm>> -> memref<1x1x5x128xi32, #tpu.memory_space<hbm>>
      %dma_start3A_86 = tpu.memref_squeeze %dma_start3A_85 : memref<1x1x5x128xi32, #tpu.memory_space<hbm>> -> memref<5x128xi32, #tpu.memory_space<hbm>>
      %dma_start3A_87 = arith.constant 0 : i32
      %dma_start3A_88 = arith.constant 0 : i32
      %dma_start3A_89 = tpu.memref_slice %arg9[%run_scoped3A_3, %dma_start3A_87, %dma_start3A_88] : memref<2x5x128xi32, #tpu.memory_space<vmem>> -> memref<1x5x128xi32, #tpu.memory_space<vmem>>
      %dma_start3A_90 = tpu.memref_squeeze %dma_start3A_89 : memref<1x5x128xi32, #tpu.memory_space<vmem>> -> memref<5x128xi32, #tpu.memory_space<vmem>>
      %dma_start3A_91 = arith.constant 0 : i32
      %dma_start3A_92 = arith.constant 0 : i32
      %dma_start3A_93 = tpu.memref_slice %arg2[%add3A, %run_scoped3A, %dma_start3A_91, %dma_start3A_92] : memref<32x200x5x128xi32, #tpu.memory_space<hbm>> -> memref<1x1x5x128xi32, #tpu.memory_space<hbm>>
      %dma_start3A_94 = tpu.memref_squeeze %dma_start3A_93 : memref<1x1x5x128xi32, #tpu.memory_space<hbm>> -> memref<5x128xi32, #tpu.memory_space<hbm>>
      tpu.enqueue_dma source(%dma_start3A_94 : memref<5x128xi32, #tpu.memory_space<hbm>>) target(%dma_start3A_90 : memref<5x128xi32, #tpu.memory_space<vmem>>) target_semaphore(%run_scoped3A_78 : memref<!tpu.dma_semaphore, #tpu.memory_space<semaphore_mem>>)
      %dma_wait3A = arith.constant 0 : i32
      %dma_wait3A_95 = arith.constant 0 : i32
      %dma_wait3A_96 = tpu.memref_slice %arg9[%run_scoped3A_3, %dma_wait3A, %dma_wait3A_95] : memref<2x5x128xi32, #tpu.memory_space<vmem>> -> memref<1x5x128xi32, #tpu.memory_space<vmem>>
      %dma_wait3A_97 = tpu.memref_squeeze %dma_wait3A_96 : memref<1x5x128xi32, #tpu.memory_space<vmem>> -> memref<5x128xi32, #tpu.memory_space<vmem>>
      %dma_wait3A_98 = arith.constant 0 : i32
      %dma_wait3A_99 = arith.constant 0 : i32
      %dma_wait3A_100 = tpu.memref_slice %arg2[%add3A, %run_scoped3A, %dma_wait3A_98, %dma_wait3A_99] : memref<32x200x5x128xi32, #tpu.memory_space<hbm>> -> memref<1x1x5x128xi32, #tpu.memory_space<hbm>>
      %dma_wait3A_101 = tpu.memref_squeeze %dma_wait3A_100 : memref<1x1x5x128xi32, #tpu.memory_space<hbm>> -> memref<5x128xi32, #tpu.memory_space<hbm>>
      %dma_wait3A_102 = arith.constant 0 : i32
      %dma_wait3A_103 = arith.constant 0 : i32
      %dma_wait3A_104 = tpu.memref_slice %arg9[%run_scoped3A_3, %dma_wait3A_102, %dma_wait3A_103] : memref<2x5x128xi32, #tpu.memory_space<vmem>> -> memref<1x5x128xi32, #tpu.memory_space<vmem>>
      %dma_wait3A_105 = tpu.memref_squeeze %dma_wait3A_104 : memref<1x5x128xi32, #tpu.memory_space<vmem>> -> memref<5x128xi32, #tpu.memory_space<vmem>>
      %dma_wait3A_106 = arith.constant 0 : i32
      %dma_wait3A_107 = arith.constant 0 : i32
      %dma_wait3A_108 = tpu.memref_slice %arg2[%add3A, %run_scoped3A, %dma_wait3A_106, %dma_wait3A_107] : memref<32x200x5x128xi32, #tpu.memory_space<hbm>> -> memref<1x1x5x128xi32, #tpu.memory_space<hbm>>
      %dma_wait3A_109 = tpu.memref_squeeze %dma_wait3A_108 : memref<1x1x5x128xi32, #tpu.memory_space<hbm>> -> memref<5x128xi32, #tpu.memory_space<hbm>>
      tpu.wait_dma2 semaphore(%run_scoped3A_78 : memref<!tpu.dma_semaphore, #tpu.memory_space<semaphore_mem>>) src(%dma_wait3A_109 : memref<5x128xi32, #tpu.memory_space<hbm>>) dst(%dma_wait3A_105 : memref<5x128xi32, #tpu.memory_space<vmem>>)
      tpu.yield
    }) : () -> ()
    %dma_start3A = arith.constant 0 : i32
    %dma_start3A_4 = arith.constant 0 : i32
    %dma_start3A_5 = arith.constant 0 : i32
    %dma_start3A_6 = arith.constant 0 : i32
    %dma_start3A_7 = arith.constant 0 : i32
    %dma_start3A_8 = arith.constant 0 : i32
    %dma_start3A_9 = tpu.memref_slice %arg10[%dma_start3A_5, %dma_start3A_6, %dma_start3A_7, %dma_start3A_8] : memref<2x5x128x64xbf16, #tpu.memory_space<vmem>> -> memref<1x1x128x64xbf16, #tpu.memory_space<vmem>>
    %dma_start3A_10 = tpu.memref_squeeze %dma_start3A_9 : memref<1x1x128x64xbf16, #tpu.memory_space<vmem>> -> memref<128x64xbf16, #tpu.memory_space<vmem>>
    %dma_start3A_11 = arith.constant 0 : i32
    %dma_start3A_12 = tpu.memref_slice %arg9[%dma_start3A, %dma_start3A_4, %dma_start3A_11] : memref<2x5x128xi32, #tpu.memory_space<vmem>> -> memref<1x1x128xi32, #tpu.memory_space<vmem>>
    %dma_start3A_13 = tpu.memref_squeeze %dma_start3A_12 : memref<1x1x128xi32, #tpu.memory_space<vmem>> -> memref<128xi32, #tpu.memory_space<vmem>>
    %dma_start3A_14 = arith.constant 0 : i32
    %dma_start3A_15 = arith.constant 0 : i32
    %dma_start3A_16 = tpu.memref_slice %arg3[%dma_start3A_14, %dma_start3A_15] : memref<514x64xbf16, #tpu.memory_space<hbm>> -> memref<514x64xbf16, #tpu.memory_space<hbm>>
    tpu.enqueue_indirect_dma source(%dma_start3A_16 : memref<514x64xbf16, #tpu.memory_space<hbm>>) target(%dma_start3A_10 : memref<128x64xbf16, #tpu.memory_space<vmem>>) offsets(%dma_start3A_13 : memref<128xi32, #tpu.memory_space<vmem>>) semaphore(%arg12 : memref<!tpu.dma_semaphore, #tpu.memory_space<semaphore_mem>>)
    %dma_start3A_17 = arith.constant 0 : i32
    %dma_start3A_18 = arith.constant 1 : i32
    %dma_start3A_19 = arith.constant 0 : i32
    %dma_start3A_20 = arith.constant 1 : i32
    %dma_start3A_21 = arith.constant 0 : i32
    %dma_start3A_22 = arith.constant 0 : i32
    %dma_start3A_23 = tpu.memref_slice %arg10[%dma_start3A_19, %dma_start3A_20, %dma_start3A_21, %dma_start3A_22] : memref<2x5x128x64xbf16, #tpu.memory_space<vmem>> -> memref<1x1x128x64xbf16, #tpu.memory_space<vmem>>
    %dma_start3A_24 = tpu.memref_squeeze %dma_start3A_23 : memref<1x1x128x64xbf16, #tpu.memory_space<vmem>> -> memref<128x64xbf16, #tpu.memory_space<vmem>>
    %dma_start3A_25 = arith.constant 0 : i32
    %dma_start3A_26 = tpu.memref_slice %arg9[%dma_start3A_17, %dma_start3A_18, %dma_start3A_25] : memref<2x5x128xi32, #tpu.memory_space<vmem>> -> memref<1x1x128xi32, #tpu.memory_space<vmem>>
    %dma_start3A_27 = tpu.memref_squeeze %dma_start3A_26 : memref<1x1x128xi32, #tpu.memory_space<vmem>> -> memref<128xi32, #tpu.memory_space<vmem>>
    %dma_start3A_28 = arith.constant 0 : i32
    %dma_start3A_29 = arith.constant 0 : i32
    %dma_start3A_30 = tpu.memref_slice %arg4[%dma_start3A_28, %dma_start3A_29] : memref<514x64xbf16, #tpu.memory_space<hbm>> -> memref<514x64xbf16, #tpu.memory_space<hbm>>
    tpu.enqueue_indirect_dma source(%dma_start3A_30 : memref<514x64xbf16, #tpu.memory_space<hbm>>) target(%dma_start3A_24 : memref<128x64xbf16, #tpu.memory_space<vmem>>) offsets(%dma_start3A_27 : memref<128xi32, #tpu.memory_space<vmem>>) semaphore(%arg12 : memref<!tpu.dma_semaphore, #tpu.memory_space<semaphore_mem>>)
    %dma_start3A_31 = arith.constant 0 : i32
    %dma_start3A_32 = arith.constant 2 : i32
    %dma_start3A_33 = arith.constant 0 : i32
    %dma_start3A_34 = arith.constant 2 : i32
    %dma_start3A_35 = arith.constant 0 : i32
    %dma_start3A_36 = arith.constant 0 : i32
    %dma_start3A_37 = tpu.memref_slice %arg10[%dma_start3A_33, %dma_start3A_34, %dma_start3A_35, %dma_start3A_36] : memref<2x5x128x64xbf16, #tpu.memory_space<vmem>> -> memref<1x1x128x64xbf16, #tpu.memory_space<vmem>>
    %dma_start3A_38 = tpu.memref_squeeze %dma_start3A_37 : memref<1x1x128x64xbf16, #tpu.memory_space<vmem>> -> memref<128x64xbf16, #tpu.memory_space<vmem>>
    %dma_start3A_39 = arith.constant 0 : i32
    %dma_start3A_40 = tpu.memref_slice %arg9[%dma_start3A_31, %dma_start3A_32, %dma_start3A_39] : memref<2x5x128xi32, #tpu.memory_space<vmem>> -> memref<1x1x128xi32, #tpu.memory_space<vmem>>
    %dma_start3A_41 = tpu.memref_squeeze %dma_start3A_40 : memref<1x1x128xi32, #tpu.memory_space<vmem>> -> memref<128xi32, #tpu.memory_space<vmem>>
    %dma_start3A_42 = arith.constant 0 : i32
    %dma_start3A_43 = arith.constant 0 : i32
    %dma_start3A_44 = tpu.memref_slice %arg5[%dma_start3A_42, %dma_start3A_43] : memref<514x64xbf16, #tpu.memory_space<hbm>> -> memref<514x64xbf16, #tpu.memory_space<hbm>>
    tpu.enqueue_indirect_dma source(%dma_start3A_44 : memref<514x64xbf16, #tpu.memory_space<hbm>>) target(%dma_start3A_38 : memref<128x64xbf16, #tpu.memory_space<vmem>>) offsets(%dma_start3A_41 : memref<128xi32, #tpu.memory_space<vmem>>) semaphore(%arg12 : memref<!tpu.dma_semaphore, #tpu.memory_space<semaphore_mem>>)
    %dma_start3A_45 = arith.constant 0 : i32
    %dma_start3A_46 = arith.constant 3 : i32
    %dma_start3A_47 = arith.constant 0 : i32
    %dma_start3A_48 = arith.constant 3 : i32
    %dma_start3A_49 = arith.constant 0 : i32
    %dma_start3A_50 = arith.constant 0 : i32
    %dma_start3A_51 = tpu.memref_slice %arg10[%dma_start3A_47, %dma_start3A_48, %dma_start3A_49, %dma_start3A_50] : memref<2x5x128x64xbf16, #tpu.memory_space<vmem>> -> memref<1x1x128x64xbf16, #tpu.memory_space<vmem>>
    %dma_start3A_52 = tpu.memref_squeeze %dma_start3A_51 : memref<1x1x128x64xbf16, #tpu.memory_space<vmem>> -> memref<128x64xbf16, #tpu.memory_space<vmem>>
    %dma_start3A_53 = arith.constant 0 : i32
    %dma_start3A_54 = tpu.memref_slice %arg9[%dma_start3A_45, %dma_start3A_46, %dma_start3A_53] : memref<2x5x128xi32, #tpu.memory_space<vmem>> -> memref<1x1x128xi32, #tpu.memory_space<vmem>>
    %dma_start3A_55 = tpu.memref_squeeze %dma_start3A_54 : memref<1x1x128xi32, #tpu.memory_space<vmem>> -> memref<128xi32, #tpu.memory_space<vmem>>
    %dma_start3A_56 = arith.constant 0 : i32
    %dma_start3A_57 = arith.constant 0 : i32
    %dma_start3A_58 = tpu.memref_slice %arg6[%dma_start3A_56, %dma_start3A_57] : memref<1001x64xbf16, #tpu.memory_space<hbm>> -> memref<1001x64xbf16, #tpu.memory_space<hbm>>
    tpu.enqueue_indirect_dma source(%dma_start3A_58 : memref<1001x64xbf16, #tpu.memory_space<hbm>>) target(%dma_start3A_52 : memref<128x64xbf16, #tpu.memory_space<vmem>>) offsets(%dma_start3A_55 : memref<128xi32, #tpu.memory_space<vmem>>) semaphore(%arg12 : memref<!tpu.dma_semaphore, #tpu.memory_space<semaphore_mem>>)
    %dma_start3A_59 = arith.constant 0 : i32
    %dma_start3A_60 = arith.constant 4 : i32
    %dma_start3A_61 = arith.constant 0 : i32
    %dma_start3A_62 = arith.constant 4 : i32
    %dma_start3A_63 = arith.constant 0 : i32
    %dma_start3A_64 = arith.constant 0 : i32
    %dma_start3A_65 = tpu.memref_slice %arg10[%dma_start3A_61, %dma_start3A_62, %dma_start3A_63, %dma_start3A_64] : memref<2x5x128x64xbf16, #tpu.memory_space<vmem>> -> memref<1x1x128x64xbf16, #tpu.memory_space<vmem>>
    %dma_start3A_66 = tpu.memref_squeeze %dma_start3A_65 : memref<1x1x128x64xbf16, #tpu.memory_space<vmem>> -> memref<128x64xbf16, #tpu.memory_space<vmem>>
    %dma_start3A_67 = arith.constant 0 : i32
    %dma_start3A_68 = tpu.memref_slice %arg9[%dma_start3A_59, %dma_start3A_60, %dma_start3A_67] : memref<2x5x128xi32, #tpu.memory_space<vmem>> -> memref<1x1x128xi32, #tpu.memory_space<vmem>>
    %dma_start3A_69 = tpu.memref_squeeze %dma_start3A_68 : memref<1x1x128xi32, #tpu.memory_space<vmem>> -> memref<128xi32, #tpu.memory_space<vmem>>
    %dma_start3A_70 = arith.constant 0 : i32
    %dma_start3A_71 = arith.constant 0 : i32
    %dma_start3A_72 = tpu.memref_slice %arg7[%dma_start3A_70, %dma_start3A_71] : memref<1001x64xbf16, #tpu.memory_space<hbm>> -> memref<1001x64xbf16, #tpu.memory_space<hbm>>
    tpu.enqueue_indirect_dma source(%dma_start3A_72 : memref<1001x64xbf16, #tpu.memory_space<hbm>>) target(%dma_start3A_66 : memref<128x64xbf16, #tpu.memory_space<vmem>>) offsets(%dma_start3A_69 : memref<128xi32, #tpu.memory_space<vmem>>) semaphore(%arg12 : memref<!tpu.dma_semaphore, #tpu.memory_space<semaphore_mem>>)
    %scan3A = arith.constant 0 : i32
    %scan3A_73 = arith.constant 0 : i32
    %scan3A_74 = arith.constant 100 : i32
    %scan3A_75 = arith.addi %scan3A_73, %scan3A_74 : i32
    %scan3A_76 = arith.constant 1 : i32
    scf.for %scan3A_78 = %scan3A_73 to %scan3A_75 step %scan3A_76  : i32 {
      %mul3A_79 = arith.constant 2 : i32
      %mul3A_80 = arith.muli %mul3A_79, %scan3A_78 : i32
      %add3A_81 = arith.constant 1 : i32
      %add3A_82 = arith.addi %mul3A_80, %add3A_81 : i32
      %lt3A = arith.constant 200 : i32
      %lt3A_83 = arith.cmpi slt, %add3A_82, %lt3A : i32
      %convert_element_type3A = arith.extui %lt3A_83 : i1 to i32
      %cond3A = arith.constant 0 : i32
      %cond3A_84 = arith.cmpi ne, %convert_element_type3A, %cond3A : i32
      scf.if %cond3A_84 {
        %add3A_248 = arith.constant 1 : i32
        %add3A_249 = arith.addi %mul3A_80, %add3A_248 : i32
        %run_scoped3A_250 = arith.constant 1 : i32
        "tpu.region"() ({
          %run_scoped3A_321 = tpu.sem_alloc : memref<!tpu.dma_semaphore, #tpu.memory_space<semaphore_mem>>
          %dma_start3A_322 = arith.constant 0 : i32
          %dma_start3A_323 = arith.constant 0 : i32
          %dma_start3A_324 = tpu.memref_slice %arg9[%run_scoped3A_250, %dma_start3A_322, %dma_start3A_323] : memref<2x5x128xi32, #tpu.memory_space<vmem>> -> memref<1x5x128xi32, #tpu.memory_space<vmem>>
          %dma_start3A_325 = tpu.memref_squeeze %dma_start3A_324 : memref<1x5x128xi32, #tpu.memory_space<vmem>> -> memref<5x128xi32, #tpu.memory_space<vmem>>
          %dma_start3A_326 = arith.constant 0 : i32
          %dma_start3A_327 = arith.constant 0 : i32
          %dma_start3A_328 = tpu.memref_slice %arg2[%add3A, %add3A_249, %dma_start3A_326, %dma_start3A_327] : memref<32x200x5x128xi32, #tpu.memory_space<hbm>> -> memref<1x1x5x128xi32, #tpu.memory_space<hbm>>
          %dma_start3A_329 = tpu.memref_squeeze %dma_start3A_328 : memref<1x1x5x128xi32, #tpu.memory_space<hbm>> -> memref<5x128xi32, #tpu.memory_space<hbm>>
          %dma_start3A_330 = arith.constant 0 : i32
          %dma_start3A_331 = arith.constant 0 : i32
          %dma_start3A_332 = tpu.memref_slice %arg9[%run_scoped3A_250, %dma_start3A_330, %dma_start3A_331] : memref<2x5x128xi32, #tpu.memory_space<vmem>> -> memref<1x5x128xi32, #tpu.memory_space<vmem>>
          %dma_start3A_333 = tpu.memref_squeeze %dma_start3A_332 : memref<1x5x128xi32, #tpu.memory_space<vmem>> -> memref<5x128xi32, #tpu.memory_space<vmem>>
          %dma_start3A_334 = arith.constant 0 : i32
          %dma_start3A_335 = arith.constant 0 : i32
          %dma_start3A_336 = tpu.memref_slice %arg2[%add3A, %add3A_249, %dma_start3A_334, %dma_start3A_335] : memref<32x200x5x128xi32, #tpu.memory_space<hbm>> -> memref<1x1x5x128xi32, #tpu.memory_space<hbm>>
          %dma_start3A_337 = tpu.memref_squeeze %dma_start3A_336 : memref<1x1x5x128xi32, #tpu.memory_space<hbm>> -> memref<5x128xi32, #tpu.memory_space<hbm>>
          tpu.enqueue_dma source(%dma_start3A_337 : memref<5x128xi32, #tpu.memory_space<hbm>>) target(%dma_start3A_333 : memref<5x128xi32, #tpu.memory_space<vmem>>) target_semaphore(%run_scoped3A_321 : memref<!tpu.dma_semaphore, #tpu.memory_space<semaphore_mem>>)
          %dma_wait3A_338 = arith.constant 0 : i32
          %dma_wait3A_339 = arith.constant 0 : i32
          %dma_wait3A_340 = tpu.memref_slice %arg9[%run_scoped3A_250, %dma_wait3A_338, %dma_wait3A_339] : memref<2x5x128xi32, #tpu.memory_space<vmem>> -> memref<1x5x128xi32, #tpu.memory_space<vmem>>
          %dma_wait3A_341 = tpu.memref_squeeze %dma_wait3A_340 : memref<1x5x128xi32, #tpu.memory_space<vmem>> -> memref<5x128xi32, #tpu.memory_space<vmem>>
          %dma_wait3A_342 = arith.constant 0 : i32
          %dma_wait3A_343 = arith.constant 0 : i32
          %dma_wait3A_344 = tpu.memref_slice %arg2[%add3A, %add3A_249, %dma_wait3A_342, %dma_wait3A_343] : memref<32x200x5x128xi32, #tpu.memory_space<hbm>> -> memref<1x1x5x128xi32, #tpu.memory_space<hbm>>
          %dma_wait3A_345 = tpu.memref_squeeze %dma_wait3A_344 : memref<1x1x5x128xi32, #tpu.memory_space<hbm>> -> memref<5x128xi32, #tpu.memory_space<hbm>>
          %dma_wait3A_346 = arith.constant 0 : i32
          %dma_wait3A_347 = arith.constant 0 : i32
          %dma_wait3A_348 = tpu.memref_slice %arg9[%run_scoped3A_250, %dma_wait3A_346, %dma_wait3A_347] : memref<2x5x128xi32, #tpu.memory_space<vmem>> -> memref<1x5x128xi32, #tpu.memory_space<vmem>>
          %dma_wait3A_349 = tpu.memref_squeeze %dma_wait3A_348 : memref<1x5x128xi32, #tpu.memory_space<vmem>> -> memref<5x128xi32, #tpu.memory_space<vmem>>
          %dma_wait3A_350 = arith.constant 0 : i32
          %dma_wait3A_351 = arith.constant 0 : i32
          %dma_wait3A_352 = tpu.memref_slice %arg2[%add3A, %add3A_249, %dma_wait3A_350, %dma_wait3A_351] : memref<32x200x5x128xi32, #tpu.memory_space<hbm>> -> memref<1x1x5x128xi32, #tpu.memory_space<hbm>>
          %dma_wait3A_353 = tpu.memref_squeeze %dma_wait3A_352 : memref<1x1x5x128xi32, #tpu.memory_space<hbm>> -> memref<5x128xi32, #tpu.memory_space<hbm>>
          tpu.wait_dma2 semaphore(%run_scoped3A_321 : memref<!tpu.dma_semaphore, #tpu.memory_space<semaphore_mem>>) src(%dma_wait3A_353 : memref<5x128xi32, #tpu.memory_space<hbm>>) dst(%dma_wait3A_349 : memref<5x128xi32, #tpu.memory_space<vmem>>)
          tpu.yield
        }) : () -> ()
        %dma_start3A_251 = arith.constant 1 : i32
        %dma_start3A_252 = arith.constant 0 : i32
        %dma_start3A_253 = arith.constant 1 : i32
        %dma_start3A_254 = arith.constant 0 : i32
        %dma_start3A_255 = arith.constant 0 : i32
        %dma_start3A_256 = arith.constant 0 : i32
        %dma_start3A_257 = tpu.memref_slice %arg10[%dma_start3A_253, %dma_start3A_254, %dma_start3A_255, %dma_start3A_256] : memref<2x5x128x64xbf16, #tpu.memory_space<vmem>> -> memref<1x1x128x64xbf16, #tpu.memory_space<vmem>>
        %dma_start3A_258 = tpu.memref_squeeze %dma_start3A_257 : memref<1x1x128x64xbf16, #tpu.memory_space<vmem>> -> memref<128x64xbf16, #tpu.memory_space<vmem>>
        %dma_start3A_259 = arith.constant 0 : i32
        %dma_start3A_260 = tpu.memref_slice %arg9[%dma_start3A_251, %dma_start3A_252, %dma_start3A_259] : memref<2x5x128xi32, #tpu.memory_space<vmem>> -> memref<1x1x128xi32, #tpu.memory_space<vmem>>
        %dma_start3A_261 = tpu.memref_squeeze %dma_start3A_260 : memref<1x1x128xi32, #tpu.memory_space<vmem>> -> memref<128xi32, #tpu.memory_space<vmem>>
        %dma_start3A_262 = arith.constant 0 : i32
        %dma_start3A_263 = arith.constant 0 : i32
        %dma_start3A_264 = tpu.memref_slice %arg3[%dma_start3A_262, %dma_start3A_263] : memref<514x64xbf16, #tpu.memory_space<hbm>> -> memref<514x64xbf16, #tpu.memory_space<hbm>>
        tpu.enqueue_indirect_dma source(%dma_start3A_264 : memref<514x64xbf16, #tpu.memory_space<hbm>>) target(%dma_start3A_258 : memref<128x64xbf16, #tpu.memory_space<vmem>>) offsets(%dma_start3A_261 : memref<128xi32, #tpu.memory_space<vmem>>) semaphore(%arg13 : memref<!tpu.dma_semaphore, #tpu.memory_space<semaphore_mem>>)
        %dma_start3A_265 = arith.constant 1 : i32
        %dma_start3A_266 = arith.constant 1 : i32
        %dma_start3A_267 = arith.constant 1 : i32
        %dma_start3A_268 = arith.constant 1 : i32
        %dma_start3A_269 = arith.constant 0 : i32
        %dma_start3A_270 = arith.constant 0 : i32
        %dma_start3A_271 = tpu.memref_slice %arg10[%dma_start3A_267, %dma_start3A_268, %dma_start3A_269, %dma_start3A_270] : memref<2x5x128x64xbf16, #tpu.memory_space<vmem>> -> memref<1x1x128x64xbf16, #tpu.memory_space<vmem>>
        %dma_start3A_272 = tpu.memref_squeeze %dma_start3A_271 : memref<1x1x128x64xbf16, #tpu.memory_space<vmem>> -> memref<128x64xbf16, #tpu.memory_space<vmem>>
        %dma_start3A_273 = arith.constant 0 : i32
        %dma_start3A_274 = tpu.memref_slice %arg9[%dma_start3A_265, %dma_start3A_266, %dma_start3A_273] : memref<2x5x128xi32, #tpu.memory_space<vmem>> -> memref<1x1x128xi32, #tpu.memory_space<vmem>>
        %dma_start3A_275 = tpu.memref_squeeze %dma_start3A_274 : memref<1x1x128xi32, #tpu.memory_space<vmem>> -> memref<128xi32, #tpu.memory_space<vmem>>
        %dma_start3A_276 = arith.constant 0 : i32
        %dma_start3A_277 = arith.constant 0 : i32
        %dma_start3A_278 = tpu.memref_slice %arg4[%dma_start3A_276, %dma_start3A_277] : memref<514x64xbf16, #tpu.memory_space<hbm>> -> memref<514x64xbf16, #tpu.memory_space<hbm>>
        tpu.enqueue_indirect_dma source(%dma_start3A_278 : memref<514x64xbf16, #tpu.memory_space<hbm>>) target(%dma_start3A_272 : memref<128x64xbf16, #tpu.memory_space<vmem>>) offsets(%dma_start3A_275 : memref<128xi32, #tpu.memory_space<vmem>>) semaphore(%arg13 : memref<!tpu.dma_semaphore, #tpu.memory_space<semaphore_mem>>)
        %dma_start3A_279 = arith.constant 1 : i32
        %dma_start3A_280 = arith.constant 2 : i32
        %dma_start3A_281 = arith.constant 1 : i32
        %dma_start3A_282 = arith.constant 2 : i32
        %dma_start3A_283 = arith.constant 0 : i32
        %dma_start3A_284 = arith.constant 0 : i32
        %dma_start3A_285 = tpu.memref_slice %arg10[%dma_start3A_281, %dma_start3A_282, %dma_start3A_283, %dma_start3A_284] : memref<2x5x128x64xbf16, #tpu.memory_space<vmem>> -> memref<1x1x128x64xbf16, #tpu.memory_space<vmem>>
        %dma_start3A_286 = tpu.memref_squeeze %dma_start3A_285 : memref<1x1x128x64xbf16, #tpu.memory_space<vmem>> -> memref<128x64xbf16, #tpu.memory_space<vmem>>
        %dma_start3A_287 = arith.constant 0 : i32
        %dma_start3A_288 = tpu.memref_slice %arg9[%dma_start3A_279, %dma_start3A_280, %dma_start3A_287] : memref<2x5x128xi32, #tpu.memory_space<vmem>> -> memref<1x1x128xi32, #tpu.memory_space<vmem>>
        %dma_start3A_289 = tpu.memref_squeeze %dma_start3A_288 : memref<1x1x128xi32, #tpu.memory_space<vmem>> -> memref<128xi32, #tpu.memory_space<vmem>>
        %dma_start3A_290 = arith.constant 0 : i32
        %dma_start3A_291 = arith.constant 0 : i32
        %dma_start3A_292 = tpu.memref_slice %arg5[%dma_start3A_290, %dma_start3A_291] : memref<514x64xbf16, #tpu.memory_space<hbm>> -> memref<514x64xbf16, #tpu.memory_space<hbm>>
        tpu.enqueue_indirect_dma source(%dma_start3A_292 : memref<514x64xbf16, #tpu.memory_space<hbm>>) target(%dma_start3A_286 : memref<128x64xbf16, #tpu.memory_space<vmem>>) offsets(%dma_start3A_289 : memref<128xi32, #tpu.memory_space<vmem>>) semaphore(%arg13 : memref<!tpu.dma_semaphore, #tpu.memory_space<semaphore_mem>>)
        %dma_start3A_293 = arith.constant 1 : i32
        %dma_start3A_294 = arith.constant 3 : i32
        %dma_start3A_295 = arith.constant 1 : i32
        %dma_start3A_296 = arith.constant 3 : i32
        %dma_start3A_297 = arith.constant 0 : i32
        %dma_start3A_298 = arith.constant 0 : i32
        %dma_start3A_299 = tpu.memref_slice %arg10[%dma_start3A_295, %dma_start3A_296, %dma_start3A_297, %dma_start3A_298] : memref<2x5x128x64xbf16, #tpu.memory_space<vmem>> -> memref<1x1x128x64xbf16, #tpu.memory_space<vmem>>
        %dma_start3A_300 = tpu.memref_squeeze %dma_start3A_299 : memref<1x1x128x64xbf16, #tpu.memory_space<vmem>> -> memref<128x64xbf16, #tpu.memory_space<vmem>>
        %dma_start3A_301 = arith.constant 0 : i32
        %dma_start3A_302 = tpu.memref_slice %arg9[%dma_start3A_293, %dma_start3A_294, %dma_start3A_301] : memref<2x5x128xi32, #tpu.memory_space<vmem>> -> memref<1x1x128xi32, #tpu.memory_space<vmem>>
        %dma_start3A_303 = tpu.memref_squeeze %dma_start3A_302 : memref<1x1x128xi32, #tpu.memory_space<vmem>> -> memref<128xi32, #tpu.memory_space<vmem>>
        %dma_start3A_304 = arith.constant 0 : i32
        %dma_start3A_305 = arith.constant 0 : i32
        %dma_start3A_306 = tpu.memref_slice %arg6[%dma_start3A_304, %dma_start3A_305] : memref<1001x64xbf16, #tpu.memory_space<hbm>> -> memref<1001x64xbf16, #tpu.memory_space<hbm>>
        tpu.enqueue_indirect_dma source(%dma_start3A_306 : memref<1001x64xbf16, #tpu.memory_space<hbm>>) target(%dma_start3A_300 : memref<128x64xbf16, #tpu.memory_space<vmem>>) offsets(%dma_start3A_303 : memref<128xi32, #tpu.memory_space<vmem>>) semaphore(%arg13 : memref<!tpu.dma_semaphore, #tpu.memory_space<semaphore_mem>>)
        %dma_start3A_307 = arith.constant 1 : i32
        %dma_start3A_308 = arith.constant 4 : i32
        %dma_start3A_309 = arith.constant 1 : i32
        %dma_start3A_310 = arith.constant 4 : i32
        %dma_start3A_311 = arith.constant 0 : i32
        %dma_start3A_312 = arith.constant 0 : i32
        %dma_start3A_313 = tpu.memref_slice %arg10[%dma_start3A_309, %dma_start3A_310, %dma_start3A_311, %dma_start3A_312] : memref<2x5x128x64xbf16, #tpu.memory_space<vmem>> -> memref<1x1x128x64xbf16, #tpu.memory_space<vmem>>
        %dma_start3A_314 = tpu.memref_squeeze %dma_start3A_313 : memref<1x1x128x64xbf16, #tpu.memory_space<vmem>> -> memref<128x64xbf16, #tpu.memory_space<vmem>>
        %dma_start3A_315 = arith.constant 0 : i32
        %dma_start3A_316 = tpu.memref_slice %arg9[%dma_start3A_307, %dma_start3A_308, %dma_start3A_315] : memref<2x5x128xi32, #tpu.memory_space<vmem>> -> memref<1x1x128xi32, #tpu.memory_space<vmem>>
        %dma_start3A_317 = tpu.memref_squeeze %dma_start3A_316 : memref<1x1x128xi32, #tpu.memory_space<vmem>> -> memref<128xi32, #tpu.memory_space<vmem>>
        %dma_start3A_318 = arith.constant 0 : i32
        %dma_start3A_319 = arith.constant 0 : i32
        %dma_start3A_320 = tpu.memref_slice %arg7[%dma_start3A_318, %dma_start3A_319] : memref<1001x64xbf16, #tpu.memory_space<hbm>> -> memref<1001x64xbf16, #tpu.memory_space<hbm>>
        tpu.enqueue_indirect_dma source(%dma_start3A_320 : memref<1001x64xbf16, #tpu.memory_space<hbm>>) target(%dma_start3A_314 : memref<128x64xbf16, #tpu.memory_space<vmem>>) offsets(%dma_start3A_317 : memref<128xi32, #tpu.memory_space<vmem>>) semaphore(%arg13 : memref<!tpu.dma_semaphore, #tpu.memory_space<semaphore_mem>>)
      } else {
      }
      %dma_wait3A = arith.constant 0 : i32
      %dma_wait3A_85 = arith.constant 0 : i32
      %dma_wait3A_86 = arith.constant 0 : i32
      %dma_wait3A_87 = arith.constant 0 : i32
      %dma_wait3A_88 = arith.constant 0 : i32
      %dma_wait3A_89 = arith.constant 0 : i32
      %dma_wait3A_90 = tpu.memref_slice %arg10[%dma_wait3A_86, %dma_wait3A_87, %dma_wait3A_88, %dma_wait3A_89] : memref<2x5x128x64xbf16, #tpu.memory_space<vmem>> -> memref<1x1x128x64xbf16, #tpu.memory_space<vmem>>
      %dma_wait3A_91 = tpu.memref_squeeze %dma_wait3A_90 : memref<1x1x128x64xbf16, #tpu.memory_space<vmem>> -> memref<128x64xbf16, #tpu.memory_space<vmem>>
      %dma_wait3A_92 = arith.constant 0 : i32
      %dma_wait3A_93 = tpu.memref_slice %arg9[%dma_wait3A, %dma_wait3A_85, %dma_wait3A_92] : memref<2x5x128xi32, #tpu.memory_space<vmem>> -> memref<1x1x128xi32, #tpu.memory_space<vmem>>
      %dma_wait3A_94 = tpu.memref_squeeze %dma_wait3A_93 : memref<1x1x128xi32, #tpu.memory_space<vmem>> -> memref<128xi32, #tpu.memory_space<vmem>>
      %dma_wait3A_95 = arith.constant 0 : i32
      %dma_wait3A_96 = arith.constant 0 : i32
      %dma_wait3A_97 = tpu.memref_slice %arg3[%dma_wait3A_95, %dma_wait3A_96] : memref<514x64xbf16, #tpu.memory_space<hbm>> -> memref<514x64xbf16, #tpu.memory_space<hbm>>
      tpu.wait_indirect_dma semaphore(%arg12 : memref<!tpu.dma_semaphore, #tpu.memory_space<semaphore_mem>>) src(%dma_wait3A_97 : memref<514x64xbf16, #tpu.memory_space<hbm>>) dst(%dma_wait3A_91 : memref<128x64xbf16, #tpu.memory_space<vmem>>)
      %dma_wait3A_98 = arith.constant 0 : i32
      %dma_wait3A_99 = arith.constant 1 : i32
      %dma_wait3A_100 = arith.constant 0 : i32
      %dma_wait3A_101 = arith.constant 1 : i32
      %dma_wait3A_102 = arith.constant 0 : i32
      %dma_wait3A_103 = arith.constant 0 : i32
      %dma_wait3A_104 = tpu.memref_slice %arg10[%dma_wait3A_100, %dma_wait3A_101, %dma_wait3A_102, %dma_wait3A_103] : memref<2x5x128x64xbf16, #tpu.memory_space<vmem>> -> memref<1x1x128x64xbf16, #tpu.memory_space<vmem>>
      %dma_wait3A_105 = tpu.memref_squeeze %dma_wait3A_104 : memref<1x1x128x64xbf16, #tpu.memory_space<vmem>> -> memref<128x64xbf16, #tpu.memory_space<vmem>>
      %dma_wait3A_106 = arith.constant 0 : i32
      %dma_wait3A_107 = tpu.memref_slice %arg9[%dma_wait3A_98, %dma_wait3A_99, %dma_wait3A_106] : memref<2x5x128xi32, #tpu.memory_space<vmem>> -> memref<1x1x128xi32, #tpu.memory_space<vmem>>
      %dma_wait3A_108 = tpu.memref_squeeze %dma_wait3A_107 : memref<1x1x128xi32, #tpu.memory_space<vmem>> -> memref<128xi32, #tpu.memory_space<vmem>>
      %dma_wait3A_109 = arith.constant 0 : i32
      %dma_wait3A_110 = arith.constant 0 : i32
      %dma_wait3A_111 = tpu.memref_slice %arg4[%dma_wait3A_109, %dma_wait3A_110] : memref<514x64xbf16, #tpu.memory_space<hbm>> -> memref<514x64xbf16, #tpu.memory_space<hbm>>
      tpu.wait_indirect_dma semaphore(%arg12 : memref<!tpu.dma_semaphore, #tpu.memory_space<semaphore_mem>>) src(%dma_wait3A_111 : memref<514x64xbf16, #tpu.memory_space<hbm>>) dst(%dma_wait3A_105 : memref<128x64xbf16, #tpu.memory_space<vmem>>)
      %dma_wait3A_112 = arith.constant 0 : i32
      %dma_wait3A_113 = arith.constant 2 : i32
      %dma_wait3A_114 = arith.constant 0 : i32
      %dma_wait3A_115 = arith.constant 2 : i32
      %dma_wait3A_116 = arith.constant 0 : i32
      %dma_wait3A_117 = arith.constant 0 : i32
      %dma_wait3A_118 = tpu.memref_slice %arg10[%dma_wait3A_114, %dma_wait3A_115, %dma_wait3A_116, %dma_wait3A_117] : memref<2x5x128x64xbf16, #tpu.memory_space<vmem>> -> memref<1x1x128x64xbf16, #tpu.memory_space<vmem>>
      %dma_wait3A_119 = tpu.memref_squeeze %dma_wait3A_118 : memref<1x1x128x64xbf16, #tpu.memory_space<vmem>> -> memref<128x64xbf16, #tpu.memory_space<vmem>>
      %dma_wait3A_120 = arith.constant 0 : i32
      %dma_wait3A_121 = tpu.memref_slice %arg9[%dma_wait3A_112, %dma_wait3A_113, %dma_wait3A_120] : memref<2x5x128xi32, #tpu.memory_space<vmem>> -> memref<1x1x128xi32, #tpu.memory_space<vmem>>
      %dma_wait3A_122 = tpu.memref_squeeze %dma_wait3A_121 : memref<1x1x128xi32, #tpu.memory_space<vmem>> -> memref<128xi32, #tpu.memory_space<vmem>>
      %dma_wait3A_123 = arith.constant 0 : i32
      %dma_wait3A_124 = arith.constant 0 : i32
      %dma_wait3A_125 = tpu.memref_slice %arg5[%dma_wait3A_123, %dma_wait3A_124] : memref<514x64xbf16, #tpu.memory_space<hbm>> -> memref<514x64xbf16, #tpu.memory_space<hbm>>
      tpu.wait_indirect_dma semaphore(%arg12 : memref<!tpu.dma_semaphore, #tpu.memory_space<semaphore_mem>>) src(%dma_wait3A_125 : memref<514x64xbf16, #tpu.memory_space<hbm>>) dst(%dma_wait3A_119 : memref<128x64xbf16, #tpu.memory_space<vmem>>)
      %dma_wait3A_126 = arith.constant 0 : i32
      %dma_wait3A_127 = arith.constant 3 : i32
      %dma_wait3A_128 = arith.constant 0 : i32
      %dma_wait3A_129 = arith.constant 3 : i32
      %dma_wait3A_130 = arith.constant 0 : i32
      %dma_wait3A_131 = arith.constant 0 : i32
      %dma_wait3A_132 = tpu.memref_slice %arg10[%dma_wait3A_128, %dma_wait3A_129, %dma_wait3A_130, %dma_wait3A_131] : memref<2x5x128x64xbf16, #tpu.memory_space<vmem>> -> memref<1x1x128x64xbf16, #tpu.memory_space<vmem>>
      %dma_wait3A_133 = tpu.memref_squeeze %dma_wait3A_132 : memref<1x1x128x64xbf16, #tpu.memory_space<vmem>> -> memref<128x64xbf16, #tpu.memory_space<vmem>>
      %dma_wait3A_134 = arith.constant 0 : i32
      %dma_wait3A_135 = tpu.memref_slice %arg9[%dma_wait3A_126, %dma_wait3A_127, %dma_wait3A_134] : memref<2x5x128xi32, #tpu.memory_space<vmem>> -> memref<1x1x128xi32, #tpu.memory_space<vmem>>
      %dma_wait3A_136 = tpu.memref_squeeze %dma_wait3A_135 : memref<1x1x128xi32, #tpu.memory_space<vmem>> -> memref<128xi32, #tpu.memory_space<vmem>>
      %dma_wait3A_137 = arith.constant 0 : i32
      %dma_wait3A_138 = arith.constant 0 : i32
      %dma_wait3A_139 = tpu.memref_slice %arg6[%dma_wait3A_137, %dma_wait3A_138] : memref<1001x64xbf16, #tpu.memory_space<hbm>> -> memref<1001x64xbf16, #tpu.memory_space<hbm>>
      tpu.wait_indirect_dma semaphore(%arg12 : memref<!tpu.dma_semaphore, #tpu.memory_space<semaphore_mem>>) src(%dma_wait3A_139 : memref<1001x64xbf16, #tpu.memory_space<hbm>>) dst(%dma_wait3A_133 : memref<128x64xbf16, #tpu.memory_space<vmem>>)
      %dma_wait3A_140 = arith.constant 0 : i32
      %dma_wait3A_141 = arith.constant 4 : i32
      %dma_wait3A_142 = arith.constant 0 : i32
      %dma_wait3A_143 = arith.constant 4 : i32
      %dma_wait3A_144 = arith.constant 0 : i32
      %dma_wait3A_145 = arith.constant 0 : i32
      %dma_wait3A_146 = tpu.memref_slice %arg10[%dma_wait3A_142, %dma_wait3A_143, %dma_wait3A_144, %dma_wait3A_145] : memref<2x5x128x64xbf16, #tpu.memory_space<vmem>> -> memref<1x1x128x64xbf16, #tpu.memory_space<vmem>>
      %dma_wait3A_147 = tpu.memref_squeeze %dma_wait3A_146 : memref<1x1x128x64xbf16, #tpu.memory_space<vmem>> -> memref<128x64xbf16, #tpu.memory_space<vmem>>
      %dma_wait3A_148 = arith.constant 0 : i32
      %dma_wait3A_149 = tpu.memref_slice %arg9[%dma_wait3A_140, %dma_wait3A_141, %dma_wait3A_148] : memref<2x5x128xi32, #tpu.memory_space<vmem>> -> memref<1x1x128xi32, #tpu.memory_space<vmem>>
      %dma_wait3A_150 = tpu.memref_squeeze %dma_wait3A_149 : memref<1x1x128xi32, #tpu.memory_space<vmem>> -> memref<128xi32, #tpu.memory_space<vmem>>
      %dma_wait3A_151 = arith.constant 0 : i32
      %dma_wait3A_152 = arith.constant 0 : i32
      %dma_wait3A_153 = tpu.memref_slice %arg7[%dma_wait3A_151, %dma_wait3A_152] : memref<1001x64xbf16, #tpu.memory_space<hbm>> -> memref<1001x64xbf16, #tpu.memory_space<hbm>>
      tpu.wait_indirect_dma semaphore(%arg12 : memref<!tpu.dma_semaphore, #tpu.memory_space<semaphore_mem>>) src(%dma_wait3A_153 : memref<1001x64xbf16, #tpu.memory_space<hbm>>) dst(%dma_wait3A_147 : memref<128x64xbf16, #tpu.memory_space<vmem>>)
      %parallel_loop3A = arith.constant 0 : i32
      %parallel_loop3A_154 = arith.constant 128 : i32
      %parallel_loop3A_155 = arith.constant 4 : i32
      scf.for %parallel_loop3A_248 = %parallel_loop3A to %parallel_loop3A_154 step %parallel_loop3A_155  : i32 {
        %parallel_loop3A_249 = arith.constant 0 : i32
        %parallel_loop3A_250 = arith.addi %parallel_loop3A_248, %parallel_loop3A_249 : i32
        %parallel_loop3A_251 = arith.constant 0 : i32
        %parallel_loop3A_252 = arith.constant 0 : i32
        %parallel_loop3A_253 = arith.index_cast %parallel_loop3A_251 : i32 to index
        %parallel_loop3A_254 = arith.index_cast %parallel_loop3A_252 : i32 to index
        %parallel_loop3A_255 = arith.index_cast %parallel_loop3A_250 : i32 to index
        %parallel_loop3A_256 = arith.constant 0 : index
        %parallel_loop3A_257 = tpu.vector_load %arg10[%parallel_loop3A_253, %parallel_loop3A_254, %parallel_loop3A_255, %parallel_loop3A_256] {strides = array<i32>} : memref<2x5x128x64xbf16, #tpu.memory_space<vmem>>, vector<32xbf16>,
        %parallel_loop3A_258 = arith.constant 0 : i32
        %parallel_loop3A_259 = arith.constant 1 : i32
        %parallel_loop3A_260 = arith.index_cast %parallel_loop3A_258 : i32 to index
        %parallel_loop3A_261 = arith.index_cast %parallel_loop3A_259 : i32 to index
        %parallel_loop3A_262 = arith.index_cast %parallel_loop3A_250 : i32 to index
        %parallel_loop3A_263 = arith.constant 0 : index
        %parallel_loop3A_264 = tpu.vector_load %arg10[%parallel_loop3A_260, %parallel_loop3A_261, %parallel_loop3A_262, %parallel_loop3A_263] {strides = array<i32>} : memref<2x5x128x64xbf16, #tpu.memory_space<vmem>>, vector<32xbf16>,
        %parallel_loop3A_265 = arith.addf %parallel_loop3A_257, %parallel_loop3A_264 : vector<32xbf16>
        %parallel_loop3A_266 = arith.constant 0 : i32
        %parallel_loop3A_267 = arith.constant 2 : i32
        %parallel_loop3A_268 = arith.index_cast %parallel_loop3A_266 : i32 to index
        %parallel_loop3A_269 = arith.index_cast %parallel_loop3A_267 : i32 to index
        %parallel_loop3A_270 = arith.index_cast %parallel_loop3A_250 : i32 to index
        %parallel_loop3A_271 = arith.constant 0 : index
        %parallel_loop3A_272 = tpu.vector_load %arg10[%parallel_loop3A_268, %parallel_loop3A_269, %parallel_loop3A_270, %parallel_loop3A_271] {strides = array<i32>} : memref<2x5x128x64xbf16, #tpu.memory_space<vmem>>, vector<32xbf16>,
        %parallel_loop3A_273 = arith.addf %parallel_loop3A_265, %parallel_loop3A_272 : vector<32xbf16>
        %parallel_loop3A_274 = arith.constant 0 : i32
        %parallel_loop3A_275 = arith.constant 3 : i32
        %parallel_loop3A_276 = arith.index_cast %parallel_loop3A_274 : i32 to index
        %parallel_loop3A_277 = arith.index_cast %parallel_loop3A_275 : i32 to index
        %parallel_loop3A_278 = arith.index_cast %parallel_loop3A_250 : i32 to index
        %parallel_loop3A_279 = arith.constant 0 : index
        %parallel_loop3A_280 = tpu.vector_load %arg10[%parallel_loop3A_276, %parallel_loop3A_277, %parallel_loop3A_278, %parallel_loop3A_279] {strides = array<i32>} : memref<2x5x128x64xbf16, #tpu.memory_space<vmem>>, vector<32xbf16>,
        %parallel_loop3A_281 = arith.addf %parallel_loop3A_273, %parallel_loop3A_280 : vector<32xbf16>
        %parallel_loop3A_282 = arith.constant 0 : i32
        %parallel_loop3A_283 = arith.constant 4 : i32
        %parallel_loop3A_284 = arith.index_cast %parallel_loop3A_282 : i32 to index
        %parallel_loop3A_285 = arith.index_cast %parallel_loop3A_283 : i32 to index
        %parallel_loop3A_286 = arith.index_cast %parallel_loop3A_250 : i32 to index
        %parallel_loop3A_287 = arith.constant 0 : index
        %parallel_loop3A_288 = tpu.vector_load %arg10[%parallel_loop3A_284, %parallel_loop3A_285, %parallel_loop3A_286, %parallel_loop3A_287] {strides = array<i32>} : memref<2x5x128x64xbf16, #tpu.memory_space<vmem>>, vector<32xbf16>,
        %parallel_loop3A_289 = arith.addf %parallel_loop3A_281, %parallel_loop3A_288 : vector<32xbf16>
        %parallel_loop3A_290 = tpu.unpack_subelements %parallel_loop3A_289, 0 {pack_format = #tpu.pack_format<interleaved>} : vector<32xbf16> -> vector<16xf32>
        %parallel_loop3A_291 = tpu.unpack_subelements %parallel_loop3A_289, 1 {pack_format = #tpu.pack_format<interleaved>} : vector<32xbf16> -> vector<16xf32>
        %parallel_loop3A_292 = arith.constant 0 : i32
        %parallel_loop3A_293 = arith.index_cast %parallel_loop3A_292 : i32 to index
        %parallel_loop3A_294 = arith.index_cast %parallel_loop3A_250 : i32 to index
        %parallel_loop3A_295 = arith.constant 0 : index
        %parallel_loop3A_296 = tpu.vector_load %arg11[%parallel_loop3A_293, %parallel_loop3A_294, %parallel_loop3A_295] {strides = array<i32>} : memref<2x128x64xf32, #tpu.memory_space<vmem>>, vector<16xf32>,
        tpu.vector_store %arg11[%parallel_loop3A_293, %parallel_loop3A_294, %parallel_loop3A_295], %parallel_loop3A_290 {strides = array<i32>} : memref<2x128x64xf32, #tpu.memory_space<vmem>>, vector<16xf32>,
        %parallel_loop3A_297 = arith.constant 0 : i32
        %parallel_loop3A_298 = arith.index_cast %parallel_loop3A_297 : i32 to index
        %parallel_loop3A_299 = arith.index_cast %parallel_loop3A_250 : i32 to index
        %parallel_loop3A_300 = arith.constant 16 : index
        %parallel_loop3A_301 = tpu.vector_load %arg11[%parallel_loop3A_298, %parallel_loop3A_299, %parallel_loop3A_300] {strides = array<i32>} : memref<2x128x64xf32, #tpu.memory_space<vmem>>, vector<16xf32>,
        tpu.vector_store %arg11[%parallel_loop3A_298, %parallel_loop3A_299, %parallel_loop3A_300], %parallel_loop3A_291 {strides = array<i32>} : memref<2x128x64xf32, #tpu.memory_space<vmem>>, vector<16xf32>,
        %parallel_loop3A_302 = arith.constant 0 : i32
        %parallel_loop3A_303 = arith.constant 0 : i32
        %parallel_loop3A_304 = arith.index_cast %parallel_loop3A_302 : i32 to index
        %parallel_loop3A_305 = arith.index_cast %parallel_loop3A_303 : i32 to index
        %parallel_loop3A_306 = arith.index_cast %parallel_loop3A_250 : i32 to index
        %parallel_loop3A_307 = arith.constant 32 : index
        %parallel_loop3A_308 = tpu.vector_load %arg10[%parallel_loop3A_304, %parallel_loop3A_305, %parallel_loop3A_306, %parallel_loop3A_307] {strides = array<i32>} : memref<2x5x128x64xbf16, #tpu.memory_space<vmem>>, vector<32xbf16>,
        %parallel_loop3A_309 = arith.constant 0 : i32
        %parallel_loop3A_310 = arith.constant 1 : i32
        %parallel_loop3A_311 = arith.index_cast %parallel_loop3A_309 : i32 to index
        %parallel_loop3A_312 = arith.index_cast %parallel_loop3A_310 : i32 to index
        %parallel_loop3A_313 = arith.index_cast %parallel_loop3A_250 : i32 to index
        %parallel_loop3A_314 = arith.constant 32 : index
        %parallel_loop3A_315 = tpu.vector_load %arg10[%parallel_loop3A_311, %parallel_loop3A_312, %parallel_loop3A_313, %parallel_loop3A_314] {strides = array<i32>} : memref<2x5x128x64xbf16, #tpu.memory_space<vmem>>, vector<32xbf16>,
        %parallel_loop3A_316 = arith.addf %parallel_loop3A_308, %parallel_loop3A_315 : vector<32xbf16>
        %parallel_loop3A_317 = arith.constant 0 : i32
        %parallel_loop3A_318 = arith.constant 2 : i32
        %parallel_loop3A_319 = arith.index_cast %parallel_loop3A_317 : i32 to index
        %parallel_loop3A_320 = arith.index_cast %parallel_loop3A_318 : i32 to index
        %parallel_loop3A_321 = arith.index_cast %parallel_loop3A_250 : i32 to index
        %parallel_loop3A_322 = arith.constant 32 : index
        %parallel_loop3A_323 = tpu.vector_load %arg10[%parallel_loop3A_319, %parallel_loop3A_320, %parallel_loop3A_321, %parallel_loop3A_322] {strides = array<i32>} : memref<2x5x128x64xbf16, #tpu.memory_space<vmem>>, vector<32xbf16>,
        %parallel_loop3A_324 = arith.addf %parallel_loop3A_316, %parallel_loop3A_323 : vector<32xbf16>
        %parallel_loop3A_325 = arith.constant 0 : i32
        %parallel_loop3A_326 = arith.constant 3 : i32
        %parallel_loop3A_327 = arith.index_cast %parallel_loop3A_325 : i32 to index
        %parallel_loop3A_328 = arith.index_cast %parallel_loop3A_326 : i32 to index
        %parallel_loop3A_329 = arith.index_cast %parallel_loop3A_250 : i32 to index
        %parallel_loop3A_330 = arith.constant 32 : index
        %parallel_loop3A_331 = tpu.vector_load %arg10[%parallel_loop3A_327, %parallel_loop3A_328, %parallel_loop3A_329, %parallel_loop3A_330] {strides = array<i32>} : memref<2x5x128x64xbf16, #tpu.memory_space<vmem>>, vector<32xbf16>,
        %parallel_loop3A_332 = arith.addf %parallel_loop3A_324, %parallel_loop3A_331 : vector<32xbf16>
        %parallel_loop3A_333 = arith.constant 0 : i32
        %parallel_loop3A_334 = arith.constant 4 : i32
        %parallel_loop3A_335 = arith.index_cast %parallel_loop3A_333 : i32 to index
        %parallel_loop3A_336 = arith.index_cast %parallel_loop3A_334 : i32 to index
        %parallel_loop3A_337 = arith.index_cast %parallel_loop3A_250 : i32 to index
        %parallel_loop3A_338 = arith.constant 32 : index
        %parallel_loop3A_339 = tpu.vector_load %arg10[%parallel_loop3A_335, %parallel_loop3A_336, %parallel_loop3A_337, %parallel_loop3A_338] {strides = array<i32>} : memref<2x5x128x64xbf16, #tpu.memory_space<vmem>>, vector<32xbf16>,
        %parallel_loop3A_340 = arith.addf %parallel_loop3A_332, %parallel_loop3A_339 : vector<32xbf16>
        %parallel_loop3A_341 = tpu.unpack_subelements %parallel_loop3A_340, 0 {pack_format = #tpu.pack_format<interleaved>} : vector<32xbf16> -> vector<16xf32>
        %parallel_loop3A_342 = tpu.unpack_subelements %parallel_loop3A_340, 1 {pack_format = #tpu.pack_format<interleaved>} : vector<32xbf16> -> vector<16xf32>
        %parallel_loop3A_343 = arith.constant 0 : i32
        %parallel_loop3A_344 = arith.index_cast %parallel_loop3A_343 : i32 to index
        %parallel_loop3A_345 = arith.index_cast %parallel_loop3A_250 : i32 to index
        %parallel_loop3A_346 = arith.constant 32 : index
        %parallel_loop3A_347 = tpu.vector_load %arg11[%parallel_loop3A_344, %parallel_loop3A_345, %parallel_loop3A_346] {strides = array<i32>} : memref<2x128x64xf32, #tpu.memory_space<vmem>>, vector<16xf32>,
        tpu.vector_store %arg11[%parallel_loop3A_344, %parallel_loop3A_345, %parallel_loop3A_346], %parallel_loop3A_341 {strides = array<i32>} : memref<2x128x64xf32, #tpu.memory_space<vmem>>, vector<16xf32>,
        %parallel_loop3A_348 = arith.constant 0 : i32
        %parallel_loop3A_349 = arith.index_cast %parallel_loop3A_348 : i32 to index
        %parallel_loop3A_350 = arith.index_cast %parallel_loop3A_250 : i32 to index
        %parallel_loop3A_351 = arith.constant 48 : index
        %parallel_loop3A_352 = tpu.vector_load %arg11[%parallel_loop3A_349, %parallel_loop3A_350, %parallel_loop3A_351] {strides = array<i32>} : memref<2x128x64xf32, #tpu.memory_space<vmem>>, vector<16xf32>,
        tpu.vector_store %arg11[%parallel_loop3A_349, %parallel_loop3A_350, %parallel_loop3A_351], %parallel_loop3A_342 {strides = array<i32>} : memref<2x128x64xf32, #tpu.memory_space<vmem>>, vector<16xf32>,
        %parallel_loop3A_353 = arith.constant 1 : i32
        %parallel_loop3A_354 = arith.addi %parallel_loop3A_248, %parallel_loop3A_353 : i32
        %parallel_loop3A_355 = arith.constant 0 : i32
        %parallel_loop3A_356 = arith.constant 0 : i32
        %parallel_loop3A_357 = arith.index_cast %parallel_loop3A_355 : i32 to index
        %parallel_loop3A_358 = arith.index_cast %parallel_loop3A_356 : i32 to index
        %parallel_loop3A_359 = arith.index_cast %parallel_loop3A_354 : i32 to index
        %parallel_loop3A_360 = arith.constant 0 : index
        %parallel_loop3A_361 = tpu.vector_load %arg10[%parallel_loop3A_357, %parallel_loop3A_358, %parallel_loop3A_359, %parallel_loop3A_360] {strides = array<i32>} : memref<2x5x128x64xbf16, #tpu.memory_space<vmem>>, vector<32xbf16>,
        %parallel_loop3A_362 = arith.constant 0 : i32
        %parallel_loop3A_363 = arith.constant 1 : i32
        %parallel_loop3A_364 = arith.index_cast %parallel_loop3A_362 : i32 to index
        %parallel_loop3A_365 = arith.index_cast %parallel_loop3A_363 : i32 to index
        %parallel_loop3A_366 = arith.index_cast %parallel_loop3A_354 : i32 to index
        %parallel_loop3A_367 = arith.constant 0 : index
        %parallel_loop3A_368 = tpu.vector_load %arg10[%parallel_loop3A_364, %parallel_loop3A_365, %parallel_loop3A_366, %parallel_loop3A_367] {strides = array<i32>} : memref<2x5x128x64xbf16, #tpu.memory_space<vmem>>, vector<32xbf16>,
        %parallel_loop3A_369 = arith.addf %parallel_loop3A_361, %parallel_loop3A_368 : vector<32xbf16>
        %parallel_loop3A_370 = arith.constant 0 : i32
        %parallel_loop3A_371 = arith.constant 2 : i32
        %parallel_loop3A_372 = arith.index_cast %parallel_loop3A_370 : i32 to index
        %parallel_loop3A_373 = arith.index_cast %parallel_loop3A_371 : i32 to index
        %parallel_loop3A_374 = arith.index_cast %parallel_loop3A_354 : i32 to index
        %parallel_loop3A_375 = arith.constant 0 : index
        %parallel_loop3A_376 = tpu.vector_load %arg10[%parallel_loop3A_372, %parallel_loop3A_373, %parallel_loop3A_374, %parallel_loop3A_375] {strides = array<i32>} : memref<2x5x128x64xbf16, #tpu.memory_space<vmem>>, vector<32xbf16>,
        %parallel_loop3A_377 = arith.addf %parallel_loop3A_369, %parallel_loop3A_376 : vector<32xbf16>
        %parallel_loop3A_378 = arith.constant 0 : i32
        %parallel_loop3A_379 = arith.constant 3 : i32
        %parallel_loop3A_380 = arith.index_cast %parallel_loop3A_378 : i32 to index
        %parallel_loop3A_381 = arith.index_cast %parallel_loop3A_379 : i32 to index
        %parallel_loop3A_382 = arith.index_cast %parallel_loop3A_354 : i32 to index
        %parallel_loop3A_383 = arith.constant 0 : index
        %parallel_loop3A_384 = tpu.vector_load %arg10[%parallel_loop3A_380, %parallel_loop3A_381, %parallel_loop3A_382, %parallel_loop3A_383] {strides = array<i32>} : memref<2x5x128x64xbf16, #tpu.memory_space<vmem>>, vector<32xbf16>,
        %parallel_loop3A_385 = arith.addf %parallel_loop3A_377, %parallel_loop3A_384 : vector<32xbf16>
        %parallel_loop3A_386 = arith.constant 0 : i32
        %parallel_loop3A_387 = arith.constant 4 : i32
        %parallel_loop3A_388 = arith.index_cast %parallel_loop3A_386 : i32 to index
        %parallel_loop3A_389 = arith.index_cast %parallel_loop3A_387 : i32 to index
        %parallel_loop3A_390 = arith.index_cast %parallel_loop3A_354 : i32 to index
        %parallel_loop3A_391 = arith.constant 0 : index
        %parallel_loop3A_392 = tpu.vector_load %arg10[%parallel_loop3A_388, %parallel_loop3A_389, %parallel_loop3A_390, %parallel_loop3A_391] {strides = array<i32>} : memref<2x5x128x64xbf16, #tpu.memory_space<vmem>>, vector<32xbf16>,
        %parallel_loop3A_393 = arith.addf %parallel_loop3A_385, %parallel_loop3A_392 : vector<32xbf16>
        %parallel_loop3A_394 = tpu.unpack_subelements %parallel_loop3A_393, 0 {pack_format = #tpu.pack_format<interleaved>} : vector<32xbf16> -> vector<16xf32>
        %parallel_loop3A_395 = tpu.unpack_subelements %parallel_loop3A_393, 1 {pack_format = #tpu.pack_format<interleaved>} : vector<32xbf16> -> vector<16xf32>
        %parallel_loop3A_396 = arith.constant 0 : i32
        %parallel_loop3A_397 = arith.index_cast %parallel_loop3A_396 : i32 to index
        %parallel_loop3A_398 = arith.index_cast %parallel_loop3A_354 : i32 to index
        %parallel_loop3A_399 = arith.constant 0 : index
        %parallel_loop3A_400 = tpu.vector_load %arg11[%parallel_loop3A_397, %parallel_loop3A_398, %parallel_loop3A_399] {strides = array<i32>} : memref<2x128x64xf32, #tpu.memory_space<vmem>>, vector<16xf32>,
        tpu.vector_store %arg11[%parallel_loop3A_397, %parallel_loop3A_398, %parallel_loop3A_399], %parallel_loop3A_394 {strides = array<i32>} : memref<2x128x64xf32, #tpu.memory_space<vmem>>, vector<16xf32>,
        %parallel_loop3A_401 = arith.constant 0 : i32
        %parallel_loop3A_402 = arith.index_cast %parallel_loop3A_401 : i32 to index
        %parallel_loop3A_403 = arith.index_cast %parallel_loop3A_354 : i32 to index
        %parallel_loop3A_404 = arith.constant 16 : index
        %parallel_loop3A_405 = tpu.vector_load %arg11[%parallel_loop3A_402, %parallel_loop3A_403, %parallel_loop3A_404] {strides = array<i32>} : memref<2x128x64xf32, #tpu.memory_space<vmem>>, vector<16xf32>,
        tpu.vector_store %arg11[%parallel_loop3A_402, %parallel_loop3A_403, %parallel_loop3A_404], %parallel_loop3A_395 {strides = array<i32>} : memref<2x128x64xf32, #tpu.memory_space<vmem>>, vector<16xf32>,
        %parallel_loop3A_406 = arith.constant 0 : i32
        %parallel_loop3A_407 = arith.constant 0 : i32
        %parallel_loop3A_408 = arith.index_cast %parallel_loop3A_406 : i32 to index
        %parallel_loop3A_409 = arith.index_cast %parallel_loop3A_407 : i32 to index
        %parallel_loop3A_410 = arith.index_cast %parallel_loop3A_354 : i32 to index
        %parallel_loop3A_411 = arith.constant 32 : index
        %parallel_loop3A_412 = tpu.vector_load %arg10[%parallel_loop3A_408, %parallel_loop3A_409, %parallel_loop3A_410, %parallel_loop3A_411] {strides = array<i32>} : memref<2x5x128x64xbf16, #tpu.memory_space<vmem>>, vector<32xbf16>,
        %parallel_loop3A_413 = arith.constant 0 : i32
        %parallel_loop3A_414 = arith.constant 1 : i32
        %parallel_loop3A_415 = arith.index_cast %parallel_loop3A_413 : i32 to index
        %parallel_loop3A_416 = arith.index_cast %parallel_loop3A_414 : i32 to index
        %parallel_loop3A_417 = arith.index_cast %parallel_loop3A_354 : i32 to index
        %parallel_loop3A_418 = arith.constant 32 : index
        %parallel_loop3A_419 = tpu.vector_load %arg10[%parallel_loop3A_415, %parallel_loop3A_416, %parallel_loop3A_417, %parallel_loop3A_418] {strides = array<i32>} : memref<2x5x128x64xbf16, #tpu.memory_space<vmem>>, vector<32xbf16>,
        %parallel_loop3A_420 = arith.addf %parallel_loop3A_412, %parallel_loop3A_419 : vector<32xbf16>
        %parallel_loop3A_421 = arith.constant 0 : i32
        %parallel_loop3A_422 = arith.constant 2 : i32
        %parallel_loop3A_423 = arith.index_cast %parallel_loop3A_421 : i32 to index
        %parallel_loop3A_424 = arith.index_cast %parallel_loop3A_422 : i32 to index
        %parallel_loop3A_425 = arith.index_cast %parallel_loop3A_354 : i32 to index
        %parallel_loop3A_426 = arith.constant 32 : index
        %parallel_loop3A_427 = tpu.vector_load %arg10[%parallel_loop3A_423, %parallel_loop3A_424, %parallel_loop3A_425, %parallel_loop3A_426] {strides = array<i32>} : memref<2x5x128x64xbf16, #tpu.memory_space<vmem>>, vector<32xbf16>,
        %parallel_loop3A_428 = arith.addf %parallel_loop3A_420, %parallel_loop3A_427 : vector<32xbf16>
        %parallel_loop3A_429 = arith.constant 0 : i32
        %parallel_loop3A_430 = arith.constant 3 : i32
        %parallel_loop3A_431 = arith.index_cast %parallel_loop3A_429 : i32 to index
        %parallel_loop3A_432 = arith.index_cast %parallel_loop3A_430 : i32 to index
        %parallel_loop3A_433 = arith.index_cast %parallel_loop3A_354 : i32 to index
        %parallel_loop3A_434 = arith.constant 32 : index
        %parallel_loop3A_435 = tpu.vector_load %arg10[%parallel_loop3A_431, %parallel_loop3A_432, %parallel_loop3A_433, %parallel_loop3A_434] {strides = array<i32>} : memref<2x5x128x64xbf16, #tpu.memory_space<vmem>>, vector<32xbf16>,
        %parallel_loop3A_436 = arith.addf %parallel_loop3A_428, %parallel_loop3A_435 : vector<32xbf16>
        %parallel_loop3A_437 = arith.constant 0 : i32
        %parallel_loop3A_438 = arith.constant 4 : i32
        %parallel_loop3A_439 = arith.index_cast %parallel_loop3A_437 : i32 to index
        %parallel_loop3A_440 = arith.index_cast %parallel_loop3A_438 : i32 to index
        %parallel_loop3A_441 = arith.index_cast %parallel_loop3A_354 : i32 to index
        %parallel_loop3A_442 = arith.constant 32 : index
        %parallel_loop3A_443 = tpu.vector_load %arg10[%parallel_loop3A_439, %parallel_loop3A_440, %parallel_loop3A_441, %parallel_loop3A_442] {strides = array<i32>} : memref<2x5x128x64xbf16, #tpu.memory_space<vmem>>, vector<32xbf16>,
        %parallel_loop3A_444 = arith.addf %parallel_loop3A_436, %parallel_loop3A_443 : vector<32xbf16>
        %parallel_loop3A_445 = tpu.unpack_subelements %parallel_loop3A_444, 0 {pack_format = #tpu.pack_format<interleaved>} : vector<32xbf16> -> vector<16xf32>
        %parallel_loop3A_446 = tpu.unpack_subelements %parallel_loop3A_444, 1 {pack_format = #tpu.pack_format<interleaved>} : vector<32xbf16> -> vector<16xf32>
        %parallel_loop3A_447 = arith.constant 0 : i32
        %parallel_loop3A_448 = arith.index_cast %parallel_loop3A_447 : i32 to index
        %parallel_loop3A_449 = arith.index_cast %parallel_loop3A_354 : i32 to index
        %parallel_loop3A_450 = arith.constant 32 : index
        %parallel_loop3A_451 = tpu.vector_load %arg11[%parallel_loop3A_448, %parallel_loop3A_449, %parallel_loop3A_450] {strides = array<i32>} : memref<2x128x64xf32, #tpu.memory_space<vmem>>, vector<16xf32>,
        tpu.vector_store %arg11[%parallel_loop3A_448, %parallel_loop3A_449, %parallel_loop3A_450], %parallel_loop3A_445 {strides = array<i32>} : memref<2x128x64xf32, #tpu.memory_space<vmem>>, vector<16xf32>,
        %parallel_loop3A_452 = arith.constant 0 : i32
        %parallel_loop3A_453 = arith.index_cast %parallel_loop3A_452 : i32 to index
        %parallel_loop3A_454 = arith.index_cast %parallel_loop3A_354 : i32 to index
        %parallel_loop3A_455 = arith.constant 48 : index
        %parallel_loop3A_456 = tpu.vector_load %arg11[%parallel_loop3A_453, %parallel_loop3A_454, %parallel_loop3A_455] {strides = array<i32>} : memref<2x128x64xf32, #tpu.memory_space<vmem>>, vector<16xf32>,
        tpu.vector_store %arg11[%parallel_loop3A_453, %parallel_loop3A_454, %parallel_loop3A_455], %parallel_loop3A_446 {strides = array<i32>} : memref<2x128x64xf32, #tpu.memory_space<vmem>>, vector<16xf32>,
        %parallel_loop3A_457 = arith.constant 2 : i32
        %parallel_loop3A_458 = arith.addi %parallel_loop3A_248, %parallel_loop3A_457 : i32
        %parallel_loop3A_459 = arith.constant 0 : i32
        %parallel_loop3A_460 = arith.constant 0 : i32
        %parallel_loop3A_461 = arith.index_cast %parallel_loop3A_459 : i32 to index
        %parallel_loop3A_462 = arith.index_cast %parallel_loop3A_460 : i32 to index
        %parallel_loop3A_463 = arith.index_cast %parallel_loop3A_458 : i32 to index
        %parallel_loop3A_464 = arith.constant 0 : index
        %parallel_loop3A_465 = tpu.vector_load %arg10[%parallel_loop3A_461, %parallel_loop3A_462, %parallel_loop3A_463, %parallel_loop3A_464] {strides = array<i32>} : memref<2x5x128x64xbf16, #tpu.memory_space<vmem>>, vector<32xbf16>,
        %parallel_loop3A_466 = arith.constant 0 : i32
        %parallel_loop3A_467 = arith.constant 1 : i32
        %parallel_loop3A_468 = arith.index_cast %parallel_loop3A_466 : i32 to index
        %parallel_loop3A_469 = arith.index_cast %parallel_loop3A_467 : i32 to index
        %parallel_loop3A_470 = arith.index_cast %parallel_loop3A_458 : i32 to index
        %parallel_loop3A_471 = arith.constant 0 : index
        %parallel_loop3A_472 = tpu.vector_load %arg10[%parallel_loop3A_468, %parallel_loop3A_469, %parallel_loop3A_470, %parallel_loop3A_471] {strides = array<i32>} : memref<2x5x128x64xbf16, #tpu.memory_space<vmem>>, vector<32xbf16>,
        %parallel_loop3A_473 = arith.addf %parallel_loop3A_465, %parallel_loop3A_472 : vector<32xbf16>
        %parallel_loop3A_474 = arith.constant 0 : i32
        %parallel_loop3A_475 = arith.constant 2 : i32
        %parallel_loop3A_476 = arith.index_cast %parallel_loop3A_474 : i32 to index
        %parallel_loop3A_477 = arith.index_cast %parallel_loop3A_475 : i32 to index
        %parallel_loop3A_478 = arith.index_cast %parallel_loop3A_458 : i32 to index
        %parallel_loop3A_479 = arith.constant 0 : index
        %parallel_loop3A_480 = tpu.vector_load %arg10[%parallel_loop3A_476, %parallel_loop3A_477, %parallel_loop3A_478, %parallel_loop3A_479] {strides = array<i32>} : memref<2x5x128x64xbf16, #tpu.memory_space<vmem>>, vector<32xbf16>,
        %parallel_loop3A_481 = arith.addf %parallel_loop3A_473, %parallel_loop3A_480 : vector<32xbf16>
        %parallel_loop3A_482 = arith.constant 0 : i32
        %parallel_loop3A_483 = arith.constant 3 : i32
        %parallel_loop3A_484 = arith.index_cast %parallel_loop3A_482 : i32 to index
        %parallel_loop3A_485 = arith.index_cast %parallel_loop3A_483 : i32 to index
        %parallel_loop3A_486 = arith.index_cast %parallel_loop3A_458 : i32 to index
        %parallel_loop3A_487 = arith.constant 0 : index
        %parallel_loop3A_488 = tpu.vector_load %arg10[%parallel_loop3A_484, %parallel_loop3A_485, %parallel_loop3A_486, %parallel_loop3A_487] {strides = array<i32>} : memref<2x5x128x64xbf16, #tpu.memory_space<vmem>>, vector<32xbf16>,
        %parallel_loop3A_489 = arith.addf %parallel_loop3A_481, %parallel_loop3A_488 : vector<32xbf16>
        %parallel_loop3A_490 = arith.constant 0 : i32
        %parallel_loop3A_491 = arith.constant 4 : i32
        %parallel_loop3A_492 = arith.index_cast %parallel_loop3A_490 : i32 to index
        %parallel_loop3A_493 = arith.index_cast %parallel_loop3A_491 : i32 to index
        %parallel_loop3A_494 = arith.index_cast %parallel_loop3A_458 : i32 to index
        %parallel_loop3A_495 = arith.constant 0 : index
        %parallel_loop3A_496 = tpu.vector_load %arg10[%parallel_loop3A_492, %parallel_loop3A_493, %parallel_loop3A_494, %parallel_loop3A_495] {strides = array<i32>} : memref<2x5x128x64xbf16, #tpu.memory_space<vmem>>, vector<32xbf16>,
        %parallel_loop3A_497 = arith.addf %parallel_loop3A_489, %parallel_loop3A_496 : vector<32xbf16>
        %parallel_loop3A_498 = tpu.unpack_subelements %parallel_loop3A_497, 0 {pack_format = #tpu.pack_format<interleaved>} : vector<32xbf16> -> vector<16xf32>
        %parallel_loop3A_499 = tpu.unpack_subelements %parallel_loop3A_497, 1 {pack_format = #tpu.pack_format<interleaved>} : vector<32xbf16> -> vector<16xf32>
        %parallel_loop3A_500 = arith.constant 0 : i32
        %parallel_loop3A_501 = arith.index_cast %parallel_loop3A_500 : i32 to index
        %parallel_loop3A_502 = arith.index_cast %parallel_loop3A_458 : i32 to index
        %parallel_loop3A_503 = arith.constant 0 : index
        %parallel_loop3A_504 = tpu.vector_load %arg11[%parallel_loop3A_501, %parallel_loop3A_502, %parallel_loop3A_503] {strides = array<i32>} : memref<2x128x64xf32, #tpu.memory_space<vmem>>, vector<16xf32>,
        tpu.vector_store %arg11[%parallel_loop3A_501, %parallel_loop3A_502, %parallel_loop3A_503], %parallel_loop3A_498 {strides = array<i32>} : memref<2x128x64xf32, #tpu.memory_space<vmem>>, vector<16xf32>,
        %parallel_loop3A_505 = arith.constant 0 : i32
        %parallel_loop3A_506 = arith.index_cast %parallel_loop3A_505 : i32 to index
        %parallel_loop3A_507 = arith.index_cast %parallel_loop3A_458 : i32 to index
        %parallel_loop3A_508 = arith.constant 16 : index
        %parallel_loop3A_509 = tpu.vector_load %arg11[%parallel_loop3A_506, %parallel_loop3A_507, %parallel_loop3A_508] {strides = array<i32>} : memref<2x128x64xf32, #tpu.memory_space<vmem>>, vector<16xf32>,
        tpu.vector_store %arg11[%parallel_loop3A_506, %parallel_loop3A_507, %parallel_loop3A_508], %parallel_loop3A_499 {strides = array<i32>} : memref<2x128x64xf32, #tpu.memory_space<vmem>>, vector<16xf32>,
        %parallel_loop3A_510 = arith.constant 0 : i32
        %parallel_loop3A_511 = arith.constant 0 : i32
        %parallel_loop3A_512 = arith.index_cast %parallel_loop3A_510 : i32 to index
        %parallel_loop3A_513 = arith.index_cast %parallel_loop3A_511 : i32 to index
        %parallel_loop3A_514 = arith.index_cast %parallel_loop3A_458 : i32 to index
        %parallel_loop3A_515 = arith.constant 32 : index
        %parallel_loop3A_516 = tpu.vector_load %arg10[%parallel_loop3A_512, %parallel_loop3A_513, %parallel_loop3A_514, %parallel_loop3A_515] {strides = array<i32>} : memref<2x5x128x64xbf16, #tpu.memory_space<vmem>>, vector<32xbf16>,
        %parallel_loop3A_517 = arith.constant 0 : i32
        %parallel_loop3A_518 = arith.constant 1 : i32
        %parallel_loop3A_519 = arith.index_cast %parallel_loop3A_517 : i32 to index
        %parallel_loop3A_520 = arith.index_cast %parallel_loop3A_518 : i32 to index
        %parallel_loop3A_521 = arith.index_cast %parallel_loop3A_458 : i32 to index
        %parallel_loop3A_522 = arith.constant 32 : index
        %parallel_loop3A_523 = tpu.vector_load %arg10[%parallel_loop3A_519, %parallel_loop3A_520, %parallel_loop3A_521, %parallel_loop3A_522] {strides = array<i32>} : memref<2x5x128x64xbf16, #tpu.memory_space<vmem>>, vector<32xbf16>,
        %parallel_loop3A_524 = arith.addf %parallel_loop3A_516, %parallel_loop3A_523 : vector<32xbf16>
        %parallel_loop3A_525 = arith.constant 0 : i32
        %parallel_loop3A_526 = arith.constant 2 : i32
        %parallel_loop3A_527 = arith.index_cast %parallel_loop3A_525 : i32 to index
        %parallel_loop3A_528 = arith.index_cast %parallel_loop3A_526 : i32 to index
        %parallel_loop3A_529 = arith.index_cast %parallel_loop3A_458 : i32 to index
        %parallel_loop3A_530 = arith.constant 32 : index
        %parallel_loop3A_531 = tpu.vector_load %arg10[%parallel_loop3A_527, %parallel_loop3A_528, %parallel_loop3A_529, %parallel_loop3A_530] {strides = array<i32>} : memref<2x5x128x64xbf16, #tpu.memory_space<vmem>>, vector<32xbf16>,
        %parallel_loop3A_532 = arith.addf %parallel_loop3A_524, %parallel_loop3A_531 : vector<32xbf16>
        %parallel_loop3A_533 = arith.constant 0 : i32
        %parallel_loop3A_534 = arith.constant 3 : i32
        %parallel_loop3A_535 = arith.index_cast %parallel_loop3A_533 : i32 to index
        %parallel_loop3A_536 = arith.index_cast %parallel_loop3A_534 : i32 to index
        %parallel_loop3A_537 = arith.index_cast %parallel_loop3A_458 : i32 to index
        %parallel_loop3A_538 = arith.constant 32 : index
        %parallel_loop3A_539 = tpu.vector_load %arg10[%parallel_loop3A_535, %parallel_loop3A_536, %parallel_loop3A_537, %parallel_loop3A_538] {strides = array<i32>} : memref<2x5x128x64xbf16, #tpu.memory_space<vmem>>, vector<32xbf16>,
        %parallel_loop3A_540 = arith.addf %parallel_loop3A_532, %parallel_loop3A_539 : vector<32xbf16>
        %parallel_loop3A_541 = arith.constant 0 : i32
        %parallel_loop3A_542 = arith.constant 4 : i32
        %parallel_loop3A_543 = arith.index_cast %parallel_loop3A_541 : i32 to index
        %parallel_loop3A_544 = arith.index_cast %parallel_loop3A_542 : i32 to index
        %parallel_loop3A_545 = arith.index_cast %parallel_loop3A_458 : i32 to index
        %parallel_loop3A_546 = arith.constant 32 : index
        %parallel_loop3A_547 = tpu.vector_load %arg10[%parallel_loop3A_543, %parallel_loop3A_544, %parallel_loop3A_545, %parallel_loop3A_546] {strides = array<i32>} : memref<2x5x128x64xbf16, #tpu.memory_space<vmem>>, vector<32xbf16>,
        %parallel_loop3A_548 = arith.addf %parallel_loop3A_540, %parallel_loop3A_547 : vector<32xbf16>
        %parallel_loop3A_549 = tpu.unpack_subelements %parallel_loop3A_548, 0 {pack_format = #tpu.pack_format<interleaved>} : vector<32xbf16> -> vector<16xf32>
        %parallel_loop3A_550 = tpu.unpack_subelements %parallel_loop3A_548, 1 {pack_format = #tpu.pack_format<interleaved>} : vector<32xbf16> -> vector<16xf32>
        %parallel_loop3A_551 = arith.constant 0 : i32
        %parallel_loop3A_552 = arith.index_cast %parallel_loop3A_551 : i32 to index
        %parallel_loop3A_553 = arith.index_cast %parallel_loop3A_458 : i32 to index
        %parallel_loop3A_554 = arith.constant 32 : index
        %parallel_loop3A_555 = tpu.vector_load %arg11[%parallel_loop3A_552, %parallel_loop3A_553, %parallel_loop3A_554] {strides = array<i32>} : memref<2x128x64xf32, #tpu.memory_space<vmem>>, vector<16xf32>,
        tpu.vector_store %arg11[%parallel_loop3A_552, %parallel_loop3A_553, %parallel_loop3A_554], %parallel_loop3A_549 {strides = array<i32>} : memref<2x128x64xf32, #tpu.memory_space<vmem>>, vector<16xf32>,
        %parallel_loop3A_556 = arith.constant 0 : i32
        %parallel_loop3A_557 = arith.index_cast %parallel_loop3A_556 : i32 to index
        %parallel_loop3A_558 = arith.index_cast %parallel_loop3A_458 : i32 to index
        %parallel_loop3A_559 = arith.constant 48 : index
        %parallel_loop3A_560 = tpu.vector_load %arg11[%parallel_loop3A_557, %parallel_loop3A_558, %parallel_loop3A_559] {strides = array<i32>} : memref<2x128x64xf32, #tpu.memory_space<vmem>>, vector<16xf32>,
        tpu.vector_store %arg11[%parallel_loop3A_557, %parallel_loop3A_558, %parallel_loop3A_559], %parallel_loop3A_550 {strides = array<i32>} : memref<2x128x64xf32, #tpu.memory_space<vmem>>, vector<16xf32>,
        %parallel_loop3A_561 = arith.constant 3 : i32
        %parallel_loop3A_562 = arith.addi %parallel_loop3A_248, %parallel_loop3A_561 : i32
        %parallel_loop3A_563 = arith.constant 0 : i32
        %parallel_loop3A_564 = arith.constant 0 : i32
        %parallel_loop3A_565 = arith.index_cast %parallel_loop3A_563 : i32 to index
        %parallel_loop3A_566 = arith.index_cast %parallel_loop3A_564 : i32 to index
        %parallel_loop3A_567 = arith.index_cast %parallel_loop3A_562 : i32 to index
        %parallel_loop3A_568 = arith.constant 0 : index
        %parallel_loop3A_569 = tpu.vector_load %arg10[%parallel_loop3A_565, %parallel_loop3A_566, %parallel_loop3A_567, %parallel_loop3A_568] {strides = array<i32>} : memref<2x5x128x64xbf16, #tpu.memory_space<vmem>>, vector<32xbf16>,
        %parallel_loop3A_570 = arith.constant 0 : i32
        %parallel_loop3A_571 = arith.constant 1 : i32
        %parallel_loop3A_572 = arith.index_cast %parallel_loop3A_570 : i32 to index
        %parallel_loop3A_573 = arith.index_cast %parallel_loop3A_571 : i32 to index
        %parallel_loop3A_574 = arith.index_cast %parallel_loop3A_562 : i32 to index
        %parallel_loop3A_575 = arith.constant 0 : index
        %parallel_loop3A_576 = tpu.vector_load %arg10[%parallel_loop3A_572, %parallel_loop3A_573, %parallel_loop3A_574, %parallel_loop3A_575] {strides = array<i32>} : memref<2x5x128x64xbf16, #tpu.memory_space<vmem>>, vector<32xbf16>,
        %parallel_loop3A_577 = arith.addf %parallel_loop3A_569, %parallel_loop3A_576 : vector<32xbf16>
        %parallel_loop3A_578 = arith.constant 0 : i32
        %parallel_loop3A_579 = arith.constant 2 : i32
        %parallel_loop3A_580 = arith.index_cast %parallel_loop3A_578 : i32 to index
        %parallel_loop3A_581 = arith.index_cast %parallel_loop3A_579 : i32 to index
        %parallel_loop3A_582 = arith.index_cast %parallel_loop3A_562 : i32 to index
        %parallel_loop3A_583 = arith.constant 0 : index
        %parallel_loop3A_584 = tpu.vector_load %arg10[%parallel_loop3A_580, %parallel_loop3A_581, %parallel_loop3A_582, %parallel_loop3A_583] {strides = array<i32>} : memref<2x5x128x64xbf16, #tpu.memory_space<vmem>>, vector<32xbf16>,
        %parallel_loop3A_585 = arith.addf %parallel_loop3A_577, %parallel_loop3A_584 : vector<32xbf16>
        %parallel_loop3A_586 = arith.constant 0 : i32
        %parallel_loop3A_587 = arith.constant 3 : i32
        %parallel_loop3A_588 = arith.index_cast %parallel_loop3A_586 : i32 to index
        %parallel_loop3A_589 = arith.index_cast %parallel_loop3A_587 : i32 to index
        %parallel_loop3A_590 = arith.index_cast %parallel_loop3A_562 : i32 to index
        %parallel_loop3A_591 = arith.constant 0 : index
        %parallel_loop3A_592 = tpu.vector_load %arg10[%parallel_loop3A_588, %parallel_loop3A_589, %parallel_loop3A_590, %parallel_loop3A_591] {strides = array<i32>} : memref<2x5x128x64xbf16, #tpu.memory_space<vmem>>, vector<32xbf16>,
        %parallel_loop3A_593 = arith.addf %parallel_loop3A_585, %parallel_loop3A_592 : vector<32xbf16>
        %parallel_loop3A_594 = arith.constant 0 : i32
        %parallel_loop3A_595 = arith.constant 4 : i32
        %parallel_loop3A_596 = arith.index_cast %parallel_loop3A_594 : i32 to index
        %parallel_loop3A_597 = arith.index_cast %parallel_loop3A_595 : i32 to index
        %parallel_loop3A_598 = arith.index_cast %parallel_loop3A_562 : i32 to index
        %parallel_loop3A_599 = arith.constant 0 : index
        %parallel_loop3A_600 = tpu.vector_load %arg10[%parallel_loop3A_596, %parallel_loop3A_597, %parallel_loop3A_598, %parallel_loop3A_599] {strides = array<i32>} : memref<2x5x128x64xbf16, #tpu.memory_space<vmem>>, vector<32xbf16>,
        %parallel_loop3A_601 = arith.addf %parallel_loop3A_593, %parallel_loop3A_600 : vector<32xbf16>
        %parallel_loop3A_602 = tpu.unpack_subelements %parallel_loop3A_601, 0 {pack_format = #tpu.pack_format<interleaved>} : vector<32xbf16> -> vector<16xf32>
        %parallel_loop3A_603 = tpu.unpack_subelements %parallel_loop3A_601, 1 {pack_format = #tpu.pack_format<interleaved>} : vector<32xbf16> -> vector<16xf32>
        %parallel_loop3A_604 = arith.constant 0 : i32
        %parallel_loop3A_605 = arith.index_cast %parallel_loop3A_604 : i32 to index
        %parallel_loop3A_606 = arith.index_cast %parallel_loop3A_562 : i32 to index
        %parallel_loop3A_607 = arith.constant 0 : index
        %parallel_loop3A_608 = tpu.vector_load %arg11[%parallel_loop3A_605, %parallel_loop3A_606, %parallel_loop3A_607] {strides = array<i32>} : memref<2x128x64xf32, #tpu.memory_space<vmem>>, vector<16xf32>,
        tpu.vector_store %arg11[%parallel_loop3A_605, %parallel_loop3A_606, %parallel_loop3A_607], %parallel_loop3A_602 {strides = array<i32>} : memref<2x128x64xf32, #tpu.memory_space<vmem>>, vector<16xf32>,
        %parallel_loop3A_609 = arith.constant 0 : i32
        %parallel_loop3A_610 = arith.index_cast %parallel_loop3A_609 : i32 to index
        %parallel_loop3A_611 = arith.index_cast %parallel_loop3A_562 : i32 to index
        %parallel_loop3A_612 = arith.constant 16 : index
        %parallel_loop3A_613 = tpu.vector_load %arg11[%parallel_loop3A_610, %parallel_loop3A_611, %parallel_loop3A_612] {strides = array<i32>} : memref<2x128x64xf32, #tpu.memory_space<vmem>>, vector<16xf32>,
        tpu.vector_store %arg11[%parallel_loop3A_610, %parallel_loop3A_611, %parallel_loop3A_612], %parallel_loop3A_603 {strides = array<i32>} : memref<2x128x64xf32, #tpu.memory_space<vmem>>, vector<16xf32>,
        %parallel_loop3A_614 = arith.constant 0 : i32
        %parallel_loop3A_615 = arith.constant 0 : i32
        %parallel_loop3A_616 = arith.index_cast %parallel_loop3A_614 : i32 to index
        %parallel_loop3A_617 = arith.index_cast %parallel_loop3A_615 : i32 to index
        %parallel_loop3A_618 = arith.index_cast %parallel_loop3A_562 : i32 to index
        %parallel_loop3A_619 = arith.constant 32 : index
        %parallel_loop3A_620 = tpu.vector_load %arg10[%parallel_loop3A_616, %parallel_loop3A_617, %parallel_loop3A_618, %parallel_loop3A_619] {strides = array<i32>} : memref<2x5x128x64xbf16, #tpu.memory_space<vmem>>, vector<32xbf16>,
        %parallel_loop3A_621 = arith.constant 0 : i32
        %parallel_loop3A_622 = arith.constant 1 : i32
        %parallel_loop3A_623 = arith.index_cast %parallel_loop3A_621 : i32 to index
        %parallel_loop3A_624 = arith.index_cast %parallel_loop3A_622 : i32 to index
        %parallel_loop3A_625 = arith.index_cast %parallel_loop3A_562 : i32 to index
        %parallel_loop3A_626 = arith.constant 32 : index
        %parallel_loop3A_627 = tpu.vector_load %arg10[%parallel_loop3A_623, %parallel_loop3A_624, %parallel_loop3A_625, %parallel_loop3A_626] {strides = array<i32>} : memref<2x5x128x64xbf16, #tpu.memory_space<vmem>>, vector<32xbf16>,
        %parallel_loop3A_628 = arith.addf %parallel_loop3A_620, %parallel_loop3A_627 : vector<32xbf16>
        %parallel_loop3A_629 = arith.constant 0 : i32
        %parallel_loop3A_630 = arith.constant 2 : i32
        %parallel_loop3A_631 = arith.index_cast %parallel_loop3A_629 : i32 to index
        %parallel_loop3A_632 = arith.index_cast %parallel_loop3A_630 : i32 to index
        %parallel_loop3A_633 = arith.index_cast %parallel_loop3A_562 : i32 to index
        %parallel_loop3A_634 = arith.constant 32 : index
        %parallel_loop3A_635 = tpu.vector_load %arg10[%parallel_loop3A_631, %parallel_loop3A_632, %parallel_loop3A_633, %parallel_loop3A_634] {strides = array<i32>} : memref<2x5x128x64xbf16, #tpu.memory_space<vmem>>, vector<32xbf16>,
        %parallel_loop3A_636 = arith.addf %parallel_loop3A_628, %parallel_loop3A_635 : vector<32xbf16>
        %parallel_loop3A_637 = arith.constant 0 : i32
        %parallel_loop3A_638 = arith.constant 3 : i32
        %parallel_loop3A_639 = arith.index_cast %parallel_loop3A_637 : i32 to index
        %parallel_loop3A_640 = arith.index_cast %parallel_loop3A_638 : i32 to index
        %parallel_loop3A_641 = arith.index_cast %parallel_loop3A_562 : i32 to index
        %parallel_loop3A_642 = arith.constant 32 : index
        %parallel_loop3A_643 = tpu.vector_load %arg10[%parallel_loop3A_639, %parallel_loop3A_640, %parallel_loop3A_641, %parallel_loop3A_642] {strides = array<i32>} : memref<2x5x128x64xbf16, #tpu.memory_space<vmem>>, vector<32xbf16>,
        %parallel_loop3A_644 = arith.addf %parallel_loop3A_636, %parallel_loop3A_643 : vector<32xbf16>
        %parallel_loop3A_645 = arith.constant 0 : i32
        %parallel_loop3A_646 = arith.constant 4 : i32
        %parallel_loop3A_647 = arith.index_cast %parallel_loop3A_645 : i32 to index
        %parallel_loop3A_648 = arith.index_cast %parallel_loop3A_646 : i32 to index
        %parallel_loop3A_649 = arith.index_cast %parallel_loop3A_562 : i32 to index
        %parallel_loop3A_650 = arith.constant 32 : index
        %parallel_loop3A_651 = tpu.vector_load %arg10[%parallel_loop3A_647, %parallel_loop3A_648, %parallel_loop3A_649, %parallel_loop3A_650] {strides = array<i32>} : memref<2x5x128x64xbf16, #tpu.memory_space<vmem>>, vector<32xbf16>,
        %parallel_loop3A_652 = arith.addf %parallel_loop3A_644, %parallel_loop3A_651 : vector<32xbf16>
        %parallel_loop3A_653 = tpu.unpack_subelements %parallel_loop3A_652, 0 {pack_format = #tpu.pack_format<interleaved>} : vector<32xbf16> -> vector<16xf32>
        %parallel_loop3A_654 = tpu.unpack_subelements %parallel_loop3A_652, 1 {pack_format = #tpu.pack_format<interleaved>} : vector<32xbf16> -> vector<16xf32>
        %parallel_loop3A_655 = arith.constant 0 : i32
        %parallel_loop3A_656 = arith.index_cast %parallel_loop3A_655 : i32 to index
        %parallel_loop3A_657 = arith.index_cast %parallel_loop3A_562 : i32 to index
        %parallel_loop3A_658 = arith.constant 32 : index
        %parallel_loop3A_659 = tpu.vector_load %arg11[%parallel_loop3A_656, %parallel_loop3A_657, %parallel_loop3A_658] {strides = array<i32>} : memref<2x128x64xf32, #tpu.memory_space<vmem>>, vector<16xf32>,
        tpu.vector_store %arg11[%parallel_loop3A_656, %parallel_loop3A_657, %parallel_loop3A_658], %parallel_loop3A_653 {strides = array<i32>} : memref<2x128x64xf32, #tpu.memory_space<vmem>>, vector<16xf32>,
        %parallel_loop3A_660 = arith.constant 0 : i32
        %parallel_loop3A_661 = arith.index_cast %parallel_loop3A_660 : i32 to index
        %parallel_loop3A_662 = arith.index_cast %parallel_loop3A_562 : i32 to index
        %parallel_loop3A_663 = arith.constant 48 : index
        %parallel_loop3A_664 = tpu.vector_load %arg11[%parallel_loop3A_661, %parallel_loop3A_662, %parallel_loop3A_663] {strides = array<i32>} : memref<2x128x64xf32, #tpu.memory_space<vmem>>, vector<16xf32>,
        tpu.vector_store %arg11[%parallel_loop3A_661, %parallel_loop3A_662, %parallel_loop3A_663], %parallel_loop3A_654 {strides = array<i32>} : memref<2x128x64xf32, #tpu.memory_space<vmem>>, vector<16xf32>,
      } {sc.loop_unroll_factor = 2 : i64, sc.parallel_access}
      %mul3A_156 = arith.constant 128 : i32
      %mul3A_157 = arith.muli %mul3A_80, %mul3A_156 : i32
      %add3A_158 = arith.addi %mul3A_2, %mul3A_157 : i32
      %run_scoped3A_159 = arith.constant 0 : i32
      "tpu.region"() ({
        %run_scoped3A_248 = tpu.sem_alloc : memref<!tpu.dma_semaphore, #tpu.memory_space<semaphore_mem>>
        %dma_start3A_249 = arith.constant 0 : i32
        %dma_start3A_250 = arith.constant 0 : i32
        %dma_start3A_251 = tpu.memref_slice %arg11[%run_scoped3A_159, %dma_start3A_249, %dma_start3A_250] : memref<2x128x64xf32, #tpu.memory_space<vmem>> -> memref<1x128x64xf32, #tpu.memory_space<vmem>>
        %dma_start3A_252 = tpu.memref_squeeze %dma_start3A_251 : memref<1x128x64xf32, #tpu.memory_space<vmem>> -> memref<128x64xf32, #tpu.memory_space<vmem>>
        %dma_start3A_253 = arith.constant 0 : i32
        %dma_start3A_254 = tpu.memref_slice %arg8[%add3A_158, %dma_start3A_253] : memref<819200x64xf32, #tpu.memory_space<hbm>> -> memref<128x64xf32, #tpu.memory_space<hbm>>
        %dma_start3A_255 = arith.constant 0 : i32
        %dma_start3A_256 = tpu.memref_slice %arg8[%add3A_158, %dma_start3A_255] : memref<819200x64xf32, #tpu.memory_space<hbm>> -> memref<128x64xf32, #tpu.memory_space<hbm>>
        %dma_start3A_257 = arith.constant 0 : i32
        %dma_start3A_258 = arith.constant 0 : i32
        %dma_start3A_259 = tpu.memref_slice %arg11[%run_scoped3A_159, %dma_start3A_257, %dma_start3A_258] : memref<2x128x64xf32, #tpu.memory_space<vmem>> -> memref<1x128x64xf32, #tpu.memory_space<vmem>>
        %dma_start3A_260 = tpu.memref_squeeze %dma_start3A_259 : memref<1x128x64xf32, #tpu.memory_space<vmem>> -> memref<128x64xf32, #tpu.memory_space<vmem>>
        tpu.enqueue_dma source(%dma_start3A_260 : memref<128x64xf32, #tpu.memory_space<vmem>>) target(%dma_start3A_256 : memref<128x64xf32, #tpu.memory_space<hbm>>) target_semaphore(%run_scoped3A_248 : memref<!tpu.dma_semaphore, #tpu.memory_space<semaphore_mem>>)
        %dma_wait3A_261 = arith.constant 0 : i32
        %dma_wait3A_262 = arith.constant 0 : i32
        %dma_wait3A_263 = tpu.memref_slice %arg11[%run_scoped3A_159, %dma_wait3A_261, %dma_wait3A_262] : memref<2x128x64xf32, #tpu.memory_space<vmem>> -> memref<1x128x64xf32, #tpu.memory_space<vmem>>
        %dma_wait3A_264 = tpu.memref_squeeze %dma_wait3A_263 : memref<1x128x64xf32, #tpu.memory_space<vmem>> -> memref<128x64xf32, #tpu.memory_space<vmem>>
        %dma_wait3A_265 = arith.constant 0 : i32
        %dma_wait3A_266 = tpu.memref_slice %arg8[%add3A_158, %dma_wait3A_265] : memref<819200x64xf32, #tpu.memory_space<hbm>> -> memref<128x64xf32, #tpu.memory_space<hbm>>
        %dma_wait3A_267 = arith.constant 0 : i32
        %dma_wait3A_268 = tpu.memref_slice %arg8[%add3A_158, %dma_wait3A_267] : memref<819200x64xf32, #tpu.memory_space<hbm>> -> memref<128x64xf32, #tpu.memory_space<hbm>>
        %dma_wait3A_269 = arith.constant 0 : i32
        %dma_wait3A_270 = arith.constant 0 : i32
        %dma_wait3A_271 = tpu.memref_slice %arg11[%run_scoped3A_159, %dma_wait3A_269, %dma_wait3A_270] : memref<2x128x64xf32, #tpu.memory_space<vmem>> -> memref<1x128x64xf32, #tpu.memory_space<vmem>>
        %dma_wait3A_272 = tpu.memref_squeeze %dma_wait3A_271 : memref<1x128x64xf32, #tpu.memory_space<vmem>> -> memref<128x64xf32, #tpu.memory_space<vmem>>
        tpu.wait_dma2 semaphore(%run_scoped3A_248 : memref<!tpu.dma_semaphore, #tpu.memory_space<semaphore_mem>>) src(%dma_wait3A_272 : memref<128x64xf32, #tpu.memory_space<vmem>>) dst(%dma_wait3A_268 : memref<128x64xf32, #tpu.memory_space<hbm>>)
        tpu.yield
      }) : () -> ()
      %mul3A_160 = arith.constant 2 : i32
      %mul3A_161 = arith.muli %mul3A_160, %scan3A_78 : i32
      %add3A_162 = arith.constant 1 : i32
      %add3A_163 = arith.addi %mul3A_161, %add3A_162 : i32
      %add3A_164 = arith.constant 1 : i32
      %add3A_165 = arith.addi %add3A_163, %add3A_164 : i32
      %lt3A_166 = arith.constant 200 : i32
      %lt3A_167 = arith.cmpi slt, %add3A_165, %lt3A_166 : i32
      %convert_element_type3A_168 = arith.extui %lt3A_167 : i1 to i32
      %cond3A_169 = arith.constant 0 : i32
      %cond3A_170 = arith.cmpi ne, %convert_element_type3A_168, %cond3A_169 : i32
      scf.if %cond3A_170 {
        %add3A_248 = arith.constant 1 : i32
        %add3A_249 = arith.addi %add3A_163, %add3A_248 : i32
        %run_scoped3A_250 = arith.constant 0 : i32
        "tpu.region"() ({
          %run_scoped3A_321 = tpu.sem_alloc : memref<!tpu.dma_semaphore, #tpu.memory_space<semaphore_mem>>
          %dma_start3A_322 = arith.constant 0 : i32
          %dma_start3A_323 = arith.constant 0 : i32
          %dma_start3A_324 = tpu.memref_slice %arg9[%run_scoped3A_250, %dma_start3A_322, %dma_start3A_323] : memref<2x5x128xi32, #tpu.memory_space<vmem>> -> memref<1x5x128xi32, #tpu.memory_space<vmem>>
          %dma_start3A_325 = tpu.memref_squeeze %dma_start3A_324 : memref<1x5x128xi32, #tpu.memory_space<vmem>> -> memref<5x128xi32, #tpu.memory_space<vmem>>
          %dma_start3A_326 = arith.constant 0 : i32
          %dma_start3A_327 = arith.constant 0 : i32
          %dma_start3A_328 = tpu.memref_slice %arg2[%add3A, %add3A_249, %dma_start3A_326, %dma_start3A_327] : memref<32x200x5x128xi32, #tpu.memory_space<hbm>> -> memref<1x1x5x128xi32, #tpu.memory_space<hbm>>
          %dma_start3A_329 = tpu.memref_squeeze %dma_start3A_328 : memref<1x1x5x128xi32, #tpu.memory_space<hbm>> -> memref<5x128xi32, #tpu.memory_space<hbm>>
          %dma_start3A_330 = arith.constant 0 : i32
          %dma_start3A_331 = arith.constant 0 : i32
          %dma_start3A_332 = tpu.memref_slice %arg9[%run_scoped3A_250, %dma_start3A_330, %dma_start3A_331] : memref<2x5x128xi32, #tpu.memory_space<vmem>> -> memref<1x5x128xi32, #tpu.memory_space<vmem>>
          %dma_start3A_333 = tpu.memref_squeeze %dma_start3A_332 : memref<1x5x128xi32, #tpu.memory_space<vmem>> -> memref<5x128xi32, #tpu.memory_space<vmem>>
          %dma_start3A_334 = arith.constant 0 : i32
          %dma_start3A_335 = arith.constant 0 : i32
          %dma_start3A_336 = tpu.memref_slice %arg2[%add3A, %add3A_249, %dma_start3A_334, %dma_start3A_335] : memref<32x200x5x128xi32, #tpu.memory_space<hbm>> -> memref<1x1x5x128xi32, #tpu.memory_space<hbm>>
          %dma_start3A_337 = tpu.memref_squeeze %dma_start3A_336 : memref<1x1x5x128xi32, #tpu.memory_space<hbm>> -> memref<5x128xi32, #tpu.memory_space<hbm>>
          tpu.enqueue_dma source(%dma_start3A_337 : memref<5x128xi32, #tpu.memory_space<hbm>>) target(%dma_start3A_333 : memref<5x128xi32, #tpu.memory_space<vmem>>) target_semaphore(%run_scoped3A_321 : memref<!tpu.dma_semaphore, #tpu.memory_space<semaphore_mem>>)
          %dma_wait3A_338 = arith.constant 0 : i32
          %dma_wait3A_339 = arith.constant 0 : i32
          %dma_wait3A_340 = tpu.memref_slice %arg9[%run_scoped3A_250, %dma_wait3A_338, %dma_wait3A_339] : memref<2x5x128xi32, #tpu.memory_space<vmem>> -> memref<1x5x128xi32, #tpu.memory_space<vmem>>
          %dma_wait3A_341 = tpu.memref_squeeze %dma_wait3A_340 : memref<1x5x128xi32, #tpu.memory_space<vmem>> -> memref<5x128xi32, #tpu.memory_space<vmem>>
          %dma_wait3A_342 = arith.constant 0 : i32
          %dma_wait3A_343 = arith.constant 0 : i32
          %dma_wait3A_344 = tpu.memref_slice %arg2[%add3A, %add3A_249, %dma_wait3A_342, %dma_wait3A_343] : memref<32x200x5x128xi32, #tpu.memory_space<hbm>> -> memref<1x1x5x128xi32, #tpu.memory_space<hbm>>
          %dma_wait3A_345 = tpu.memref_squeeze %dma_wait3A_344 : memref<1x1x5x128xi32, #tpu.memory_space<hbm>> -> memref<5x128xi32, #tpu.memory_space<hbm>>
          %dma_wait3A_346 = arith.constant 0 : i32
          %dma_wait3A_347 = arith.constant 0 : i32
          %dma_wait3A_348 = tpu.memref_slice %arg9[%run_scoped3A_250, %dma_wait3A_346, %dma_wait3A_347] : memref<2x5x128xi32, #tpu.memory_space<vmem>> -> memref<1x5x128xi32, #tpu.memory_space<vmem>>
          %dma_wait3A_349 = tpu.memref_squeeze %dma_wait3A_348 : memref<1x5x128xi32, #tpu.memory_space<vmem>> -> memref<5x128xi32, #tpu.memory_space<vmem>>
          %dma_wait3A_350 = arith.constant 0 : i32
          %dma_wait3A_351 = arith.constant 0 : i32
          %dma_wait3A_352 = tpu.memref_slice %arg2[%add3A, %add3A_249, %dma_wait3A_350, %dma_wait3A_351] : memref<32x200x5x128xi32, #tpu.memory_space<hbm>> -> memref<1x1x5x128xi32, #tpu.memory_space<hbm>>
          %dma_wait3A_353 = tpu.memref_squeeze %dma_wait3A_352 : memref<1x1x5x128xi32, #tpu.memory_space<hbm>> -> memref<5x128xi32, #tpu.memory_space<hbm>>
          tpu.wait_dma2 semaphore(%run_scoped3A_321 : memref<!tpu.dma_semaphore, #tpu.memory_space<semaphore_mem>>) src(%dma_wait3A_353 : memref<5x128xi32, #tpu.memory_space<hbm>>) dst(%dma_wait3A_349 : memref<5x128xi32, #tpu.memory_space<vmem>>)
          tpu.yield
        }) : () -> ()
        %dma_start3A_251 = arith.constant 0 : i32
        %dma_start3A_252 = arith.constant 0 : i32
        %dma_start3A_253 = arith.constant 0 : i32
        %dma_start3A_254 = arith.constant 0 : i32
        %dma_start3A_255 = arith.constant 0 : i32
        %dma_start3A_256 = arith.constant 0 : i32
        %dma_start3A_257 = tpu.memref_slice %arg10[%dma_start3A_253, %dma_start3A_254, %dma_start3A_255, %dma_start3A_256] : memref<2x5x128x64xbf16, #tpu.memory_space<vmem>> -> memref<1x1x128x64xbf16, #tpu.memory_space<vmem>>
        %dma_start3A_258 = tpu.memref_squeeze %dma_start3A_257 : memref<1x1x128x64xbf16, #tpu.memory_space<vmem>> -> memref<128x64xbf16, #tpu.memory_space<vmem>>
        %dma_start3A_259 = arith.constant 0 : i32
        %dma_start3A_260 = tpu.memref_slice %arg9[%dma_start3A_251, %dma_start3A_252, %dma_start3A_259] : memref<2x5x128xi32, #tpu.memory_space<vmem>> -> memref<1x1x128xi32, #tpu.memory_space<vmem>>
        %dma_start3A_261 = tpu.memref_squeeze %dma_start3A_260 : memref<1x1x128xi32, #tpu.memory_space<vmem>> -> memref<128xi32, #tpu.memory_space<vmem>>
        %dma_start3A_262 = arith.constant 0 : i32
        %dma_start3A_263 = arith.constant 0 : i32
        %dma_start3A_264 = tpu.memref_slice %arg3[%dma_start3A_262, %dma_start3A_263] : memref<514x64xbf16, #tpu.memory_space<hbm>> -> memref<514x64xbf16, #tpu.memory_space<hbm>>
        tpu.enqueue_indirect_dma source(%dma_start3A_264 : memref<514x64xbf16, #tpu.memory_space<hbm>>) target(%dma_start3A_258 : memref<128x64xbf16, #tpu.memory_space<vmem>>) offsets(%dma_start3A_261 : memref<128xi32, #tpu.memory_space<vmem>>) semaphore(%arg12 : memref<!tpu.dma_semaphore, #tpu.memory_space<semaphore_mem>>)
        %dma_start3A_265 = arith.constant 0 : i32
        %dma_start3A_266 = arith.constant 1 : i32
        %dma_start3A_267 = arith.constant 0 : i32
        %dma_start3A_268 = arith.constant 1 : i32
        %dma_start3A_269 = arith.constant 0 : i32
        %dma_start3A_270 = arith.constant 0 : i32
        %dma_start3A_271 = tpu.memref_slice %arg10[%dma_start3A_267, %dma_start3A_268, %dma_start3A_269, %dma_start3A_270] : memref<2x5x128x64xbf16, #tpu.memory_space<vmem>> -> memref<1x1x128x64xbf16, #tpu.memory_space<vmem>>
        %dma_start3A_272 = tpu.memref_squeeze %dma_start3A_271 : memref<1x1x128x64xbf16, #tpu.memory_space<vmem>> -> memref<128x64xbf16, #tpu.memory_space<vmem>>
        %dma_start3A_273 = arith.constant 0 : i32
        %dma_start3A_274 = tpu.memref_slice %arg9[%dma_start3A_265, %dma_start3A_266, %dma_start3A_273] : memref<2x5x128xi32, #tpu.memory_space<vmem>> -> memref<1x1x128xi32, #tpu.memory_space<vmem>>
        %dma_start3A_275 = tpu.memref_squeeze %dma_start3A_274 : memref<1x1x128xi32, #tpu.memory_space<vmem>> -> memref<128xi32, #tpu.memory_space<vmem>>
        %dma_start3A_276 = arith.constant 0 : i32
        %dma_start3A_277 = arith.constant 0 : i32
        %dma_start3A_278 = tpu.memref_slice %arg4[%dma_start3A_276, %dma_start3A_277] : memref<514x64xbf16, #tpu.memory_space<hbm>> -> memref<514x64xbf16, #tpu.memory_space<hbm>>
        tpu.enqueue_indirect_dma source(%dma_start3A_278 : memref<514x64xbf16, #tpu.memory_space<hbm>>) target(%dma_start3A_272 : memref<128x64xbf16, #tpu.memory_space<vmem>>) offsets(%dma_start3A_275 : memref<128xi32, #tpu.memory_space<vmem>>) semaphore(%arg12 : memref<!tpu.dma_semaphore, #tpu.memory_space<semaphore_mem>>)
        %dma_start3A_279 = arith.constant 0 : i32
        %dma_start3A_280 = arith.constant 2 : i32
        %dma_start3A_281 = arith.constant 0 : i32
        %dma_start3A_282 = arith.constant 2 : i32
        %dma_start3A_283 = arith.constant 0 : i32
        %dma_start3A_284 = arith.constant 0 : i32
        %dma_start3A_285 = tpu.memref_slice %arg10[%dma_start3A_281, %dma_start3A_282, %dma_start3A_283, %dma_start3A_284] : memref<2x5x128x64xbf16, #tpu.memory_space<vmem>> -> memref<1x1x128x64xbf16, #tpu.memory_space<vmem>>
        %dma_start3A_286 = tpu.memref_squeeze %dma_start3A_285 : memref<1x1x128x64xbf16, #tpu.memory_space<vmem>> -> memref<128x64xbf16, #tpu.memory_space<vmem>>
        %dma_start3A_287 = arith.constant 0 : i32
        %dma_start3A_288 = tpu.memref_slice %arg9[%dma_start3A_279, %dma_start3A_280, %dma_start3A_287] : memref<2x5x128xi32, #tpu.memory_space<vmem>> -> memref<1x1x128xi32, #tpu.memory_space<vmem>>
        %dma_start3A_289 = tpu.memref_squeeze %dma_start3A_288 : memref<1x1x128xi32, #tpu.memory_space<vmem>> -> memref<128xi32, #tpu.memory_space<vmem>>
        %dma_start3A_290 = arith.constant 0 : i32
        %dma_start3A_291 = arith.constant 0 : i32
        %dma_start3A_292 = tpu.memref_slice %arg5[%dma_start3A_290, %dma_start3A_291] : memref<514x64xbf16, #tpu.memory_space<hbm>> -> memref<514x64xbf16, #tpu.memory_space<hbm>>
        tpu.enqueue_indirect_dma source(%dma_start3A_292 : memref<514x64xbf16, #tpu.memory_space<hbm>>) target(%dma_start3A_286 : memref<128x64xbf16, #tpu.memory_space<vmem>>) offsets(%dma_start3A_289 : memref<128xi32, #tpu.memory_space<vmem>>) semaphore(%arg12 : memref<!tpu.dma_semaphore, #tpu.memory_space<semaphore_mem>>)
        %dma_start3A_293 = arith.constant 0 : i32
        %dma_start3A_294 = arith.constant 3 : i32
        %dma_start3A_295 = arith.constant 0 : i32
        %dma_start3A_296 = arith.constant 3 : i32
        %dma_start3A_297 = arith.constant 0 : i32
        %dma_start3A_298 = arith.constant 0 : i32
        %dma_start3A_299 = tpu.memref_slice %arg10[%dma_start3A_295, %dma_start3A_296, %dma_start3A_297, %dma_start3A_298] : memref<2x5x128x64xbf16, #tpu.memory_space<vmem>> -> memref<1x1x128x64xbf16, #tpu.memory_space<vmem>>
        %dma_start3A_300 = tpu.memref_squeeze %dma_start3A_299 : memref<1x1x128x64xbf16, #tpu.memory_space<vmem>> -> memref<128x64xbf16, #tpu.memory_space<vmem>>
        %dma_start3A_301 = arith.constant 0 : i32
        %dma_start3A_302 = tpu.memref_slice %arg9[%dma_start3A_293, %dma_start3A_294, %dma_start3A_301] : memref<2x5x128xi32, #tpu.memory_space<vmem>> -> memref<1x1x128xi32, #tpu.memory_space<vmem>>
        %dma_start3A_303 = tpu.memref_squeeze %dma_start3A_302 : memref<1x1x128xi32, #tpu.memory_space<vmem>> -> memref<128xi32, #tpu.memory_space<vmem>>
        %dma_start3A_304 = arith.constant 0 : i32
        %dma_start3A_305 = arith.constant 0 : i32
        %dma_start3A_306 = tpu.memref_slice %arg6[%dma_start3A_304, %dma_start3A_305] : memref<1001x64xbf16, #tpu.memory_space<hbm>> -> memref<1001x64xbf16, #tpu.memory_space<hbm>>
        tpu.enqueue_indirect_dma source(%dma_start3A_306 : memref<1001x64xbf16, #tpu.memory_space<hbm>>) target(%dma_start3A_300 : memref<128x64xbf16, #tpu.memory_space<vmem>>) offsets(%dma_start3A_303 : memref<128xi32, #tpu.memory_space<vmem>>) semaphore(%arg12 : memref<!tpu.dma_semaphore, #tpu.memory_space<semaphore_mem>>)
        %dma_start3A_307 = arith.constant 0 : i32
        %dma_start3A_308 = arith.constant 4 : i32
        %dma_start3A_309 = arith.constant 0 : i32
        %dma_start3A_310 = arith.constant 4 : i32
        %dma_start3A_311 = arith.constant 0 : i32
        %dma_start3A_312 = arith.constant 0 : i32
        %dma_start3A_313 = tpu.memref_slice %arg10[%dma_start3A_309, %dma_start3A_310, %dma_start3A_311, %dma_start3A_312] : memref<2x5x128x64xbf16, #tpu.memory_space<vmem>> -> memref<1x1x128x64xbf16, #tpu.memory_space<vmem>>
        %dma_start3A_314 = tpu.memref_squeeze %dma_start3A_313 : memref<1x1x128x64xbf16, #tpu.memory_space<vmem>> -> memref<128x64xbf16, #tpu.memory_space<vmem>>
        %dma_start3A_315 = arith.constant 0 : i32
        %dma_start3A_316 = tpu.memref_slice %arg9[%dma_start3A_307, %dma_start3A_308, %dma_start3A_315] : memref<2x5x128xi32, #tpu.memory_space<vmem>> -> memref<1x1x128xi32, #tpu.memory_space<vmem>>
        %dma_start3A_317 = tpu.memref_squeeze %dma_start3A_316 : memref<1x1x128xi32, #tpu.memory_space<vmem>> -> memref<128xi32, #tpu.memory_space<vmem>>
        %dma_start3A_318 = arith.constant 0 : i32
        %dma_start3A_319 = arith.constant 0 : i32
        %dma_start3A_320 = tpu.memref_slice %arg7[%dma_start3A_318, %dma_start3A_319] : memref<1001x64xbf16, #tpu.memory_space<hbm>> -> memref<1001x64xbf16, #tpu.memory_space<hbm>>
        tpu.enqueue_indirect_dma source(%dma_start3A_320 : memref<1001x64xbf16, #tpu.memory_space<hbm>>) target(%dma_start3A_314 : memref<128x64xbf16, #tpu.memory_space<vmem>>) offsets(%dma_start3A_317 : memref<128xi32, #tpu.memory_space<vmem>>) semaphore(%arg12 : memref<!tpu.dma_semaphore, #tpu.memory_space<semaphore_mem>>)
      } else {
      }
      %dma_wait3A_171 = arith.constant 1 : i32
      %dma_wait3A_172 = arith.constant 0 : i32
      %dma_wait3A_173 = arith.constant 1 : i32
      %dma_wait3A_174 = arith.constant 0 : i32
      %dma_wait3A_175 = arith.constant 0 : i32
      %dma_wait3A_176 = arith.constant 0 : i32
      %dma_wait3A_177 = tpu.memref_slice %arg10[%dma_wait3A_173, %dma_wait3A_174, %dma_wait3A_175, %dma_wait3A_176] : memref<2x5x128x64xbf16, #tpu.memory_space<vmem>> -> memref<1x1x128x64xbf16, #tpu.memory_space<vmem>>
      %dma_wait3A_178 = tpu.memref_squeeze %dma_wait3A_177 : memref<1x1x128x64xbf16, #tpu.memory_space<vmem>> -> memref<128x64xbf16, #tpu.memory_space<vmem>>
      %dma_wait3A_179 = arith.constant 0 : i32
      %dma_wait3A_180 = tpu.memref_slice %arg9[%dma_wait3A_171, %dma_wait3A_172, %dma_wait3A_179] : memref<2x5x128xi32, #tpu.memory_space<vmem>> -> memref<1x1x128xi32, #tpu.memory_space<vmem>>
      %dma_wait3A_181 = tpu.memref_squeeze %dma_wait3A_180 : memref<1x1x128xi32, #tpu.memory_space<vmem>> -> memref<128xi32, #tpu.memory_space<vmem>>
      %dma_wait3A_182 = arith.constant 0 : i32
      %dma_wait3A_183 = arith.constant 0 : i32
      %dma_wait3A_184 = tpu.memref_slice %arg3[%dma_wait3A_182, %dma_wait3A_183] : memref<514x64xbf16, #tpu.memory_space<hbm>> -> memref<514x64xbf16, #tpu.memory_space<hbm>>
      tpu.wait_indirect_dma semaphore(%arg13 : memref<!tpu.dma_semaphore, #tpu.memory_space<semaphore_mem>>) src(%dma_wait3A_184 : memref<514x64xbf16, #tpu.memory_space<hbm>>) dst(%dma_wait3A_178 : memref<128x64xbf16, #tpu.memory_space<vmem>>)
      %dma_wait3A_185 = arith.constant 1 : i32
      %dma_wait3A_186 = arith.constant 1 : i32
      %dma_wait3A_187 = arith.constant 1 : i32
      %dma_wait3A_188 = arith.constant 1 : i32
      %dma_wait3A_189 = arith.constant 0 : i32
      %dma_wait3A_190 = arith.constant 0 : i32
      %dma_wait3A_191 = tpu.memref_slice %arg10[%dma_wait3A_187, %dma_wait3A_188, %dma_wait3A_189, %dma_wait3A_190] : memref<2x5x128x64xbf16, #tpu.memory_space<vmem>> -> memref<1x1x128x64xbf16, #tpu.memory_space<vmem>>
      %dma_wait3A_192 = tpu.memref_squeeze %dma_wait3A_191 : memref<1x1x128x64xbf16, #tpu.memory_space<vmem>> -> memref<128x64xbf16, #tpu.memory_space<vmem>>
      %dma_wait3A_193 = arith.constant 0 : i32
      %dma_wait3A_194 = tpu.memref_slice %arg9[%dma_wait3A_185, %dma_wait3A_186, %dma_wait3A_193] : memref<2x5x128xi32, #tpu.memory_space<vmem>> -> memref<1x1x128xi32, #tpu.memory_space<vmem>>
      %dma_wait3A_195 = tpu.memref_squeeze %dma_wait3A_194 : memref<1x1x128xi32, #tpu.memory_space<vmem>> -> memref<128xi32, #tpu.memory_space<vmem>>
      %dma_wait3A_196 = arith.constant 0 : i32
      %dma_wait3A_197 = arith.constant 0 : i32
      %dma_wait3A_198 = tpu.memref_slice %arg4[%dma_wait3A_196, %dma_wait3A_197] : memref<514x64xbf16, #tpu.memory_space<hbm>> -> memref<514x64xbf16, #tpu.memory_space<hbm>>
      tpu.wait_indirect_dma semaphore(%arg13 : memref<!tpu.dma_semaphore, #tpu.memory_space<semaphore_mem>>) src(%dma_wait3A_198 : memref<514x64xbf16, #tpu.memory_space<hbm>>) dst(%dma_wait3A_192 : memref<128x64xbf16, #tpu.memory_space<vmem>>)
      %dma_wait3A_199 = arith.constant 1 : i32
      %dma_wait3A_200 = arith.constant 2 : i32
      %dma_wait3A_201 = arith.constant 1 : i32
      %dma_wait3A_202 = arith.constant 2 : i32
      %dma_wait3A_203 = arith.constant 0 : i32
      %dma_wait3A_204 = arith.constant 0 : i32
      %dma_wait3A_205 = tpu.memref_slice %arg10[%dma_wait3A_201, %dma_wait3A_202, %dma_wait3A_203, %dma_wait3A_204] : memref<2x5x128x64xbf16, #tpu.memory_space<vmem>> -> memref<1x1x128x64xbf16, #tpu.memory_space<vmem>>
      %dma_wait3A_206 = tpu.memref_squeeze %dma_wait3A_205 : memref<1x1x128x64xbf16, #tpu.memory_space<vmem>> -> memref<128x64xbf16, #tpu.memory_space<vmem>>
      %dma_wait3A_207 = arith.constant 0 : i32
      %dma_wait3A_208 = tpu.memref_slice %arg9[%dma_wait3A_199, %dma_wait3A_200, %dma_wait3A_207] : memref<2x5x128xi32, #tpu.memory_space<vmem>> -> memref<1x1x128xi32, #tpu.memory_space<vmem>>
      %dma_wait3A_209 = tpu.memref_squeeze %dma_wait3A_208 : memref<1x1x128xi32, #tpu.memory_space<vmem>> -> memref<128xi32, #tpu.memory_space<vmem>>
      %dma_wait3A_210 = arith.constant 0 : i32
      %dma_wait3A_211 = arith.constant 0 : i32
      %dma_wait3A_212 = tpu.memref_slice %arg5[%dma_wait3A_210, %dma_wait3A_211] : memref<514x64xbf16, #tpu.memory_space<hbm>> -> memref<514x64xbf16, #tpu.memory_space<hbm>>
      tpu.wait_indirect_dma semaphore(%arg13 : memref<!tpu.dma_semaphore, #tpu.memory_space<semaphore_mem>>) src(%dma_wait3A_212 : memref<514x64xbf16, #tpu.memory_space<hbm>>) dst(%dma_wait3A_206 : memref<128x64xbf16, #tpu.memory_space<vmem>>)
      %dma_wait3A_213 = arith.constant 1 : i32
      %dma_wait3A_214 = arith.constant 3 : i32
      %dma_wait3A_215 = arith.constant 1 : i32
      %dma_wait3A_216 = arith.constant 3 : i32
      %dma_wait3A_217 = arith.constant 0 : i32
      %dma_wait3A_218 = arith.constant 0 : i32
      %dma_wait3A_219 = tpu.memref_slice %arg10[%dma_wait3A_215, %dma_wait3A_216, %dma_wait3A_217, %dma_wait3A_218] : memref<2x5x128x64xbf16, #tpu.memory_space<vmem>> -> memref<1x1x128x64xbf16, #tpu.memory_space<vmem>>
      %dma_wait3A_220 = tpu.memref_squeeze %dma_wait3A_219 : memref<1x1x128x64xbf16, #tpu.memory_space<vmem>> -> memref<128x64xbf16, #tpu.memory_space<vmem>>
      %dma_wait3A_221 = arith.constant 0 : i32
      %dma_wait3A_222 = tpu.memref_slice %arg9[%dma_wait3A_213, %dma_wait3A_214, %dma_wait3A_221] : memref<2x5x128xi32, #tpu.memory_space<vmem>> -> memref<1x1x128xi32, #tpu.memory_space<vmem>>
      %dma_wait3A_223 = tpu.memref_squeeze %dma_wait3A_222 : memref<1x1x128xi32, #tpu.memory_space<vmem>> -> memref<128xi32, #tpu.memory_space<vmem>>
      %dma_wait3A_224 = arith.constant 0 : i32
      %dma_wait3A_225 = arith.constant 0 : i32
      %dma_wait3A_226 = tpu.memref_slice %arg6[%dma_wait3A_224, %dma_wait3A_225] : memref<1001x64xbf16, #tpu.memory_space<hbm>> -> memref<1001x64xbf16, #tpu.memory_space<hbm>>
      tpu.wait_indirect_dma semaphore(%arg13 : memref<!tpu.dma_semaphore, #tpu.memory_space<semaphore_mem>>) src(%dma_wait3A_226 : memref<1001x64xbf16, #tpu.memory_space<hbm>>) dst(%dma_wait3A_220 : memref<128x64xbf16, #tpu.memory_space<vmem>>)
      %dma_wait3A_227 = arith.constant 1 : i32
      %dma_wait3A_228 = arith.constant 4 : i32
      %dma_wait3A_229 = arith.constant 1 : i32
      %dma_wait3A_230 = arith.constant 4 : i32
      %dma_wait3A_231 = arith.constant 0 : i32
      %dma_wait3A_232 = arith.constant 0 : i32
      %dma_wait3A_233 = tpu.memref_slice %arg10[%dma_wait3A_229, %dma_wait3A_230, %dma_wait3A_231, %dma_wait3A_232] : memref<2x5x128x64xbf16, #tpu.memory_space<vmem>> -> memref<1x1x128x64xbf16, #tpu.memory_space<vmem>>
      %dma_wait3A_234 = tpu.memref_squeeze %dma_wait3A_233 : memref<1x1x128x64xbf16, #tpu.memory_space<vmem>> -> memref<128x64xbf16, #tpu.memory_space<vmem>>
      %dma_wait3A_235 = arith.constant 0 : i32
      %dma_wait3A_236 = tpu.memref_slice %arg9[%dma_wait3A_227, %dma_wait3A_228, %dma_wait3A_235] : memref<2x5x128xi32, #tpu.memory_space<vmem>> -> memref<1x1x128xi32, #tpu.memory_space<vmem>>
      %dma_wait3A_237 = tpu.memref_squeeze %dma_wait3A_236 : memref<1x1x128xi32, #tpu.memory_space<vmem>> -> memref<128xi32, #tpu.memory_space<vmem>>
      %dma_wait3A_238 = arith.constant 0 : i32
      %dma_wait3A_239 = arith.constant 0 : i32
      %dma_wait3A_240 = tpu.memref_slice %arg7[%dma_wait3A_238, %dma_wait3A_239] : memref<1001x64xbf16, #tpu.memory_space<hbm>> -> memref<1001x64xbf16, #tpu.memory_space<hbm>>
      tpu.wait_indirect_dma semaphore(%arg13 : memref<!tpu.dma_semaphore, #tpu.memory_space<semaphore_mem>>) src(%dma_wait3A_240 : memref<1001x64xbf16, #tpu.memory_space<hbm>>) dst(%dma_wait3A_234 : memref<128x64xbf16, #tpu.memory_space<vmem>>)
      %parallel_loop3A_241 = arith.constant 0 : i32
      %parallel_loop3A_242 = arith.constant 128 : i32
      %parallel_loop3A_243 = arith.constant 4 : i32
      scf.for %parallel_loop3A_248 = %parallel_loop3A_241 to %parallel_loop3A_242 step %parallel_loop3A_243  : i32 {
        %parallel_loop3A_249 = arith.constant 0 : i32
        %parallel_loop3A_250 = arith.addi %parallel_loop3A_248, %parallel_loop3A_249 : i32
        %parallel_loop3A_251 = arith.constant 1 : i32
        %parallel_loop3A_252 = arith.constant 0 : i32
        %parallel_loop3A_253 = arith.index_cast %parallel_loop3A_251 : i32 to index
        %parallel_loop3A_254 = arith.index_cast %parallel_loop3A_252 : i32 to index
        %parallel_loop3A_255 = arith.index_cast %parallel_loop3A_250 : i32 to index
        %parallel_loop3A_256 = arith.constant 0 : index
        %parallel_loop3A_257 = tpu.vector_load %arg10[%parallel_loop3A_253, %parallel_loop3A_254, %parallel_loop3A_255, %parallel_loop3A_256] {strides = array<i32>} : memref<2x5x128x64xbf16, #tpu.memory_space<vmem>>, vector<32xbf16>,
        %parallel_loop3A_258 = arith.constant 1 : i32
        %parallel_loop3A_259 = arith.constant 1 : i32
        %parallel_loop3A_260 = arith.index_cast %parallel_loop3A_258 : i32 to index
        %parallel_loop3A_261 = arith.index_cast %parallel_loop3A_259 : i32 to index
        %parallel_loop3A_262 = arith.index_cast %parallel_loop3A_250 : i32 to index
        %parallel_loop3A_263 = arith.constant 0 : index
        %parallel_loop3A_264 = tpu.vector_load %arg10[%parallel_loop3A_260, %parallel_loop3A_261, %parallel_loop3A_262, %parallel_loop3A_263] {strides = array<i32>} : memref<2x5x128x64xbf16, #tpu.memory_space<vmem>>, vector<32xbf16>,
        %parallel_loop3A_265 = arith.addf %parallel_loop3A_257, %parallel_loop3A_264 : vector<32xbf16>
        %parallel_loop3A_266 = arith.constant 1 : i32
        %parallel_loop3A_267 = arith.constant 2 : i32
        %parallel_loop3A_268 = arith.index_cast %parallel_loop3A_266 : i32 to index
        %parallel_loop3A_269 = arith.index_cast %parallel_loop3A_267 : i32 to index
        %parallel_loop3A_270 = arith.index_cast %parallel_loop3A_250 : i32 to index
        %parallel_loop3A_271 = arith.constant 0 : index
        %parallel_loop3A_272 = tpu.vector_load %arg10[%parallel_loop3A_268, %parallel_loop3A_269, %parallel_loop3A_270, %parallel_loop3A_271] {strides = array<i32>} : memref<2x5x128x64xbf16, #tpu.memory_space<vmem>>, vector<32xbf16>,
        %parallel_loop3A_273 = arith.addf %parallel_loop3A_265, %parallel_loop3A_272 : vector<32xbf16>
        %parallel_loop3A_274 = arith.constant 1 : i32
        %parallel_loop3A_275 = arith.constant 3 : i32
        %parallel_loop3A_276 = arith.index_cast %parallel_loop3A_274 : i32 to index
        %parallel_loop3A_277 = arith.index_cast %parallel_loop3A_275 : i32 to index
        %parallel_loop3A_278 = arith.index_cast %parallel_loop3A_250 : i32 to index
        %parallel_loop3A_279 = arith.constant 0 : index
        %parallel_loop3A_280 = tpu.vector_load %arg10[%parallel_loop3A_276, %parallel_loop3A_277, %parallel_loop3A_278, %parallel_loop3A_279] {strides = array<i32>} : memref<2x5x128x64xbf16, #tpu.memory_space<vmem>>, vector<32xbf16>,
        %parallel_loop3A_281 = arith.addf %parallel_loop3A_273, %parallel_loop3A_280 : vector<32xbf16>
        %parallel_loop3A_282 = arith.constant 1 : i32
        %parallel_loop3A_283 = arith.constant 4 : i32
        %parallel_loop3A_284 = arith.index_cast %parallel_loop3A_282 : i32 to index
        %parallel_loop3A_285 = arith.index_cast %parallel_loop3A_283 : i32 to index
        %parallel_loop3A_286 = arith.index_cast %parallel_loop3A_250 : i32 to index
        %parallel_loop3A_287 = arith.constant 0 : index
        %parallel_loop3A_288 = tpu.vector_load %arg10[%parallel_loop3A_284, %parallel_loop3A_285, %parallel_loop3A_286, %parallel_loop3A_287] {strides = array<i32>} : memref<2x5x128x64xbf16, #tpu.memory_space<vmem>>, vector<32xbf16>,
        %parallel_loop3A_289 = arith.addf %parallel_loop3A_281, %parallel_loop3A_288 : vector<32xbf16>
        %parallel_loop3A_290 = tpu.unpack_subelements %parallel_loop3A_289, 0 {pack_format = #tpu.pack_format<interleaved>} : vector<32xbf16> -> vector<16xf32>
        %parallel_loop3A_291 = tpu.unpack_subelements %parallel_loop3A_289, 1 {pack_format = #tpu.pack_format<interleaved>} : vector<32xbf16> -> vector<16xf32>
        %parallel_loop3A_292 = arith.constant 1 : i32
        %parallel_loop3A_293 = arith.index_cast %parallel_loop3A_292 : i32 to index
        %parallel_loop3A_294 = arith.index_cast %parallel_loop3A_250 : i32 to index
        %parallel_loop3A_295 = arith.constant 0 : index
        %parallel_loop3A_296 = tpu.vector_load %arg11[%parallel_loop3A_293, %parallel_loop3A_294, %parallel_loop3A_295] {strides = array<i32>} : memref<2x128x64xf32, #tpu.memory_space<vmem>>, vector<16xf32>,
        tpu.vector_store %arg11[%parallel_loop3A_293, %parallel_loop3A_294, %parallel_loop3A_295], %parallel_loop3A_290 {strides = array<i32>} : memref<2x128x64xf32, #tpu.memory_space<vmem>>, vector<16xf32>,
        %parallel_loop3A_297 = arith.constant 1 : i32
        %parallel_loop3A_298 = arith.index_cast %parallel_loop3A_297 : i32 to index
        %parallel_loop3A_299 = arith.index_cast %parallel_loop3A_250 : i32 to index
        %parallel_loop3A_300 = arith.constant 16 : index
        %parallel_loop3A_301 = tpu.vector_load %arg11[%parallel_loop3A_298, %parallel_loop3A_299, %parallel_loop3A_300] {strides = array<i32>} : memref<2x128x64xf32, #tpu.memory_space<vmem>>, vector<16xf32>,
        tpu.vector_store %arg11[%parallel_loop3A_298, %parallel_loop3A_299, %parallel_loop3A_300], %parallel_loop3A_291 {strides = array<i32>} : memref<2x128x64xf32, #tpu.memory_space<vmem>>, vector<16xf32>,
        %parallel_loop3A_302 = arith.constant 1 : i32
        %parallel_loop3A_303 = arith.constant 0 : i32
        %parallel_loop3A_304 = arith.index_cast %parallel_loop3A_302 : i32 to index
        %parallel_loop3A_305 = arith.index_cast %parallel_loop3A_303 : i32 to index
        %parallel_loop3A_306 = arith.index_cast %parallel_loop3A_250 : i32 to index
        %parallel_loop3A_307 = arith.constant 32 : index
        %parallel_loop3A_308 = tpu.vector_load %arg10[%parallel_loop3A_304, %parallel_loop3A_305, %parallel_loop3A_306, %parallel_loop3A_307] {strides = array<i32>} : memref<2x5x128x64xbf16, #tpu.memory_space<vmem>>, vector<32xbf16>,
        %parallel_loop3A_309 = arith.constant 1 : i32
        %parallel_loop3A_310 = arith.constant 1 : i32
        %parallel_loop3A_311 = arith.index_cast %parallel_loop3A_309 : i32 to index
        %parallel_loop3A_312 = arith.index_cast %parallel_loop3A_310 : i32 to index
        %parallel_loop3A_313 = arith.index_cast %parallel_loop3A_250 : i32 to index
        %parallel_loop3A_314 = arith.constant 32 : index
        %parallel_loop3A_315 = tpu.vector_load %arg10[%parallel_loop3A_311, %parallel_loop3A_312, %parallel_loop3A_313, %parallel_loop3A_314] {strides = array<i32>} : memref<2x5x128x64xbf16, #tpu.memory_space<vmem>>, vector<32xbf16>,
        %parallel_loop3A_316 = arith.addf %parallel_loop3A_308, %parallel_loop3A_315 : vector<32xbf16>
        %parallel_loop3A_317 = arith.constant 1 : i32
        %parallel_loop3A_318 = arith.constant 2 : i32
        %parallel_loop3A_319 = arith.index_cast %parallel_loop3A_317 : i32 to index
        %parallel_loop3A_320 = arith.index_cast %parallel_loop3A_318 : i32 to index
        %parallel_loop3A_321 = arith.index_cast %parallel_loop3A_250 : i32 to index
        %parallel_loop3A_322 = arith.constant 32 : index
        %parallel_loop3A_323 = tpu.vector_load %arg10[%parallel_loop3A_319, %parallel_loop3A_320, %parallel_loop3A_321, %parallel_loop3A_322] {strides = array<i32>} : memref<2x5x128x64xbf16, #tpu.memory_space<vmem>>, vector<32xbf16>,
        %parallel_loop3A_324 = arith.addf %parallel_loop3A_316, %parallel_loop3A_323 : vector<32xbf16>
        %parallel_loop3A_325 = arith.constant 1 : i32
        %parallel_loop3A_326 = arith.constant 3 : i32
        %parallel_loop3A_327 = arith.index_cast %parallel_loop3A_325 : i32 to index
        %parallel_loop3A_328 = arith.index_cast %parallel_loop3A_326 : i32 to index
        %parallel_loop3A_329 = arith.index_cast %parallel_loop3A_250 : i32 to index
        %parallel_loop3A_330 = arith.constant 32 : index
        %parallel_loop3A_331 = tpu.vector_load %arg10[%parallel_loop3A_327, %parallel_loop3A_328, %parallel_loop3A_329, %parallel_loop3A_330] {strides = array<i32>} : memref<2x5x128x64xbf16, #tpu.memory_space<vmem>>, vector<32xbf16>,
        %parallel_loop3A_332 = arith.addf %parallel_loop3A_324, %parallel_loop3A_331 : vector<32xbf16>
        %parallel_loop3A_333 = arith.constant 1 : i32
        %parallel_loop3A_334 = arith.constant 4 : i32
        %parallel_loop3A_335 = arith.index_cast %parallel_loop3A_333 : i32 to index
        %parallel_loop3A_336 = arith.index_cast %parallel_loop3A_334 : i32 to index
        %parallel_loop3A_337 = arith.index_cast %parallel_loop3A_250 : i32 to index
        %parallel_loop3A_338 = arith.constant 32 : index
        %parallel_loop3A_339 = tpu.vector_load %arg10[%parallel_loop3A_335, %parallel_loop3A_336, %parallel_loop3A_337, %parallel_loop3A_338] {strides = array<i32>} : memref<2x5x128x64xbf16, #tpu.memory_space<vmem>>, vector<32xbf16>,
        %parallel_loop3A_340 = arith.addf %parallel_loop3A_332, %parallel_loop3A_339 : vector<32xbf16>
        %parallel_loop3A_341 = tpu.unpack_subelements %parallel_loop3A_340, 0 {pack_format = #tpu.pack_format<interleaved>} : vector<32xbf16> -> vector<16xf32>
        %parallel_loop3A_342 = tpu.unpack_subelements %parallel_loop3A_340, 1 {pack_format = #tpu.pack_format<interleaved>} : vector<32xbf16> -> vector<16xf32>
        %parallel_loop3A_343 = arith.constant 1 : i32
        %parallel_loop3A_344 = arith.index_cast %parallel_loop3A_343 : i32 to index
        %parallel_loop3A_345 = arith.index_cast %parallel_loop3A_250 : i32 to index
        %parallel_loop3A_346 = arith.constant 32 : index
        %parallel_loop3A_347 = tpu.vector_load %arg11[%parallel_loop3A_344, %parallel_loop3A_345, %parallel_loop3A_346] {strides = array<i32>} : memref<2x128x64xf32, #tpu.memory_space<vmem>>, vector<16xf32>,
        tpu.vector_store %arg11[%parallel_loop3A_344, %parallel_loop3A_345, %parallel_loop3A_346], %parallel_loop3A_341 {strides = array<i32>} : memref<2x128x64xf32, #tpu.memory_space<vmem>>, vector<16xf32>,
        %parallel_loop3A_348 = arith.constant 1 : i32
        %parallel_loop3A_349 = arith.index_cast %parallel_loop3A_348 : i32 to index
        %parallel_loop3A_350 = arith.index_cast %parallel_loop3A_250 : i32 to index
        %parallel_loop3A_351 = arith.constant 48 : index
        %parallel_loop3A_352 = tpu.vector_load %arg11[%parallel_loop3A_349, %parallel_loop3A_350, %parallel_loop3A_351] {strides = array<i32>} : memref<2x128x64xf32, #tpu.memory_space<vmem>>, vector<16xf32>,
        tpu.vector_store %arg11[%parallel_loop3A_349, %parallel_loop3A_350, %parallel_loop3A_351], %parallel_loop3A_342 {strides = array<i32>} : memref<2x128x64xf32, #tpu.memory_space<vmem>>, vector<16xf32>,
        %parallel_loop3A_353 = arith.constant 1 : i32
        %parallel_loop3A_354 = arith.addi %parallel_loop3A_248, %parallel_loop3A_353 : i32
        %parallel_loop3A_355 = arith.constant 1 : i32
        %parallel_loop3A_356 = arith.constant 0 : i32
        %parallel_loop3A_357 = arith.index_cast %parallel_loop3A_355 : i32 to index
        %parallel_loop3A_358 = arith.index_cast %parallel_loop3A_356 : i32 to index
        %parallel_loop3A_359 = arith.index_cast %parallel_loop3A_354 : i32 to index
        %parallel_loop3A_360 = arith.constant 0 : index
        %parallel_loop3A_361 = tpu.vector_load %arg10[%parallel_loop3A_357, %parallel_loop3A_358, %parallel_loop3A_359, %parallel_loop3A_360] {strides = array<i32>} : memref<2x5x128x64xbf16, #tpu.memory_space<vmem>>, vector<32xbf16>,
        %parallel_loop3A_362 = arith.constant 1 : i32
        %parallel_loop3A_363 = arith.constant 1 : i32
        %parallel_loop3A_364 = arith.index_cast %parallel_loop3A_362 : i32 to index
        %parallel_loop3A_365 = arith.index_cast %parallel_loop3A_363 : i32 to index
        %parallel_loop3A_366 = arith.index_cast %parallel_loop3A_354 : i32 to index
        %parallel_loop3A_367 = arith.constant 0 : index
        %parallel_loop3A_368 = tpu.vector_load %arg10[%parallel_loop3A_364, %parallel_loop3A_365, %parallel_loop3A_366, %parallel_loop3A_367] {strides = array<i32>} : memref<2x5x128x64xbf16, #tpu.memory_space<vmem>>, vector<32xbf16>,
        %parallel_loop3A_369 = arith.addf %parallel_loop3A_361, %parallel_loop3A_368 : vector<32xbf16>
        %parallel_loop3A_370 = arith.constant 1 : i32
        %parallel_loop3A_371 = arith.constant 2 : i32
        %parallel_loop3A_372 = arith.index_cast %parallel_loop3A_370 : i32 to index
        %parallel_loop3A_373 = arith.index_cast %parallel_loop3A_371 : i32 to index
        %parallel_loop3A_374 = arith.index_cast %parallel_loop3A_354 : i32 to index
        %parallel_loop3A_375 = arith.constant 0 : index
        %parallel_loop3A_376 = tpu.vector_load %arg10[%parallel_loop3A_372, %parallel_loop3A_373, %parallel_loop3A_374, %parallel_loop3A_375] {strides = array<i32>} : memref<2x5x128x64xbf16, #tpu.memory_space<vmem>>, vector<32xbf16>,
        %parallel_loop3A_377 = arith.addf %parallel_loop3A_369, %parallel_loop3A_376 : vector<32xbf16>
        %parallel_loop3A_378 = arith.constant 1 : i32
        %parallel_loop3A_379 = arith.constant 3 : i32
        %parallel_loop3A_380 = arith.index_cast %parallel_loop3A_378 : i32 to index
        %parallel_loop3A_381 = arith.index_cast %parallel_loop3A_379 : i32 to index
        %parallel_loop3A_382 = arith.index_cast %parallel_loop3A_354 : i32 to index
        %parallel_loop3A_383 = arith.constant 0 : index
        %parallel_loop3A_384 = tpu.vector_load %arg10[%parallel_loop3A_380, %parallel_loop3A_381, %parallel_loop3A_382, %parallel_loop3A_383] {strides = array<i32>} : memref<2x5x128x64xbf16, #tpu.memory_space<vmem>>, vector<32xbf16>,
        %parallel_loop3A_385 = arith.addf %parallel_loop3A_377, %parallel_loop3A_384 : vector<32xbf16>
        %parallel_loop3A_386 = arith.constant 1 : i32
        %parallel_loop3A_387 = arith.constant 4 : i32
        %parallel_loop3A_388 = arith.index_cast %parallel_loop3A_386 : i32 to index
        %parallel_loop3A_389 = arith.index_cast %parallel_loop3A_387 : i32 to index
        %parallel_loop3A_390 = arith.index_cast %parallel_loop3A_354 : i32 to index
        %parallel_loop3A_391 = arith.constant 0 : index
        %parallel_loop3A_392 = tpu.vector_load %arg10[%parallel_loop3A_388, %parallel_loop3A_389, %parallel_loop3A_390, %parallel_loop3A_391] {strides = array<i32>} : memref<2x5x128x64xbf16, #tpu.memory_space<vmem>>, vector<32xbf16>,
        %parallel_loop3A_393 = arith.addf %parallel_loop3A_385, %parallel_loop3A_392 : vector<32xbf16>
        %parallel_loop3A_394 = tpu.unpack_subelements %parallel_loop3A_393, 0 {pack_format = #tpu.pack_format<interleaved>} : vector<32xbf16> -> vector<16xf32>
        %parallel_loop3A_395 = tpu.unpack_subelements %parallel_loop3A_393, 1 {pack_format = #tpu.pack_format<interleaved>} : vector<32xbf16> -> vector<16xf32>
        %parallel_loop3A_396 = arith.constant 1 : i32
        %parallel_loop3A_397 = arith.index_cast %parallel_loop3A_396 : i32 to index
        %parallel_loop3A_398 = arith.index_cast %parallel_loop3A_354 : i32 to index
        %parallel_loop3A_399 = arith.constant 0 : index
        %parallel_loop3A_400 = tpu.vector_load %arg11[%parallel_loop3A_397, %parallel_loop3A_398, %parallel_loop3A_399] {strides = array<i32>} : memref<2x128x64xf32, #tpu.memory_space<vmem>>, vector<16xf32>,
        tpu.vector_store %arg11[%parallel_loop3A_397, %parallel_loop3A_398, %parallel_loop3A_399], %parallel_loop3A_394 {strides = array<i32>} : memref<2x128x64xf32, #tpu.memory_space<vmem>>, vector<16xf32>,
        %parallel_loop3A_401 = arith.constant 1 : i32
        %parallel_loop3A_402 = arith.index_cast %parallel_loop3A_401 : i32 to index
        %parallel_loop3A_403 = arith.index_cast %parallel_loop3A_354 : i32 to index
        %parallel_loop3A_404 = arith.constant 16 : index
        %parallel_loop3A_405 = tpu.vector_load %arg11[%parallel_loop3A_402, %parallel_loop3A_403, %parallel_loop3A_404] {strides = array<i32>} : memref<2x128x64xf32, #tpu.memory_space<vmem>>, vector<16xf32>,
        tpu.vector_store %arg11[%parallel_loop3A_402, %parallel_loop3A_403, %parallel_loop3A_404], %parallel_loop3A_395 {strides = array<i32>} : memref<2x128x64xf32, #tpu.memory_space<vmem>>, vector<16xf32>,
        %parallel_loop3A_406 = arith.constant 1 : i32
        %parallel_loop3A_407 = arith.constant 0 : i32
        %parallel_loop3A_408 = arith.index_cast %parallel_loop3A_406 : i32 to index
        %parallel_loop3A_409 = arith.index_cast %parallel_loop3A_407 : i32 to index
        %parallel_loop3A_410 = arith.index_cast %parallel_loop3A_354 : i32 to index
        %parallel_loop3A_411 = arith.constant 32 : index
        %parallel_loop3A_412 = tpu.vector_load %arg10[%parallel_loop3A_408, %parallel_loop3A_409, %parallel_loop3A_410, %parallel_loop3A_411] {strides = array<i32>} : memref<2x5x128x64xbf16, #tpu.memory_space<vmem>>, vector<32xbf16>,
        %parallel_loop3A_413 = arith.constant 1 : i32
        %parallel_loop3A_414 = arith.constant 1 : i32
        %parallel_loop3A_415 = arith.index_cast %parallel_loop3A_413 : i32 to index
        %parallel_loop3A_416 = arith.index_cast %parallel_loop3A_414 : i32 to index
        %parallel_loop3A_417 = arith.index_cast %parallel_loop3A_354 : i32 to index
        %parallel_loop3A_418 = arith.constant 32 : index
        %parallel_loop3A_419 = tpu.vector_load %arg10[%parallel_loop3A_415, %parallel_loop3A_416, %parallel_loop3A_417, %parallel_loop3A_418] {strides = array<i32>} : memref<2x5x128x64xbf16, #tpu.memory_space<vmem>>, vector<32xbf16>,
        %parallel_loop3A_420 = arith.addf %parallel_loop3A_412, %parallel_loop3A_419 : vector<32xbf16>
        %parallel_loop3A_421 = arith.constant 1 : i32
        %parallel_loop3A_422 = arith.constant 2 : i32
        %parallel_loop3A_423 = arith.index_cast %parallel_loop3A_421 : i32 to index
        %parallel_loop3A_424 = arith.index_cast %parallel_loop3A_422 : i32 to index
        %parallel_loop3A_425 = arith.index_cast %parallel_loop3A_354 : i32 to index
        %parallel_loop3A_426 = arith.constant 32 : index
        %parallel_loop3A_427 = tpu.vector_load %arg10[%parallel_loop3A_423, %parallel_loop3A_424, %parallel_loop3A_425, %parallel_loop3A_426] {strides = array<i32>} : memref<2x5x128x64xbf16, #tpu.memory_space<vmem>>, vector<32xbf16>,
        %parallel_loop3A_428 = arith.addf %parallel_loop3A_420, %parallel_loop3A_427 : vector<32xbf16>
        %parallel_loop3A_429 = arith.constant 1 : i32
        %parallel_loop3A_430 = arith.constant 3 : i32
        %parallel_loop3A_431 = arith.index_cast %parallel_loop3A_429 : i32 to index
        %parallel_loop3A_432 = arith.index_cast %parallel_loop3A_430 : i32 to index
        %parallel_loop3A_433 = arith.index_cast %parallel_loop3A_354 : i32 to index
        %parallel_loop3A_434 = arith.constant 32 : index
        %parallel_loop3A_435 = tpu.vector_load %arg10[%parallel_loop3A_431, %parallel_loop3A_432, %parallel_loop3A_433, %parallel_loop3A_434] {strides = array<i32>} : memref<2x5x128x64xbf16, #tpu.memory_space<vmem>>, vector<32xbf16>,
        %parallel_loop3A_436 = arith.addf %parallel_loop3A_428, %parallel_loop3A_435 : vector<32xbf16>
        %parallel_loop3A_437 = arith.constant 1 : i32
        %parallel_loop3A_438 = arith.constant 4 : i32
        %parallel_loop3A_439 = arith.index_cast %parallel_loop3A_437 : i32 to index
        %parallel_loop3A_440 = arith.index_cast %parallel_loop3A_438 : i32 to index
        %parallel_loop3A_441 = arith.index_cast %parallel_loop3A_354 : i32 to index
        %parallel_loop3A_442 = arith.constant 32 : index
        %parallel_loop3A_443 = tpu.vector_load %arg10[%parallel_loop3A_439, %parallel_loop3A_440, %parallel_loop3A_441, %parallel_loop3A_442] {strides = array<i32>} : memref<2x5x128x64xbf16, #tpu.memory_space<vmem>>, vector<32xbf16>,
        %parallel_loop3A_444 = arith.addf %parallel_loop3A_436, %parallel_loop3A_443 : vector<32xbf16>
        %parallel_loop3A_445 = tpu.unpack_subelements %parallel_loop3A_444, 0 {pack_format = #tpu.pack_format<interleaved>} : vector<32xbf16> -> vector<16xf32>
        %parallel_loop3A_446 = tpu.unpack_subelements %parallel_loop3A_444, 1 {pack_format = #tpu.pack_format<interleaved>} : vector<32xbf16> -> vector<16xf32>
        %parallel_loop3A_447 = arith.constant 1 : i32
        %parallel_loop3A_448 = arith.index_cast %parallel_loop3A_447 : i32 to index
        %parallel_loop3A_449 = arith.index_cast %parallel_loop3A_354 : i32 to index
        %parallel_loop3A_450 = arith.constant 32 : index
        %parallel_loop3A_451 = tpu.vector_load %arg11[%parallel_loop3A_448, %parallel_loop3A_449, %parallel_loop3A_450] {strides = array<i32>} : memref<2x128x64xf32, #tpu.memory_space<vmem>>, vector<16xf32>,
        tpu.vector_store %arg11[%parallel_loop3A_448, %parallel_loop3A_449, %parallel_loop3A_450], %parallel_loop3A_445 {strides = array<i32>} : memref<2x128x64xf32, #tpu.memory_space<vmem>>, vector<16xf32>,
        %parallel_loop3A_452 = arith.constant 1 : i32
        %parallel_loop3A_453 = arith.index_cast %parallel_loop3A_452 : i32 to index
        %parallel_loop3A_454 = arith.index_cast %parallel_loop3A_354 : i32 to index
        %parallel_loop3A_455 = arith.constant 48 : index
        %parallel_loop3A_456 = tpu.vector_load %arg11[%parallel_loop3A_453, %parallel_loop3A_454, %parallel_loop3A_455] {strides = array<i32>} : memref<2x128x64xf32, #tpu.memory_space<vmem>>, vector<16xf32>,
        tpu.vector_store %arg11[%parallel_loop3A_453, %parallel_loop3A_454, %parallel_loop3A_455], %parallel_loop3A_446 {strides = array<i32>} : memref<2x128x64xf32, #tpu.memory_space<vmem>>, vector<16xf32>,
        %parallel_loop3A_457 = arith.constant 2 : i32
        %parallel_loop3A_458 = arith.addi %parallel_loop3A_248, %parallel_loop3A_457 : i32
        %parallel_loop3A_459 = arith.constant 1 : i32
        %parallel_loop3A_460 = arith.constant 0 : i32
        %parallel_loop3A_461 = arith.index_cast %parallel_loop3A_459 : i32 to index
        %parallel_loop3A_462 = arith.index_cast %parallel_loop3A_460 : i32 to index
        %parallel_loop3A_463 = arith.index_cast %parallel_loop3A_458 : i32 to index
        %parallel_loop3A_464 = arith.constant 0 : index
        %parallel_loop3A_465 = tpu.vector_load %arg10[%parallel_loop3A_461, %parallel_loop3A_462, %parallel_loop3A_463, %parallel_loop3A_464] {strides = array<i32>} : memref<2x5x128x64xbf16, #tpu.memory_space<vmem>>, vector<32xbf16>,
        %parallel_loop3A_466 = arith.constant 1 : i32
        %parallel_loop3A_467 = arith.constant 1 : i32
        %parallel_loop3A_468 = arith.index_cast %parallel_loop3A_466 : i32 to index
        %parallel_loop3A_469 = arith.index_cast %parallel_loop3A_467 : i32 to index
        %parallel_loop3A_470 = arith.index_cast %parallel_loop3A_458 : i32 to index
        %parallel_loop3A_471 = arith.constant 0 : index
        %parallel_loop3A_472 = tpu.vector_load %arg10[%parallel_loop3A_468, %parallel_loop3A_469, %parallel_loop3A_470, %parallel_loop3A_471] {strides = array<i32>} : memref<2x5x128x64xbf16, #tpu.memory_space<vmem>>, vector<32xbf16>,
        %parallel_loop3A_473 = arith.addf %parallel_loop3A_465, %parallel_loop3A_472 : vector<32xbf16>
        %parallel_loop3A_474 = arith.constant 1 : i32
        %parallel_loop3A_475 = arith.constant 2 : i32
        %parallel_loop3A_476 = arith.index_cast %parallel_loop3A_474 : i32 to index
        %parallel_loop3A_477 = arith.index_cast %parallel_loop3A_475 : i32 to index
        %parallel_loop3A_478 = arith.index_cast %parallel_loop3A_458 : i32 to index
        %parallel_loop3A_479 = arith.constant 0 : index
        %parallel_loop3A_480 = tpu.vector_load %arg10[%parallel_loop3A_476, %parallel_loop3A_477, %parallel_loop3A_478, %parallel_loop3A_479] {strides = array<i32>} : memref<2x5x128x64xbf16, #tpu.memory_space<vmem>>, vector<32xbf16>,
        %parallel_loop3A_481 = arith.addf %parallel_loop3A_473, %parallel_loop3A_480 : vector<32xbf16>
        %parallel_loop3A_482 = arith.constant 1 : i32
        %parallel_loop3A_483 = arith.constant 3 : i32
        %parallel_loop3A_484 = arith.index_cast %parallel_loop3A_482 : i32 to index
        %parallel_loop3A_485 = arith.index_cast %parallel_loop3A_483 : i32 to index
        %parallel_loop3A_486 = arith.index_cast %parallel_loop3A_458 : i32 to index
        %parallel_loop3A_487 = arith.constant 0 : index
        %parallel_loop3A_488 = tpu.vector_load %arg10[%parallel_loop3A_484, %parallel_loop3A_485, %parallel_loop3A_486, %parallel_loop3A_487] {strides = array<i32>} : memref<2x5x128x64xbf16, #tpu.memory_space<vmem>>, vector<32xbf16>,
        %parallel_loop3A_489 = arith.addf %parallel_loop3A_481, %parallel_loop3A_488 : vector<32xbf16>
        %parallel_loop3A_490 = arith.constant 1 : i32
        %parallel_loop3A_491 = arith.constant 4 : i32
        %parallel_loop3A_492 = arith.index_cast %parallel_loop3A_490 : i32 to index
        %parallel_loop3A_493 = arith.index_cast %parallel_loop3A_491 : i32 to index
        %parallel_loop3A_494 = arith.index_cast %parallel_loop3A_458 : i32 to index
        %parallel_loop3A_495 = arith.constant 0 : index
        %parallel_loop3A_496 = tpu.vector_load %arg10[%parallel_loop3A_492, %parallel_loop3A_493, %parallel_loop3A_494, %parallel_loop3A_495] {strides = array<i32>} : memref<2x5x128x64xbf16, #tpu.memory_space<vmem>>, vector<32xbf16>,
        %parallel_loop3A_497 = arith.addf %parallel_loop3A_489, %parallel_loop3A_496 : vector<32xbf16>
        %parallel_loop3A_498 = tpu.unpack_subelements %parallel_loop3A_497, 0 {pack_format = #tpu.pack_format<interleaved>} : vector<32xbf16> -> vector<16xf32>
        %parallel_loop3A_499 = tpu.unpack_subelements %parallel_loop3A_497, 1 {pack_format = #tpu.pack_format<interleaved>} : vector<32xbf16> -> vector<16xf32>
        %parallel_loop3A_500 = arith.constant 1 : i32
        %parallel_loop3A_501 = arith.index_cast %parallel_loop3A_500 : i32 to index
        %parallel_loop3A_502 = arith.index_cast %parallel_loop3A_458 : i32 to index
        %parallel_loop3A_503 = arith.constant 0 : index
        %parallel_loop3A_504 = tpu.vector_load %arg11[%parallel_loop3A_501, %parallel_loop3A_502, %parallel_loop3A_503] {strides = array<i32>} : memref<2x128x64xf32, #tpu.memory_space<vmem>>, vector<16xf32>,
        tpu.vector_store %arg11[%parallel_loop3A_501, %parallel_loop3A_502, %parallel_loop3A_503], %parallel_loop3A_498 {strides = array<i32>} : memref<2x128x64xf32, #tpu.memory_space<vmem>>, vector<16xf32>,
        %parallel_loop3A_505 = arith.constant 1 : i32
        %parallel_loop3A_506 = arith.index_cast %parallel_loop3A_505 : i32 to index
        %parallel_loop3A_507 = arith.index_cast %parallel_loop3A_458 : i32 to index
        %parallel_loop3A_508 = arith.constant 16 : index
        %parallel_loop3A_509 = tpu.vector_load %arg11[%parallel_loop3A_506, %parallel_loop3A_507, %parallel_loop3A_508] {strides = array<i32>} : memref<2x128x64xf32, #tpu.memory_space<vmem>>, vector<16xf32>,
        tpu.vector_store %arg11[%parallel_loop3A_506, %parallel_loop3A_507, %parallel_loop3A_508], %parallel_loop3A_499 {strides = array<i32>} : memref<2x128x64xf32, #tpu.memory_space<vmem>>, vector<16xf32>,
        %parallel_loop3A_510 = arith.constant 1 : i32
        %parallel_loop3A_511 = arith.constant 0 : i32
        %parallel_loop3A_512 = arith.index_cast %parallel_loop3A_510 : i32 to index
        %parallel_loop3A_513 = arith.index_cast %parallel_loop3A_511 : i32 to index
        %parallel_loop3A_514 = arith.index_cast %parallel_loop3A_458 : i32 to index
        %parallel_loop3A_515 = arith.constant 32 : index
        %parallel_loop3A_516 = tpu.vector_load %arg10[%parallel_loop3A_512, %parallel_loop3A_513, %parallel_loop3A_514, %parallel_loop3A_515] {strides = array<i32>} : memref<2x5x128x64xbf16, #tpu.memory_space<vmem>>, vector<32xbf16>,
        %parallel_loop3A_517 = arith.constant 1 : i32
        %parallel_loop3A_518 = arith.constant 1 : i32
        %parallel_loop3A_519 = arith.index_cast %parallel_loop3A_517 : i32 to index
        %parallel_loop3A_520 = arith.index_cast %parallel_loop3A_518 : i32 to index
        %parallel_loop3A_521 = arith.index_cast %parallel_loop3A_458 : i32 to index
        %parallel_loop3A_522 = arith.constant 32 : index
        %parallel_loop3A_523 = tpu.vector_load %arg10[%parallel_loop3A_519, %parallel_loop3A_520, %parallel_loop3A_521, %parallel_loop3A_522] {strides = array<i32>} : memref<2x5x128x64xbf16, #tpu.memory_space<vmem>>, vector<32xbf16>,
        %parallel_loop3A_524 = arith.addf %parallel_loop3A_516, %parallel_loop3A_523 : vector<32xbf16>
        %parallel_loop3A_525 = arith.constant 1 : i32
        %parallel_loop3A_526 = arith.constant 2 : i32
        %parallel_loop3A_527 = arith.index_cast %parallel_loop3A_525 : i32 to index
        %parallel_loop3A_528 = arith.index_cast %parallel_loop3A_526 : i32 to index
        %parallel_loop3A_529 = arith.index_cast %parallel_loop3A_458 : i32 to index
        %parallel_loop3A_530 = arith.constant 32 : index
        %parallel_loop3A_531 = tpu.vector_load %arg10[%parallel_loop3A_527, %parallel_loop3A_528, %parallel_loop3A_529, %parallel_loop3A_530] {strides = array<i32>} : memref<2x5x128x64xbf16, #tpu.memory_space<vmem>>, vector<32xbf16>,
        %parallel_loop3A_532 = arith.addf %parallel_loop3A_524, %parallel_loop3A_531 : vector<32xbf16>
        %parallel_loop3A_533 = arith.constant 1 : i32
        %parallel_loop3A_534 = arith.constant 3 : i32
        %parallel_loop3A_535 = arith.index_cast %parallel_loop3A_533 : i32 to index
        %parallel_loop3A_536 = arith.index_cast %parallel_loop3A_534 : i32 to index
        %parallel_loop3A_537 = arith.index_cast %parallel_loop3A_458 : i32 to index
        %parallel_loop3A_538 = arith.constant 32 : index
        %parallel_loop3A_539 = tpu.vector_load %arg10[%parallel_loop3A_535, %parallel_loop3A_536, %parallel_loop3A_537, %parallel_loop3A_538] {strides = array<i32>} : memref<2x5x128x64xbf16, #tpu.memory_space<vmem>>, vector<32xbf16>,
        %parallel_loop3A_540 = arith.addf %parallel_loop3A_532, %parallel_loop3A_539 : vector<32xbf16>
        %parallel_loop3A_541 = arith.constant 1 : i32
        %parallel_loop3A_542 = arith.constant 4 : i32
        %parallel_loop3A_543 = arith.index_cast %parallel_loop3A_541 : i32 to index
        %parallel_loop3A_544 = arith.index_cast %parallel_loop3A_542 : i32 to index
        %parallel_loop3A_545 = arith.index_cast %parallel_loop3A_458 : i32 to index
        %parallel_loop3A_546 = arith.constant 32 : index
        %parallel_loop3A_547 = tpu.vector_load %arg10[%parallel_loop3A_543, %parallel_loop3A_544, %parallel_loop3A_545, %parallel_loop3A_546] {strides = array<i32>} : memref<2x5x128x64xbf16, #tpu.memory_space<vmem>>, vector<32xbf16>,
        %parallel_loop3A_548 = arith.addf %parallel_loop3A_540, %parallel_loop3A_547 : vector<32xbf16>
        %parallel_loop3A_549 = tpu.unpack_subelements %parallel_loop3A_548, 0 {pack_format = #tpu.pack_format<interleaved>} : vector<32xbf16> -> vector<16xf32>
        %parallel_loop3A_550 = tpu.unpack_subelements %parallel_loop3A_548, 1 {pack_format = #tpu.pack_format<interleaved>} : vector<32xbf16> -> vector<16xf32>
        %parallel_loop3A_551 = arith.constant 1 : i32
        %parallel_loop3A_552 = arith.index_cast %parallel_loop3A_551 : i32 to index
        %parallel_loop3A_553 = arith.index_cast %parallel_loop3A_458 : i32 to index
        %parallel_loop3A_554 = arith.constant 32 : index
        %parallel_loop3A_555 = tpu.vector_load %arg11[%parallel_loop3A_552, %parallel_loop3A_553, %parallel_loop3A_554] {strides = array<i32>} : memref<2x128x64xf32, #tpu.memory_space<vmem>>, vector<16xf32>,
        tpu.vector_store %arg11[%parallel_loop3A_552, %parallel_loop3A_553, %parallel_loop3A_554], %parallel_loop3A_549 {strides = array<i32>} : memref<2x128x64xf32, #tpu.memory_space<vmem>>, vector<16xf32>,
        %parallel_loop3A_556 = arith.constant 1 : i32
        %parallel_loop3A_557 = arith.index_cast %parallel_loop3A_556 : i32 to index
        %parallel_loop3A_558 = arith.index_cast %parallel_loop3A_458 : i32 to index
        %parallel_loop3A_559 = arith.constant 48 : index
        %parallel_loop3A_560 = tpu.vector_load %arg11[%parallel_loop3A_557, %parallel_loop3A_558, %parallel_loop3A_559] {strides = array<i32>} : memref<2x128x64xf32, #tpu.memory_space<vmem>>, vector<16xf32>,
        tpu.vector_store %arg11[%parallel_loop3A_557, %parallel_loop3A_558, %parallel_loop3A_559], %parallel_loop3A_550 {strides = array<i32>} : memref<2x128x64xf32, #tpu.memory_space<vmem>>, vector<16xf32>,
        %parallel_loop3A_561 = arith.constant 3 : i32
        %parallel_loop3A_562 = arith.addi %parallel_loop3A_248, %parallel_loop3A_561 : i32
        %parallel_loop3A_563 = arith.constant 1 : i32
        %parallel_loop3A_564 = arith.constant 0 : i32
        %parallel_loop3A_565 = arith.index_cast %parallel_loop3A_563 : i32 to index
        %parallel_loop3A_566 = arith.index_cast %parallel_loop3A_564 : i32 to index
        %parallel_loop3A_567 = arith.index_cast %parallel_loop3A_562 : i32 to index
        %parallel_loop3A_568 = arith.constant 0 : index
        %parallel_loop3A_569 = tpu.vector_load %arg10[%parallel_loop3A_565, %parallel_loop3A_566, %parallel_loop3A_567, %parallel_loop3A_568] {strides = array<i32>} : memref<2x5x128x64xbf16, #tpu.memory_space<vmem>>, vector<32xbf16>,
        %parallel_loop3A_570 = arith.constant 1 : i32
        %parallel_loop3A_571 = arith.constant 1 : i32
        %parallel_loop3A_572 = arith.index_cast %parallel_loop3A_570 : i32 to index
        %parallel_loop3A_573 = arith.index_cast %parallel_loop3A_571 : i32 to index
        %parallel_loop3A_574 = arith.index_cast %parallel_loop3A_562 : i32 to index
        %parallel_loop3A_575 = arith.constant 0 : index
        %parallel_loop3A_576 = tpu.vector_load %arg10[%parallel_loop3A_572, %parallel_loop3A_573, %parallel_loop3A_574, %parallel_loop3A_575] {strides = array<i32>} : memref<2x5x128x64xbf16, #tpu.memory_space<vmem>>, vector<32xbf16>,
        %parallel_loop3A_577 = arith.addf %parallel_loop3A_569, %parallel_loop3A_576 : vector<32xbf16>
        %parallel_loop3A_578 = arith.constant 1 : i32
        %parallel_loop3A_579 = arith.constant 2 : i32
        %parallel_loop3A_580 = arith.index_cast %parallel_loop3A_578 : i32 to index
        %parallel_loop3A_581 = arith.index_cast %parallel_loop3A_579 : i32 to index
        %parallel_loop3A_582 = arith.index_cast %parallel_loop3A_562 : i32 to index
        %parallel_loop3A_583 = arith.constant 0 : index
        %parallel_loop3A_584 = tpu.vector_load %arg10[%parallel_loop3A_580, %parallel_loop3A_581, %parallel_loop3A_582, %parallel_loop3A_583] {strides = array<i32>} : memref<2x5x128x64xbf16, #tpu.memory_space<vmem>>, vector<32xbf16>,
        %parallel_loop3A_585 = arith.addf %parallel_loop3A_577, %parallel_loop3A_584 : vector<32xbf16>
        %parallel_loop3A_586 = arith.constant 1 : i32
        %parallel_loop3A_587 = arith.constant 3 : i32
        %parallel_loop3A_588 = arith.index_cast %parallel_loop3A_586 : i32 to index
        %parallel_loop3A_589 = arith.index_cast %parallel_loop3A_587 : i32 to index
        %parallel_loop3A_590 = arith.index_cast %parallel_loop3A_562 : i32 to index
        %parallel_loop3A_591 = arith.constant 0 : index
        %parallel_loop3A_592 = tpu.vector_load %arg10[%parallel_loop3A_588, %parallel_loop3A_589, %parallel_loop3A_590, %parallel_loop3A_591] {strides = array<i32>} : memref<2x5x128x64xbf16, #tpu.memory_space<vmem>>, vector<32xbf16>,
        %parallel_loop3A_593 = arith.addf %parallel_loop3A_585, %parallel_loop3A_592 : vector<32xbf16>
        %parallel_loop3A_594 = arith.constant 1 : i32
        %parallel_loop3A_595 = arith.constant 4 : i32
        %parallel_loop3A_596 = arith.index_cast %parallel_loop3A_594 : i32 to index
        %parallel_loop3A_597 = arith.index_cast %parallel_loop3A_595 : i32 to index
        %parallel_loop3A_598 = arith.index_cast %parallel_loop3A_562 : i32 to index
        %parallel_loop3A_599 = arith.constant 0 : index
        %parallel_loop3A_600 = tpu.vector_load %arg10[%parallel_loop3A_596, %parallel_loop3A_597, %parallel_loop3A_598, %parallel_loop3A_599] {strides = array<i32>} : memref<2x5x128x64xbf16, #tpu.memory_space<vmem>>, vector<32xbf16>,
        %parallel_loop3A_601 = arith.addf %parallel_loop3A_593, %parallel_loop3A_600 : vector<32xbf16>
        %parallel_loop3A_602 = tpu.unpack_subelements %parallel_loop3A_601, 0 {pack_format = #tpu.pack_format<interleaved>} : vector<32xbf16> -> vector<16xf32>
        %parallel_loop3A_603 = tpu.unpack_subelements %parallel_loop3A_601, 1 {pack_format = #tpu.pack_format<interleaved>} : vector<32xbf16> -> vector<16xf32>
        %parallel_loop3A_604 = arith.constant 1 : i32
        %parallel_loop3A_605 = arith.index_cast %parallel_loop3A_604 : i32 to index
        %parallel_loop3A_606 = arith.index_cast %parallel_loop3A_562 : i32 to index
        %parallel_loop3A_607 = arith.constant 0 : index
        %parallel_loop3A_608 = tpu.vector_load %arg11[%parallel_loop3A_605, %parallel_loop3A_606, %parallel_loop3A_607] {strides = array<i32>} : memref<2x128x64xf32, #tpu.memory_space<vmem>>, vector<16xf32>,
        tpu.vector_store %arg11[%parallel_loop3A_605, %parallel_loop3A_606, %parallel_loop3A_607], %parallel_loop3A_602 {strides = array<i32>} : memref<2x128x64xf32, #tpu.memory_space<vmem>>, vector<16xf32>,
        %parallel_loop3A_609 = arith.constant 1 : i32
        %parallel_loop3A_610 = arith.index_cast %parallel_loop3A_609 : i32 to index
        %parallel_loop3A_611 = arith.index_cast %parallel_loop3A_562 : i32 to index
        %parallel_loop3A_612 = arith.constant 16 : index
        %parallel_loop3A_613 = tpu.vector_load %arg11[%parallel_loop3A_610, %parallel_loop3A_611, %parallel_loop3A_612] {strides = array<i32>} : memref<2x128x64xf32, #tpu.memory_space<vmem>>, vector<16xf32>,
        tpu.vector_store %arg11[%parallel_loop3A_610, %parallel_loop3A_611, %parallel_loop3A_612], %parallel_loop3A_603 {strides = array<i32>} : memref<2x128x64xf32, #tpu.memory_space<vmem>>, vector<16xf32>,
        %parallel_loop3A_614 = arith.constant 1 : i32
        %parallel_loop3A_615 = arith.constant 0 : i32
        %parallel_loop3A_616 = arith.index_cast %parallel_loop3A_614 : i32 to index
        %parallel_loop3A_617 = arith.index_cast %parallel_loop3A_615 : i32 to index
        %parallel_loop3A_618 = arith.index_cast %parallel_loop3A_562 : i32 to index
        %parallel_loop3A_619 = arith.constant 32 : index
        %parallel_loop3A_620 = tpu.vector_load %arg10[%parallel_loop3A_616, %parallel_loop3A_617, %parallel_loop3A_618, %parallel_loop3A_619] {strides = array<i32>} : memref<2x5x128x64xbf16, #tpu.memory_space<vmem>>, vector<32xbf16>,
        %parallel_loop3A_621 = arith.constant 1 : i32
        %parallel_loop3A_622 = arith.constant 1 : i32
        %parallel_loop3A_623 = arith.index_cast %parallel_loop3A_621 : i32 to index
        %parallel_loop3A_624 = arith.index_cast %parallel_loop3A_622 : i32 to index
        %parallel_loop3A_625 = arith.index_cast %parallel_loop3A_562 : i32 to index
        %parallel_loop3A_626 = arith.constant 32 : index
        %parallel_loop3A_627 = tpu.vector_load %arg10[%parallel_loop3A_623, %parallel_loop3A_624, %parallel_loop3A_625, %parallel_loop3A_626] {strides = array<i32>} : memref<2x5x128x64xbf16, #tpu.memory_space<vmem>>, vector<32xbf16>,
        %parallel_loop3A_628 = arith.addf %parallel_loop3A_620, %parallel_loop3A_627 : vector<32xbf16>
        %parallel_loop3A_629 = arith.constant 1 : i32
        %parallel_loop3A_630 = arith.constant 2 : i32
        %parallel_loop3A_631 = arith.index_cast %parallel_loop3A_629 : i32 to index
        %parallel_loop3A_632 = arith.index_cast %parallel_loop3A_630 : i32 to index
        %parallel_loop3A_633 = arith.index_cast %parallel_loop3A_562 : i32 to index
        %parallel_loop3A_634 = arith.constant 32 : index
        %parallel_loop3A_635 = tpu.vector_load %arg10[%parallel_loop3A_631, %parallel_loop3A_632, %parallel_loop3A_633, %parallel_loop3A_634] {strides = array<i32>} : memref<2x5x128x64xbf16, #tpu.memory_space<vmem>>, vector<32xbf16>,
        %parallel_loop3A_636 = arith.addf %parallel_loop3A_628, %parallel_loop3A_635 : vector<32xbf16>
        %parallel_loop3A_637 = arith.constant 1 : i32
        %parallel_loop3A_638 = arith.constant 3 : i32
        %parallel_loop3A_639 = arith.index_cast %parallel_loop3A_637 : i32 to index
        %parallel_loop3A_640 = arith.index_cast %parallel_loop3A_638 : i32 to index
        %parallel_loop3A_641 = arith.index_cast %parallel_loop3A_562 : i32 to index
        %parallel_loop3A_642 = arith.constant 32 : index
        %parallel_loop3A_643 = tpu.vector_load %arg10[%parallel_loop3A_639, %parallel_loop3A_640, %parallel_loop3A_641, %parallel_loop3A_642] {strides = array<i32>} : memref<2x5x128x64xbf16, #tpu.memory_space<vmem>>, vector<32xbf16>,
        %parallel_loop3A_644 = arith.addf %parallel_loop3A_636, %parallel_loop3A_643 : vector<32xbf16>
        %parallel_loop3A_645 = arith.constant 1 : i32
        %parallel_loop3A_646 = arith.constant 4 : i32
        %parallel_loop3A_647 = arith.index_cast %parallel_loop3A_645 : i32 to index
        %parallel_loop3A_648 = arith.index_cast %parallel_loop3A_646 : i32 to index
        %parallel_loop3A_649 = arith.index_cast %parallel_loop3A_562 : i32 to index
        %parallel_loop3A_650 = arith.constant 32 : index
        %parallel_loop3A_651 = tpu.vector_load %arg10[%parallel_loop3A_647, %parallel_loop3A_648, %parallel_loop3A_649, %parallel_loop3A_650] {strides = array<i32>} : memref<2x5x128x64xbf16, #tpu.memory_space<vmem>>, vector<32xbf16>,
        %parallel_loop3A_652 = arith.addf %parallel_loop3A_644, %parallel_loop3A_651 : vector<32xbf16>
        %parallel_loop3A_653 = tpu.unpack_subelements %parallel_loop3A_652, 0 {pack_format = #tpu.pack_format<interleaved>} : vector<32xbf16> -> vector<16xf32>
        %parallel_loop3A_654 = tpu.unpack_subelements %parallel_loop3A_652, 1 {pack_format = #tpu.pack_format<interleaved>} : vector<32xbf16> -> vector<16xf32>
        %parallel_loop3A_655 = arith.constant 1 : i32
        %parallel_loop3A_656 = arith.index_cast %parallel_loop3A_655 : i32 to index
        %parallel_loop3A_657 = arith.index_cast %parallel_loop3A_562 : i32 to index
        %parallel_loop3A_658 = arith.constant 32 : index
        %parallel_loop3A_659 = tpu.vector_load %arg11[%parallel_loop3A_656, %parallel_loop3A_657, %parallel_loop3A_658] {strides = array<i32>} : memref<2x128x64xf32, #tpu.memory_space<vmem>>, vector<16xf32>,
        tpu.vector_store %arg11[%parallel_loop3A_656, %parallel_loop3A_657, %parallel_loop3A_658], %parallel_loop3A_653 {strides = array<i32>} : memref<2x128x64xf32, #tpu.memory_space<vmem>>, vector<16xf32>,
        %parallel_loop3A_660 = arith.constant 1 : i32
        %parallel_loop3A_661 = arith.index_cast %parallel_loop3A_660 : i32 to index
        %parallel_loop3A_662 = arith.index_cast %parallel_loop3A_562 : i32 to index
        %parallel_loop3A_663 = arith.constant 48 : index
        %parallel_loop3A_664 = tpu.vector_load %arg11[%parallel_loop3A_661, %parallel_loop3A_662, %parallel_loop3A_663] {strides = array<i32>} : memref<2x128x64xf32, #tpu.memory_space<vmem>>, vector<16xf32>,
        tpu.vector_store %arg11[%parallel_loop3A_661, %parallel_loop3A_662, %parallel_loop3A_663], %parallel_loop3A_654 {strides = array<i32>} : memref<2x128x64xf32, #tpu.memory_space<vmem>>, vector<16xf32>,
      } {sc.loop_unroll_factor = 2 : i64, sc.parallel_access}
      %mul3A_244 = arith.constant 128 : i32
      %mul3A_245 = arith.muli %add3A_163, %mul3A_244 : i32
      %add3A_246 = arith.addi %mul3A_2, %mul3A_245 : i32
      %run_scoped3A_247 = arith.constant 1 : i32
      "tpu.region"() ({
        %run_scoped3A_248 = tpu.sem_alloc : memref<!tpu.dma_semaphore, #tpu.memory_space<semaphore_mem>>
        %dma_start3A_249 = arith.constant 0 : i32
        %dma_start3A_250 = arith.constant 0 : i32
        %dma_start3A_251 = tpu.memref_slice %arg11[%run_scoped3A_247, %dma_start3A_249, %dma_start3A_250] : memref<2x128x64xf32, #tpu.memory_space<vmem>> -> memref<1x128x64xf32, #tpu.memory_space<vmem>>
        %dma_start3A_252 = tpu.memref_squeeze %dma_start3A_251 : memref<1x128x64xf32, #tpu.memory_space<vmem>> -> memref<128x64xf32, #tpu.memory_space<vmem>>
        %dma_start3A_253 = arith.constant 0 : i32
        %dma_start3A_254 = tpu.memref_slice %arg8[%add3A_246, %dma_start3A_253] : memref<819200x64xf32, #tpu.memory_space<hbm>> -> memref<128x64xf32, #tpu.memory_space<hbm>>
        %dma_start3A_255 = arith.constant 0 : i32
        %dma_start3A_256 = tpu.memref_slice %arg8[%add3A_246, %dma_start3A_255] : memref<819200x64xf32, #tpu.memory_space<hbm>> -> memref<128x64xf32, #tpu.memory_space<hbm>>
        %dma_start3A_257 = arith.constant 0 : i32
        %dma_start3A_258 = arith.constant 0 : i32
        %dma_start3A_259 = tpu.memref_slice %arg11[%run_scoped3A_247, %dma_start3A_257, %dma_start3A_258] : memref<2x128x64xf32, #tpu.memory_space<vmem>> -> memref<1x128x64xf32, #tpu.memory_space<vmem>>
        %dma_start3A_260 = tpu.memref_squeeze %dma_start3A_259 : memref<1x128x64xf32, #tpu.memory_space<vmem>> -> memref<128x64xf32, #tpu.memory_space<vmem>>
        tpu.enqueue_dma source(%dma_start3A_260 : memref<128x64xf32, #tpu.memory_space<vmem>>) target(%dma_start3A_256 : memref<128x64xf32, #tpu.memory_space<hbm>>) target_semaphore(%run_scoped3A_248 : memref<!tpu.dma_semaphore, #tpu.memory_space<semaphore_mem>>)
        %dma_wait3A_261 = arith.constant 0 : i32
        %dma_wait3A_262 = arith.constant 0 : i32
        %dma_wait3A_263 = tpu.memref_slice %arg11[%run_scoped3A_247, %dma_wait3A_261, %dma_wait3A_262] : memref<2x128x64xf32, #tpu.memory_space<vmem>> -> memref<1x128x64xf32, #tpu.memory_space<vmem>>
        %dma_wait3A_264 = tpu.memref_squeeze %dma_wait3A_263 : memref<1x128x64xf32, #tpu.memory_space<vmem>> -> memref<128x64xf32, #tpu.memory_space<vmem>>
        %dma_wait3A_265 = arith.constant 0 : i32
        %dma_wait3A_266 = tpu.memref_slice %arg8[%add3A_246, %dma_wait3A_265] : memref<819200x64xf32, #tpu.memory_space<hbm>> -> memref<128x64xf32, #tpu.memory_space<hbm>>
        %dma_wait3A_267 = arith.constant 0 : i32
        %dma_wait3A_268 = tpu.memref_slice %arg8[%add3A_246, %dma_wait3A_267] : memref<819200x64xf32, #tpu.memory_space<hbm>> -> memref<128x64xf32, #tpu.memory_space<hbm>>
        %dma_wait3A_269 = arith.constant 0 : i32
        %dma_wait3A_270 = arith.constant 0 : i32
        %dma_wait3A_271 = tpu.memref_slice %arg11[%run_scoped3A_247, %dma_wait3A_269, %dma_wait3A_270] : memref<2x128x64xf32, #tpu.memory_space<vmem>> -> memref<1x128x64xf32, #tpu.memory_space<vmem>>
        %dma_wait3A_272 = tpu.memref_squeeze %dma_wait3A_271 : memref<1x128x64xf32, #tpu.memory_space<vmem>> -> memref<128x64xf32, #tpu.memory_space<vmem>>
        tpu.wait_dma2 semaphore(%run_scoped3A_248 : memref<!tpu.dma_semaphore, #tpu.memory_space<semaphore_mem>>) src(%dma_wait3A_272 : memref<128x64xf32, #tpu.memory_space<vmem>>) dst(%dma_wait3A_268 : memref<128x64xf32, #tpu.memory_space<hbm>>)
        tpu.yield
      }) : () -> ()
    }
    %scan3A_77 = arith.constant 100 : i32
    return
  }
}

module attributes {stable_mosaic.version = 14 : i64} {
  func.func @_prep_body(%arg0: memref<514x64xf32, #tpu.memory_space<vmem>>, %arg1: memref<1001x64xf32, #tpu.memory_space<vmem>>, %arg2: memref<1001x64xf32, #tpu.memory_space<vmem>>, %arg3: memref<514x64xf32, #tpu.memory_space<vmem>>, %arg4: memref<64x128xf32, #tpu.memory_space<vmem>>, %arg5: memref<1x64xf32, #tpu.memory_space<vmem>>, %arg6: memref<514x64xbf16, #tpu.memory_space<vmem>>, %arg7: memref<514x64xbf16, #tpu.memory_space<vmem>>, %arg8: memref<514x64xbf16, #tpu.memory_space<vmem>>, %arg9: memref<1001x64xbf16, #tpu.memory_space<vmem>>, %arg10: memref<1001x64xbf16, #tpu.memory_space<vmem>>) attributes {dimension_semantics = [], scalar_prefetch = 0 : i64, scratch_operands = 0 : i64, tpu.core_type = #tpu.core_type<tc>} {
    %get3A = arith.constant 0 : index
    %get3A_0 = arith.constant 0 : index
    %get3A_1 = vector.load %arg4[%get3A, %get3A_0] : memref<64x128xf32, #tpu.memory_space<vmem>>, vector<64x128xf32>
    %get3A_2 = arith.constant 0 : index
    %get3A_3 = arith.constant 0 : index
    %get3A_4 = vector.load %arg3[%get3A_2, %get3A_3] : memref<514x64xf32, #tpu.memory_space<vmem>>, vector<514x64xf32>
    %slice3A = vector.extract_strided_slice %get3A_1 {offsets = [0, 0], sizes = [64, 64], strides = [1, 1]} : vector<64x128xf32> to vector<64x64xf32>
    %dot_general3A = arith.constant dense<0.000000e+00> : vector<514x64xf32>
    %dot_general3A_5 = tpu.matmul %get3A_4, %slice3A, %dot_general3A {dimension_numbers = #tpu.dot_dimension_numbers<[1], [1], [0], [0], [0, 0, 1, 0], [], []>, transpose_lhs_hint = false} : vector<514x64xf32>, vector<64x64xf32>, vector<514x64xf32> -> vector<514x64xf32>
    %reshape3A = vector.shape_cast %dot_general3A_5 : vector<514x64xf32> to vector<514x2x2x16xf32>
    %transpose3A = tpu.transpose %reshape3A, [0, 1, 3, 2] : vector<514x2x2x16xf32> -> vector<514x2x16x2xf32>
    %reshape3A_6 = vector.shape_cast %transpose3A : vector<514x2x16x2xf32> to vector<514x64xf32>
    %convert_element_type3A = arith.truncf %reshape3A_6 : vector<514x64xf32> to vector<514x64xbf16>
    %swap3A = arith.constant 0 : index
    %swap3A_7 = arith.constant 0 : index
    %swap3A_8 = vector.load %arg6[%swap3A, %swap3A_7] : memref<514x64xbf16, #tpu.memory_space<vmem>>, vector<514x64xbf16>
    tpu.vector_store %arg6[%swap3A, %swap3A_7], %convert_element_type3A {strides = array<i32>} : memref<514x64xbf16, #tpu.memory_space<vmem>>, vector<514x64xbf16>,
    %get3A_9 = arith.constant 0 : index
    %get3A_10 = arith.constant 0 : index
    %get3A_11 = vector.load %arg3[%get3A_9, %get3A_10] : memref<514x64xf32, #tpu.memory_space<vmem>>, vector<514x64xf32>
    %slice3A_12 = vector.extract_strided_slice %get3A_1 {offsets = [0, 64], sizes = [64, 64], strides = [1, 1]} : vector<64x128xf32> to vector<64x64xf32>
    %dot_general3A_13 = arith.constant dense<0.000000e+00> : vector<514x64xf32>
    %dot_general3A_14 = tpu.matmul %get3A_11, %slice3A_12, %dot_general3A_13 {dimension_numbers = #tpu.dot_dimension_numbers<[1], [1], [0], [0], [0, 0, 1, 0], [], []>, transpose_lhs_hint = false} : vector<514x64xf32>, vector<64x64xf32>, vector<514x64xf32> -> vector<514x64xf32>
    %reshape3A_15 = vector.shape_cast %dot_general3A_14 : vector<514x64xf32> to vector<514x2x2x16xf32>
    %transpose3A_16 = tpu.transpose %reshape3A_15, [0, 1, 3, 2] : vector<514x2x2x16xf32> -> vector<514x2x16x2xf32>
    %reshape3A_17 = vector.shape_cast %transpose3A_16 : vector<514x2x16x2xf32> to vector<514x64xf32>
    %convert_element_type3A_18 = arith.truncf %reshape3A_17 : vector<514x64xf32> to vector<514x64xbf16>
    %swap3A_19 = arith.constant 0 : index
    %swap3A_20 = arith.constant 0 : index
    %swap3A_21 = vector.load %arg7[%swap3A_19, %swap3A_20] : memref<514x64xbf16, #tpu.memory_space<vmem>>, vector<514x64xbf16>
    tpu.vector_store %arg7[%swap3A_19, %swap3A_20], %convert_element_type3A_18 {strides = array<i32>} : memref<514x64xbf16, #tpu.memory_space<vmem>>, vector<514x64xbf16>,
    %get3A_22 = arith.constant 0 : index
    %get3A_23 = arith.constant 0 : index
    %get3A_24 = vector.load %arg0[%get3A_22, %get3A_23] : memref<514x64xf32, #tpu.memory_space<vmem>>, vector<514x64xf32>
    %get3A_25 = arith.constant 0 : index
    %get3A_26 = arith.constant 0 : index
    %get3A_27 = vector.load %arg5[%get3A_25, %get3A_26] : memref<1x64xf32, #tpu.memory_space<vmem>>, vector<1x64xf32>
    %add3A = vector.broadcast %get3A_27 : vector<1x64xf32> to vector<514x64xf32>
    %add3A_28 = arith.addf %get3A_24, %add3A : vector<514x64xf32>
    %reshape3A_29 = vector.shape_cast %add3A_28 : vector<514x64xf32> to vector<514x2x2x16xf32>
    %transpose3A_30 = tpu.transpose %reshape3A_29, [0, 1, 3, 2] : vector<514x2x2x16xf32> -> vector<514x2x16x2xf32>
    %reshape3A_31 = vector.shape_cast %transpose3A_30 : vector<514x2x16x2xf32> to vector<514x64xf32>
    %convert_element_type3A_32 = arith.truncf %reshape3A_31 : vector<514x64xf32> to vector<514x64xbf16>
    %swap3A_33 = arith.constant 0 : index
    %swap3A_34 = arith.constant 0 : index
    %swap3A_35 = vector.load %arg8[%swap3A_33, %swap3A_34] : memref<514x64xbf16, #tpu.memory_space<vmem>>, vector<514x64xbf16>
    tpu.vector_store %arg8[%swap3A_33, %swap3A_34], %convert_element_type3A_32 {strides = array<i32>} : memref<514x64xbf16, #tpu.memory_space<vmem>>, vector<514x64xbf16>,
    %get3A_36 = arith.constant 0 : index
    %get3A_37 = arith.constant 0 : index
    %get3A_38 = vector.load %arg1[%get3A_36, %get3A_37] : memref<1001x64xf32, #tpu.memory_space<vmem>>, vector<1001x64xf32>
    %reshape3A_39 = vector.shape_cast %get3A_38 : vector<1001x64xf32> to vector<1001x2x2x16xf32>
    %transpose3A_40 = tpu.transpose %reshape3A_39, [0, 1, 3, 2] : vector<1001x2x2x16xf32> -> vector<1001x2x16x2xf32>
    %reshape3A_41 = vector.shape_cast %transpose3A_40 : vector<1001x2x16x2xf32> to vector<1001x64xf32>
    %convert_element_type3A_42 = arith.truncf %reshape3A_41 : vector<1001x64xf32> to vector<1001x64xbf16>
    %swap3A_43 = arith.constant 0 : index
    %swap3A_44 = arith.constant 0 : index
    %swap3A_45 = vector.load %arg9[%swap3A_43, %swap3A_44] : memref<1001x64xbf16, #tpu.memory_space<vmem>>, vector<1001x64xbf16>
    tpu.vector_store %arg9[%swap3A_43, %swap3A_44], %convert_element_type3A_42 {strides = array<i32>} : memref<1001x64xbf16, #tpu.memory_space<vmem>>, vector<1001x64xbf16>,
    %get3A_46 = arith.constant 0 : index
    %get3A_47 = arith.constant 0 : index
    %get3A_48 = vector.load %arg2[%get3A_46, %get3A_47] : memref<1001x64xf32, #tpu.memory_space<vmem>>, vector<1001x64xf32>
    %reshape3A_49 = vector.shape_cast %get3A_48 : vector<1001x64xf32> to vector<1001x2x2x16xf32>
    %transpose3A_50 = tpu.transpose %reshape3A_49, [0, 1, 3, 2] : vector<1001x2x2x16xf32> -> vector<1001x2x16x2xf32>
    %reshape3A_51 = vector.shape_cast %transpose3A_50 : vector<1001x2x16x2xf32> to vector<1001x64xf32>
    %convert_element_type3A_52 = arith.truncf %reshape3A_51 : vector<1001x64xf32> to vector<1001x64xbf16>
    %swap3A_53 = arith.constant 0 : index
    %swap3A_54 = arith.constant 0 : index
    %swap3A_55 = vector.load %arg10[%swap3A_53, %swap3A_54] : memref<1001x64xbf16, #tpu.memory_space<vmem>>, vector<1001x64xbf16>
    tpu.vector_store %arg10[%swap3A_53, %swap3A_54], %convert_element_type3A_52 {strides = array<i32>} : memref<1001x64xbf16, #tpu.memory_space<vmem>>, vector<1001x64xbf16>,
    return
  }
}

</mosaic_0001>

<sc_bundles>
// kernel: kernel.4.cloned.1.call-start
scs
__scs_entry_jumppad:
0x0: {  	(pc) =	sbr.rel $0x88, $3  }
0x1: {  	(tag) =	ssettag $0x0;
	lr =	simm.s32 $0x1  }
0x2: {  	[smem:$0x3F9A] =	sst lr;
	_ =	strace $0xD0000000  }
0x3: {  	_ = 	snop  }
0x4: {  	_ = 	snop  }
0x5: {  	_ = 	snop  }
0x6: {  	_ = 	snop  }
0x7: {  	_ = 	snop  }
__scs_overlays_trampoline_lowered:
0x8: {  	[smem:$0x3FA9] =	sst s0  }
0x9: {  	[smem:$0x3FAA] =	sst s1  }
0xa: {  	[smem:$0x3FAB] =	sst s2  }
0xb: {  	[smem:$0x3FAC] =	sst s3  }
0xc: {  	[smem:$0x3FAD] =	sst s4  }
0xd: {  	[smem:$0x3FAE] =	sst s5  }
0xe: {  	[smem:$0x3FAF] =	sst s6  }
0xf: {  	[smem:$0x3FB0] =	sst s7  }
0x10: {  	[smem:$0x3FB1] =	sst s8  }
0x11: {  	[smem:$0x3FB2] =	sst s9;
	s0 =	simm.s32 @!p0 $0x0  }
0x12: {  	s1 =	sld [smem:$0x3F98];
	s0 =	simm.s32 @p0 $0x1  }
0x13: {  	[smem:$0x3FB3] =	sst s0;
	s0 =	simm.s32 @!p1 $0x0  }
0x14: {  	s2 =	sld [smem:$0x3F97];
	s0 =	simm.s32 @p1 $0x1  }
0x15: {  	[smem:$0x3FB4] =	sst s0;
	s0 =	simm.s32 @!p2 $0x0  }
0x16: {  	s3 =	sld [smem:$0x3FDB];
	s0 =	simm.s32 @p2 $0x1  }
0x17: {  	s4 =	simm.s32 $0x1BF5;
	[smem:$0x3FB6] =	sst s0  }
0x18: {  	s0 =	sld [smem:$0x3F99];
	_ =	swait.ge [sflag:s4], $0x0  }
0x19: {  	s7 =	sld [smem:$0x3F9A]  }
0x1a: {  	s8 =	sadd.s32 $0xFFFFE003, lr  }
0x1b: {  	s9 =	sadd.s32 $0xFFFFFEF7, lr;
	s5 =	simm.s32 $0xFFFFFFFF;
	p2 =	slt.u32 s8, $0xFFFFF086  }
0x1c: {  	p1 =	slt.u32 s9, $0xF7A;
	s5 =	simm.s32 @!p2 $0x0  }
0x1d: {  	s5 =	simm.s32 @p1 $0x1;
	p0 =	seq.s32 s7, s2  }
0x1e: {  	s7 =	smul.u32 @!p0 $0xF7A, s2;
	p2 =	seq.s32 @!p0 s5, $0x0  }
0x1f: {  	s9 =	smul.u32 $0xF7A, s1;
	s8 =	simm.s32 @!p0 $0x1BF5;
	p2 =	por !p2, p0  }
0x20: {  	[sflag:s8] =	ssyncset.s32 @!p0 $0xFFFFF086;
	s6 =	sadd.s32 @!p0 s3, s7;
	s7 =	simm.s32 @!p0 $0x108  }
0x21: {  	s3 =	sadd.s32 s3, s9;
	s6 =	sadd.s32 @!p0 $0x88, s6;
	s7 =	simm.s32 @p2 $0x1082  }
0x22: {  	[simem:s7], [sflag:s8] =	dma.local @!p0 [hbm:s6], $0xF7A  }
0x23: {  	s9 =	sor.u32 $0xD0000000, s2;
	s6 =	simm.s32 $0x108;
	_ =	swait.ge @!p0 [sflag:s8], $0x0  }
0x24: {  	s3 =	sadd.s32 $0x88, s3;
	s6 =	simm.s32 @!p1 $0x1082;
	[sflag:s4] =	ssyncset.s32 $0xFFFFF086  }
0x25: {  	[simem:s6], [sflag:s4] =	dma.local [hbm:s3], $0xF7A  }
0x26: {  	[smem:$0x3F9A] =	sst s1;
	(tag) =	ssettag s2;
	_ =	strace s9  }
0x27: {  	s1 =	sld [smem:$0x3FAA]  }
0x28: {  	s2 =	sld [smem:$0x3FAB]  }
0x29: {  	s4 =	sld [smem:$0x3FAD]  }
0x2a: {  	p0 =	seq.s32 s5, $0x0;
	s5 =	sld [smem:$0x3FAE]  }
0x2b: {  	s6 =	sld [smem:$0x3FAF]  }
0x2c: {  	s7 =	sld [smem:$0x3FB0]  }
0x2d: {  	s3 =	simm.s32 $0x108;
	s8 =	sld [smem:$0x3FB1]  }
0x2e: {  	s3 =	simm.s32 @!p0 $0x1082;
	s9 =	sld [smem:$0x3FB2]  }
0x2f: {  	lr =	sadd.s32 s0, s3;
	s0 =	sld [smem:$0x3FA9]  }
0x30: {  	s3 =	sld [smem:$0x3FAC]  }
0x31: {  	[smem:$0x3FB5] =	sst s10  }
0x32: {  	s10 =	sld [smem:$0x3FB3];
	_ =	sdelay $0x3  }
0x33: {  	p0 =	seq.s32 s10, $0x1;
	s10 =	sld [smem:$0x3FB5];
	_ =	sdelay $0x3  }
0x34: {  	[smem:$0x3FB5] =	sst s10  }
0x35: {  	s10 =	sld [smem:$0x3FB4];
	_ =	sdelay $0x3  }
0x36: {  	p1 =	seq.s32 s10, $0x1;
	s10 =	sld [smem:$0x3FB5];
	_ =	sdelay $0x3  }
0x37: {  	[smem:$0x3FB5] =	sst s10  }
0x38: {  	s10 =	sld [smem:$0x3FB6]  }
0x39: {  	_ = 	snop;
	(pc) =	sbr.ind lr, $3  }
0x3a: {  	_ = 	snop  }
0x3b: {  	_ = 	snop  }
0x3c: {  	p2 =	seq.s32 s10, $0x1;
	s10 =	sld [smem:$0x3FB5]  }
0x3d: {  	_ =	shalt  }
0x3e: {  	_ =	shalt  }
0x3f: {  	_ =	shalt  }
0x40: {  	_ =	shalt  }
0x41: {  	_ =	shalt  }
0x42: {  	_ =	shalt  }
0x43: {  	_ =	shalt  }
0x44: {  	_ =	shalt  }
0x45: {  	_ =	shalt  }
0x46: {  	_ =	shalt  }
0x47: {  	_ =	shalt  }
0x48: {  	_ =	shalt  }
0x49: {  	_ =	shalt  }
0x4a: {  	_ =	shalt  }
0x4b: {  	_ =	shalt  }
0x4c: {  	_ =	shalt  }
0x4d: {  	_ =	shalt  }
0x4e: {  	_ =	shalt  }
0x4f: {  	_ =	shalt  }
0x50: {  	_ =	shalt  }
0x51: {  	_ =	shalt  }
0x52: {  	_ =	shalt  }
0x53: {  	_ =	shalt  }
0x54: {  	_ =	shalt  }
0x55: {  	_ =	shalt  }
0x56: {  	_ =	shalt  }
0x57: {  	_ =	shalt  }
0x58: {  	_ =	shalt  }
0x59: {  	_ =	shalt  }
0x5a: {  	_ =	shalt  }
0x5b: {  	_ =	shalt  }
0x5c: {  	_ =	shalt  }
0x5d: {  	_ =	shalt  }
0x5e: {  	_ =	shalt  }
0x5f: {  	_ =	shalt  }
0x60: {  	_ =	shalt  }
0x61: {  	_ =	shalt  }
0x62: {  	_ =	shalt  }
0x63: {  	_ =	shalt  }
0x64: {  	_ =	shalt  }
0x65: {  	_ =	shalt  }
0x66: {  	_ =	shalt  }
0x67: {  	_ =	shalt  }
0x68: {  	_ =	shalt  }
0x69: {  	_ =	shalt  }
0x6a: {  	_ =	shalt  }
0x6b: {  	_ =	shalt  }
0x6c: {  	_ =	shalt  }
0x6d: {  	_ =	shalt  }
0x6e: {  	_ =	shalt  }
0x6f: {  	_ =	shalt  }
0x70: {  	_ =	shalt  }
0x71: {  	_ =	shalt  }
0x72: {  	_ =	shalt  }
0x73: {  	_ =	shalt  }
0x74: {  	_ =	shalt  }
0x75: {  	_ =	shalt  }
0x76: {  	_ =	shalt  }
0x77: {  	_ =	shalt  }
0x78: {  	_ =	shalt  }
0x79: {  	_ =	shalt  }
0x7a: {  	_ =	shalt  }
0x7b: {  	_ =	shalt  }
0x7c: {  	_ =	shalt  }
0x7d: {  	_ =	shalt  }
0x7e: {  	_ =	shalt  }
0x7f: {  	_ =	shalt  }
0x80: {  	_ =	shalt  }
0x81: {  	_ =	shalt  }
0x82: {  	_ =	shalt  }
0x83: {  	_ =	shalt  }
0x84: {  	_ =	shalt  }
0x85: {  	_ =	shalt  }
0x86: {  	_ =	shalt  }
0x87: {  	_ =	shalt  }
.Lfunc_end0:
.L_simem_size_0:
called_computation.1_lowered:
.L_overlay_start_0:
0x88: {  	s2 =	sld [smem:$0x3FD9]  }
0x89: {  	s3 =	sld [smem:$0x3FFE];
	_ =	sdelay $0x1  }
0x8a: {  	s1 =	srdreg.scid  }
0x8b: {  	s0 =	sand.u32 $0x1, s1  }
0x8c: {  	s17 =	sshll.u32 s0, $0xA;
	s2 =	sadd.s32 s3, s2  }
0x8d: {  	s2 =	sadd.s32 s2, s17  }
0x8e: {  	[smem:$0x3FC1] =	sst s2  }
0x8f: {  	_ = 	snop  }
0x90: {  	s2 =	sld [smem:$0x3FD0];
	(tm) =	ssettm $0x1  }
0x91: {  	s18 =	sld [smem:$0x3FFB];
	_ =	sdelay $0x3  }
0x92: {  	_ =	strace s18  }
0x93: {  	s3 =	sld [smem:$0x3FFC];
	_ =	sdelay $0x3  }
0x94: {  	_ =	strace s3  }
0x95: {  	s3 =	sld [smem:$0x3FFD];
	_ =	sdelay $0x3  }
0x96: {  	_ =	strace s3  }
0x97: {  	_ =	strace $0x8FFFFFFF  }
0x98: {  	s19 =	sld [smem:$0x3FDB];
	_ =	sdelay $0x1  }
0x99: {  	s4 =	simm.s32 $_scs_section_size  }
0x9a: {  	s5 =	simm.s32 $_size__tile_overlayer_lowered;
	s6 =	simm.s32 $_tile_overlayer_lowered  }
0x9b: {  	s22 =	simm.s32 $0x1BFF;
	s21 =	sshll.u32 s6, $0x1;
	s3 =	sadd.s32 s4, s19  }
0x9c: {  	s7 =	simm.s32 $0x0;
	s20 =	sshll.u32 s5, $0x1;
	s5 =	sadd.s32 s21, s3  }
0x9d: {  	[timem:s7], [sflag:s22] =	dma.local [hbm:s5], s20  }
0x9e: {  	_ =	swait.ge [sflag:s22], s20  }
0x9f: {  	s4 =	ssub.s32 $0x0, s20;
	[sflag:s22] =	ssyncset.done $0x0  }
0xa0: {  	[sflag:s22] =	ssyncadd.s32 s4;
	_ =	sdelay $0x1  }
0xa1: {  	s23 =	simm.s32 $0x1B8B  }
0xa2: {  	_ =	swait.ge [sflag:s23], $0x1  }
0xa3: {  	[sflag:s23] =	ssyncset.done $0x0  }
0xa4: {  	s25 =	simm.s32 $0x1B8E;
	s24 =	sld [smem:$0x3FFE];
	[sflag:s23] =	ssyncadd.s32 $0xFFFFFFFF  }
0xa5: {  	s26 =	simm.s32 $execute0_lowered;
	[smem:$0x3FD2] =	sst s25  }
0xa6: {  	s5 =	sshll.u32 s26, $0x1;
	_ =	strace $0x80000046;
	[dreg:$0x1] =	wrdreg $0xFFFFFFFF  }
0xa7: {  	s28 =	simm.s32 $_size_execute0_lowered;
	s3 =	sadd.s32 s3, s5;
	[dreg:$0x0] =	wrdreg $0x0  }
0xa8: {  	s5 =	sshll.u32 s28, $0x1;
	[dreg:$0x2] =	wrdreg s3  }
0xa9: {  	[dreg:$0x3] =	wrdreg s5  }
0xaa: {  	[dreg:$0x4] =	wrdreg $0xC0  }
0xab: {  	_ =	task [dreg:s7], $0x5FFFF  }
0xac: {  	[dreg:$0x1] =	wrdreg $0xFFFFFFFF  }
0xad: {  	[dreg:$0x0] =	wrdreg $0x60  }
0xae: {  	[dreg:$0x2] =	wrdreg s24  }
0xaf: {  	[dreg:$0x3] =	wrdreg s2  }
0xb0: {  	[dreg:$0x4] =	wrdreg $0x9  }
0xb1: {  	_ =	task.clear_ibuf [dreg:s7], $0x5FFFF;
	_ =	strace $0x90000046  }
0xb2: {  	s29 =	simm.s32 $0x9;
	_ =	strace $0x80000048  }
0xb3: {  	_ =	swait.ge [sflag:s29], $0x1  }
0xb4: {  	[sflag:s29] =	ssyncadd.s32 $0xFFFFFFFF  }
0xb5: {  	_ =	strace $0x90000048  }
0xb6: {  	_ =	sfence  }
0xb7: {  	s30 =	sld [smem:$0x0];
	_ =	sdelay $0x2  }
0xb8: {  	s31 =	sshll.u32 s1, $0xD;
	s1 =	sshrl.u32 s1, $0x2  }
0xb9: {  	s3 =	sand.u32 $0x4000, s31;
	s1 =	sadd.s32 s1, s30  }
0xba: {  	s0 =	sor.u32 s3, s0;
	s1 =	sshll.u32 s1, $0x11  }
0xbb: {  	s0 =	sor.u32 s1, s0  }
0xbc: {  	s0 =	sadd.s32 $0x8F2B, s0  }
0xbd: {  	[sflag:s0] =	ssyncadd.remote.s32 $0x1  }
0xbe: {  	_ =	sfence.sel $0xFFFF  }
0xbf: {  	[dreg:$0x0] =	wrdreg $0xFFFFFFFF;
	(pc) =	sbr.abs _section_cstart, $3  }
0xc0: {  	[dreg:$0x1] =	wrdreg $0xFFFFFFFF  }
0xc1: {  	_ =	task.clear_ibuf [dreg:s7], $0x2FFFF;
	_ =	strace $0x9FFFFFFF  }
0xc2: {  	(tm) =	ssettm $0x7FFFFFFF  }
0xc3: {  	_ =	shalt  }
tec
execute0_lowered:
.L_overlay_start_1:
0x0: {  	(tag) =	ssettag $0x1  }
0x1: {  	s0 =	rddreg [dreg:$0x0]  }
0x2: {  	s2 =	rddreg [dreg:$0x1]  }
0x3: {  	s3 =	simm.s32 $0x0;
	s1 =	srdreg.scid;
	s4 =	stileid.u32  }
0x4: {  	s15 =	simm.s32 $0x3;
	s16 =	simm.s32 $0x80;
	s25 =	simm.s32 $0x280  }
0x5: {  	s17 =	simm.s32 $0x480;
	s18 =	simm.s32 $0x9500;
	s19 =	simm.s32 $0x1  }
0x6: {  	s20 =	simm.s32 $0xA500;
	s21 =	simm.s32 $0x2;
	s22 =	simm.s32 $0xC500  }
0x7: {  	[smem:$0x7FF] =	sst s3;
	s1 =	sand.u32 $0x1, s1;
	s5 =	sshll.u32 s4, $0x1  }
0x8: {  	s4 =	sadd.s32 $0x4C00, s0;
	s6 =	sadd.s32 $0x1800, s0;
	s8 =	sadd.s32 $0x2200, s0  }
0x9: {  	s9 =	sadd.s32 $0x2C00, s0;
	s11 =	sor.u32 s1, s5;
	s1 =	ssub.s32 $0x2, s1  }
0xa: {  	s10 =	sadd.s32 $0x3C00, s0;
	s7 =	smul.u32 $0x1F400, s11;
	s30 =	sshrl.u32 s1, $0x1  }
0xb: {  	_ =	strace $0x80000047;
	s5 =	sadd.s32 $0xE00, s0;
	s0 =	ssub.s32 s1, s30  }
0xc: {  	s1 =	simm.s32 $0x8500;
	s12 =	sshrl.u32 s7, $0x3;
	s0 =	smax.u32 s0, $0x1  }
0xd: {  	s13 =	sadd.s32 $0x500, s7;
	s31 =	sadd.s32 s4, s12;
	[dreg:$0x4] =	wrdreg s0  }
0xe: {  	s12 =	smul.u32 $0x190000, s11;
	s11 =	simm.s32 $0x0;
	[dreg:$0x3] =	wrdreg s31  }
.LBB2_1:
0xf: {  	[dreg:$0x5] =	wrdreg s11  }
0x10: {  	s0 =	rddreg [dreg:$0x3]  }
0x11: {  	[tilespmem:s3], [sflag:$0x3] =	stream.linear.gather [hbm4b:s0+s3], $0x280, $0x38;
	[tilespmem:$0xE500] =	vst v63  }
0x12: {  	_ =	swait.ge [sflag:s15], $0x280  }
0x13: {  	[sflag:s15] =	ssyncset.done $0x0  }
0x14: {  	s14 =	simm.s32 $0x500;
	[sflag:s15] =	ssyncadd.s32 $0xFFFFFD80  }
0x15: {  	[tilespmem:s14], [sflag:$0x1] =	stream.indirect.gather [hbm4b:s5+s16], $0x20, s3, s16, $0xb8;
	[tilespmem:$0xE500] =	vst v63  }
0x16: {  	s23 =	simm.s32 $0x1500  }
0x17: {  	[tilespmem:s23], [sflag:$0x1] =	stream.indirect.gather [hbm4b:s6+s16], $0x20, s16, s16, $0xb8;
	[tilespmem:$0xE500] =	vst v63  }
0x18: {  	s24 =	simm.s32 $0x100;
	s26 =	simm.s32 $0x2500  }
0x19: {  	[tilespmem:s26], [sflag:$0x1] =	stream.indirect.gather [hbm4b:s8+s16], $0x20, s24, s16, $0xb8;
	[tilespmem:$0xE500] =	vst v63  }
0x1a: {  	s28 =	simm.s32 $0x180;
	s29 =	simm.s32 $0x3500  }
0x1b: {  	[tilespmem:s29], [sflag:$0x1] =	stream.indirect.gather [hbm4b:s9+s16], $0x20, s28, s16, $0xb8;
	[tilespmem:$0xE500] =	vst v63  }
0x1c: {  	s30 =	simm.s32 $0x200;
	s31 =	simm.s32 $0x4500;
	s24 =	simm.s32 $0x0  }
0x1d: {  	[tilespmem:s31], [sflag:$0x1] =	stream.indirect.gather [hbm4b:s10+s16], $0x20, s30, s16, $0xb8;
	[tilespmem:$0xE500] =	vst v63  }
.LBB2_2:
0x1e: {  	s11 =	sshllo.u32 s24, $0x1  }
0x1f: {  	s0 =	smul.u32 $0x280, s11;
	_ =	sdelay $0x1  }
0x20: {  	s0 =	sadd.s32 s7, s0  }
0x21: {  	s0 =	sshrl.u32 s0, $0x3  }
0x22: {  	s0 =	sadd.s32 s4, s0  }
0x23: {  	[tilespmem:s25], [sflag:$0x3] =	stream.linear.gather [hbm4b:s0+s3], $0x280, $0x38;
	[tilespmem:$0xE500] =	vst v63  }
0x24: {  	_ =	swait.ge [sflag:s15], $0x280  }
0x25: {  	[sflag:s15] =	ssyncset.done $0x0  }
0x26: {  	s26 =	simm.s32 $0x5500;
	[sflag:s15] =	ssyncadd.s32 $0xFFFFFD80  }
0x27: {  	[tilespmem:s26], [sflag:$0x2] =	stream.indirect.gather [hbm4b:s5+s16], $0x20, s25, s16, $0xb8;
	[tilespmem:$0xE500] =	vst v63  }
0x28: {  	s30 =	simm.s32 $0x300;
	s14 =	simm.s32 $0x6500  }
0x29: {  	[tilespmem:s14], [sflag:$0x2] =	stream.indirect.gather [hbm4b:s6+s16], $0x20, s30, s16, $0xb8;
	[tilespmem:$0xE500] =	vst v63  }
0x2a: {  	s23 =	simm.s32 $0x380;
	s26 =	simm.s32 $0x7500  }
0x2b: {  	[tilespmem:s26], [sflag:$0x2] =	stream.indirect.gather [hbm4b:s8+s16], $0x20, s23, s16, $0xb8;
	[tilespmem:$0xE500] =	vst v63  }
0x2c: {  	s30 =	simm.s32 $0x400  }
0x2d: {  	[tilespmem:s1], [sflag:$0x2] =	stream.indirect.gather [hbm4b:s9+s16], $0x20, s30, s16, $0xb8;
	[tilespmem:$0xE500] =	vst v63  }
0x2e: {  	_ = 	snop  }
0x2f: {  	[tilespmem:s18], [sflag:$0x2] =	stream.indirect.gather [hbm4b:s10+s16], $0x20, s17, s16, $0xb8;
	[tilespmem:$0xE500] =	vst v63  }
0x30: {  	_ =	swait.ge [sflag:s19], $0x1000  }
0x31: {  	[sflag:s19] =	ssyncset.done $0x0  }
0x32: {  	[sflag:s19] =	ssyncadd.s32 $0xFFFFF000  }
0x33: {  	_ =	swait.ge [sflag:s19], $0x1000  }
0x34: {  	[sflag:s19] =	ssyncset.done $0x0  }
0x35: {  	[sflag:s19] =	ssyncadd.s32 $0xFFFFF000  }
0x36: {  	_ =	swait.ge [sflag:s19], $0x1000  }
0x37: {  	[sflag:s19] =	ssyncset.done $0x0  }
0x38: {  	[sflag:s19] =	ssyncadd.s32 $0xFFFFF000  }
0x39: {  	_ =	swait.ge [sflag:s19], $0x1000  }
0x3a: {  	[sflag:s19] =	ssyncset.done $0x0  }
0x3b: {  	[sflag:s19] =	ssyncadd.s32 $0xFFFFF000  }
0x3c: {  	_ =	swait.ge [sflag:s19], $0x1000  }
0x3d: {  	[sflag:s19] =	ssyncset.done $0x0  }
0x3e: {  	s30 =	simm.s32 $0x500;
	[sflag:s19] =	ssyncadd.s32 $0xFFFFF000  }
0x3f: {  	v0 =	vld [tilespmem:s30+$0x80]  }
0x40: {  	v1 =	vld [tilespmem:s30+$0x1080];
	_ =	sdelay $0x1  }
0x41: {  	v2 =	vld [tilespmem:s30+$0x2080];
	_ =	sdelay $0x1  }
0x42: {  	v3 =	vld [tilespmem:s30+$0x3080]  }
0x43: {  	v0 =	vadd.bf16 v1, v0  }
0x44: {  	v1 =	vld [tilespmem:s30+$0x4080]  }
0x45: {  	v0 =	vadd.bf16 v2, v0;
	_ =	sdelay $0x1  }
0x46: {  	v0 =	vadd.bf16 v3, v0;
	_ =	sdelay $0x1  }
0x47: {  	v0 =	vadd.bf16 v1, v0;
	_ =	sdelay $0x1  }
0x48: {  	s14 =	simm.s32 $0xA600;
	v2 =	vunpack.i.l.bf16.f32 v0  }
0x49: {  	v3 =	vld [tilespmem:s30+$0x0];
	v0 =	vunpack.i.u.bf16.f32 v0;
	[tilespmem:s14+$0x0] =	vst v2  }
0x4a: {  	v1 =	vld [tilespmem:s30+$0x1000];
	[tilespmem:s14+$0x10] =	vst v0  }
0x4b: {  	v0 =	vld [tilespmem:s30+$0x90]  }
0x4c: {  	v4 =	vld [tilespmem:s30+$0x1090]  }
0x4d: {  	v2 =	vld [tilespmem:s30+$0x2000]  }
0x4e: {  	v6 =	vld [tilespmem:s30+$0x2090]  }
0x4f: {  	v5 =	vld [tilespmem:s30+$0x3000]  }
0x50: {  	v7 =	vld [tilespmem:s30+$0x3090];
	v1 =	vadd.bf16 v1, v3  }
0x51: {  	v3 =	vld [tilespmem:s30+$0x4000];
	v0 =	vadd.bf16 v4, v0  }
0x52: {  	v1 =	vadd.bf16 v2, v1;
	v2 =	vld [tilespmem:s30+$0x4090]  }
0x53: {  	v0 =	vadd.bf16 v6, v0  }
0x54: {  	v1 =	vadd.bf16 v5, v1  }
0x55: {  	v0 =	vadd.bf16 v7, v0  }
0x56: {  	v1 =	vadd.bf16 v3, v1  }
0x57: {  	v0 =	vadd.bf16 v2, v0  }
0x58: {  	v3 =	vunpack.i.l.bf16.f32 v1;
	v1 =	vunpack.i.u.bf16.f32 v1  }
0x59: {  	[tilespmem:s14+$0xFFFFFF10] =	vst v1;
	v1 =	vunpack.i.l.bf16.f32 v0  }
0x5a: {  	v0 =	vunpack.i.u.bf16.f32 v0;
	[tilespmem:s14+$0x20] =	vst v1  }
0x5b: {  	[tilespmem:s14+$0x30] =	vst v0  }
0x5c: {  	v0 =	vld [tilespmem:s30+$0xA0]  }
0x5d: {  	[tilespmem:s14+$0xFFFFFF00] =	vst v3;
	v2 =	vld [tilespmem:s30+$0x10A0]  }
0x5e: {  	v3 =	vld [tilespmem:s30+$0x1010]  }
0x5f: {  	v4 =	vld [tilespmem:s30+$0x20A0]  }
0x60: {  	v1 =	vld [tilespmem:s30+$0x10]  }
0x61: {  	v6 =	vld [tilespmem:s30+$0x30A0]  }
0x62: {  	v5 =	vld [tilespmem:s30+$0x2010];
	v0 =	vadd.bf16 v2, v0  }
0x63: {  	v2 =	vld [tilespmem:s30+$0x40A0]  }
0x64: {  	v7 =	vld [tilespmem:s30+$0x3010];
	v0 =	vadd.bf16 v4, v0  }
0x65: {  	v1 =	vadd.bf16 v3, v1  }
0x66: {  	v3 =	vld [tilespmem:s30+$0x4010];
	v0 =	vadd.bf16 v6, v0  }
0x67: {  	v1 =	vadd.bf16 v5, v1  }
0x68: {  	v0 =	vadd.bf16 v2, v0  }
0x69: {  	v1 =	vadd.bf16 v7, v1  }
0x6a: {  	v2 =	vunpack.i.l.bf16.f32 v0  }
0x6b: {  	v1 =	vadd.bf16 v3, v1;
	v0 =	vunpack.i.u.bf16.f32 v0;
	[tilespmem:s14+$0x40] =	vst v2  }
0x6c: {  	[tilespmem:s14+$0x50] =	vst v0  }
0x6d: {  	v2 =	vunpack.i.l.bf16.f32 v1;
	v0 =	vunpack.i.u.bf16.f32 v1;
	v1 =	vld [tilespmem:s30+$0xB0]  }
0x6e: {  	[tilespmem:s14+$0xFFFFFF30] =	vst v0;
	v0 =	vld [tilespmem:s30+$0x10B0]  }
0x6f: {  	v3 =	vld [tilespmem:s30+$0x20B0]  }
0x70: {  	[tilespmem:s14+$0xFFFFFF20] =	vst v2;
	v5 =	vld [tilespmem:s30+$0x30B0]  }
0x71: {  	v2 =	vld [tilespmem:s30+$0x20]  }
0x72: {  	v4 =	vld [tilespmem:s30+$0x1020]  }
0x73: {  	v6 =	vld [tilespmem:s30+$0x2020];
	v0 =	vadd.bf16 v0, v1  }
0x74: {  	v1 =	vld [tilespmem:s30+$0x40B0]  }
0x75: {  	v0 =	vadd.bf16 v3, v0  }
0x76: {  	v3 =	vld [tilespmem:s30+$0x3020]  }
0x77: {  	v2 =	vadd.bf16 v4, v2;
	v0 =	vadd.bf16 v5, v0;
	_ =	sdelay $0x1  }
0x78: {  	v4 =	vld [tilespmem:s30+$0x4020];
	v2 =	vadd.bf16 v6, v2;
	v0 =	vadd.bf16 v1, v0;
	_ =	sdelay $0x1  }
0x79: {  	v1 =	vadd.bf16 v3, v2;
	v2 =	vunpack.i.l.bf16.f32 v0  }
0x7a: {  	v0 =	vunpack.i.u.bf16.f32 v0;
	[tilespmem:s14+$0x60] =	vst v2  }
0x7b: {  	[tilespmem:s14+$0x70] =	vst v0  }
0x7c: {  	v1 =	vadd.bf16 v4, v1;
	v0 =	vld [tilespmem:s30+$0xC0]  }
0x7d: {  	v3 =	vld [tilespmem:s30+$0x10C0]  }
0x7e: {  	v2 =	vunpack.i.l.bf16.f32 v1;
	v1 =	vunpack.i.u.bf16.f32 v1  }
0x7f: {  	[tilespmem:s14+$0xFFFFFF50] =	vst v1;
	v1 =	vld [tilespmem:s30+$0x20C0];
	_ =	sdelay $0x1  }
0x80: {  	s23 =	simm.s32 $0x600;
	v4 =	vld [tilespmem:s30+$0x30C0]  }
0x81: {  	v10 =	vld [tilespmem:s23+$0x3080];
	v0 =	vadd.bf16 v3, v0  }
0x82: {  	v3 =	vld [tilespmem:s30+$0x40C0]  }
0x83: {  	v11 =	vld [tilespmem:s23+$0x1000];
	v0 =	vadd.bf16 v1, v0  }
0x84: {  	v1 =	vld [tilespmem:s23+$0x80]  }
0x85: {  	v0 =	vadd.bf16 v4, v0;
	v4 =	vld [tilespmem:s23+$0x1080]  }
0x86: {  	v17 =	vld [tilespmem:s23+$0x0]  }
0x87: {  	[tilespmem:s14+$0xFFFFFF40] =	vst v2;
	v0 =	vadd.bf16 v3, v0;
	v3 =	vld [tilespmem:s23+$0x2080]  }
0x88: {  	v2 =	vld [tilespmem:s30+$0x30]  }
0x89: {  	v5 =	vld [tilespmem:s30+$0x1030];
	v9 =	vunpack.i.l.bf16.f32 v0  }
0x8a: {  	v6 =	vld [tilespmem:s30+$0x2030];
	v0 =	vunpack.i.u.bf16.f32 v0;
	[tilespmem:s14+$0x80] =	vst v9;
	v1 =	vadd.bf16 v4, v1  }
0x8b: {  	[tilespmem:s14+$0x90] =	vst v0;
	v0 =	vld [tilespmem:s23+$0x4080]  }
0x8c: {  	v4 =	vld [tilespmem:s30+$0xD0];
	v1 =	vadd.bf16 v3, v1  }
0x8d: {  	v3 =	vld [tilespmem:s30+$0x10D0]  }
0x8e: {  	v7 =	vld [tilespmem:s30+$0x3030];
	v1 =	vadd.bf16 v10, v1  }
0x8f: {  	v2 =	vadd.bf16 v5, v2;
	v9 =	vld [tilespmem:s30+$0x20D0]  }
0x90: {  	v8 =	vld [tilespmem:s30+$0x4030];
	v0 =	vadd.bf16 v0, v1  }
0x91: {  	v2 =	vadd.bf16 v6, v2;
	v5 =	vld [tilespmem:s30+$0x30D0]  }
0x92: {  	s26 =	simm.s32 $0xA800;
	v1 =	vld [tilespmem:s23+$0x2000];
	v3 =	vadd.bf16 v3, v4;
	v6 =	vunpack.i.l.bf16.f32 v0  }
0x93: {  	v2 =	vadd.bf16 v7, v2;
	v4 =	vld [tilespmem:s30+$0x40D0];
	v0 =	vunpack.i.u.bf16.f32 v0;
	[tilespmem:s26+$0x0] =	vst v6  }
0x94: {  	v12 =	vld [tilespmem:s23+$0x3000];
	v3 =	vadd.bf16 v9, v3;
	[tilespmem:s26+$0x10] =	vst v0  }
0x95: {  	v2 =	vadd.bf16 v8, v2;
	v7 =	vld [tilespmem:s23+$0x90]  }
0x96: {  	v0 =	vadd.bf16 v11, v17;
	v3 =	vadd.bf16 v5, v3;
	v5 =	vld [tilespmem:s23+$0x1090]  }
0x97: {  	v6 =	vld [tilespmem:s23+$0x4000]  }
0x98: {  	v0 =	vadd.bf16 v1, v0;
	v1 =	vunpack.i.l.bf16.f32 v2;
	v3 =	vadd.bf16 v4, v3;
	v4 =	vld [tilespmem:s23+$0x2090]  }
0x99: {  	v2 =	vunpack.i.u.bf16.f32 v2;
	[tilespmem:s14+$0xFFFFFF60] =	vst v1  }
0x9a: {  	[tilespmem:s14+$0xFFFFFF70] =	vst v2;
	v2 =	vld [tilespmem:s23+$0x3090];
	v1 =	vunpack.i.l.bf16.f32 v3  }
0x9b: {  	v0 =	vadd.bf16 v12, v0;
	v8 =	vld [tilespmem:s30+$0x40];
	v3 =	vunpack.i.u.bf16.f32 v3;
	[tilespmem:s14+$0xA0] =	vst v1;
	v1 =	vadd.bf16 v5, v7  }
0x9c: {  	[tilespmem:s14+$0xB0] =	vst v3;
	v3 =	vld [tilespmem:s23+$0x4090]  }
0x9d: {  	v0 =	vadd.bf16 v6, v0;
	v6 =	vld [tilespmem:s30+$0xE0];
	v1 =	vadd.bf16 v4, v1  }
0x9e: {  	v7 =	vld [tilespmem:s30+$0x40E0]  }
0x9f: {  	v5 =	vunpack.i.l.bf16.f32 v0;
	v0 =	vunpack.i.u.bf16.f32 v0;
	v4 =	vld [tilespmem:s30+$0x10E0];
	v1 =	vadd.bf16 v2, v1  }
0xa0: {  	[tilespmem:s26+$0xFFFFFF10] =	vst v0;
	v0 =	vld [tilespmem:s30+$0x20E0]  }
0xa1: {  	[tilespmem:s26+$0xFFFFFF00] =	vst v5;
	v5 =	vld [tilespmem:s30+$0x30E0];
	v1 =	vadd.bf16 v3, v1  }
0xa2: {  	v2 =	vld [tilespmem:s23+$0x10]  }
0xa3: {  	v3 =	vld [tilespmem:s23+$0x1010];
	v18 =	vunpack.i.l.bf16.f32 v1  }
0xa4: {  	v19 =	vld [tilespmem:s23+$0x2010];
	v1 =	vunpack.i.u.bf16.f32 v1;
	[tilespmem:s26+$0x20] =	vst v18  }
0xa5: {  	v4 =	vadd.bf16 v4, v6;
	v6 =	vld [tilespmem:s23+$0x3010];
	[tilespmem:s26+$0x30] =	vst v1  }
0xa6: {  	v1 =	vld [tilespmem:s23+$0xA0]  }
0xa7: {  	v0 =	vadd.bf16 v0, v4;
	v4 =	vld [tilespmem:s23+$0x10A0]  }
0xa8: {  	v20 =	vld [tilespmem:s23+$0x4010];
	v2 =	vadd.bf16 v3, v2  }
0xa9: {  	v0 =	vadd.bf16 v5, v0;
	v3 =	vld [tilespmem:s23+$0x20A0]  }
0xaa: {  	v5 =	vld [tilespmem:s30+$0x1040];
	v2 =	vadd.bf16 v19, v2  }
0xab: {  	v0 =	vadd.bf16 v7, v0;
	v7 =	vld [tilespmem:s23+$0x30A0]  }
0xac: {  	v21 =	vld [tilespmem:s30+$0x2040];
	v2 =	vadd.bf16 v6, v2;
	v1 =	vadd.bf16 v4, v1  }
0xad: {  	s28 =	simm.s32 $0x700;
	v4 =	vld [tilespmem:s23+$0x40A0]  }
0xae: {  	v33 =	vld [tilespmem:s28+$0x3080];
	v2 =	vadd.bf16 v20, v2;
	v1 =	vadd.bf16 v3, v1  }
0xaf: {  	v6 =	vunpack.i.l.bf16.f32 v0;
	v3 =	vld [tilespmem:s30+$0x3040]  }
0xb0: {  	v35 =	vld [tilespmem:s28+$0x4080];
	[tilespmem:s14+$0xC0] =	vst v6;
	v5 =	vadd.bf16 v5, v8;
	v8 =	vunpack.i.l.bf16.f32 v2;
	v7 =	vadd.bf16 v7, v1  }
0xb1: {  	v6 =	vld [tilespmem:s30+$0x4040];
	v2 =	vunpack.i.u.bf16.f32 v2;
	[tilespmem:s26+$0xFFFFFF20] =	vst v8  }
0xb2: {  	v37 =	vld [tilespmem:s28+$0x0];
	v5 =	vadd.bf16 v21, v5;
	[tilespmem:s26+$0xFFFFFF30] =	vst v2;
	v2 =	vadd.bf16 v4, v7  }
0xb3: {  	v4 =	vld [tilespmem:s23+$0x20]  }
0xb4: {  	v8 =	vld [tilespmem:s23+$0x2020];
	v3 =	vadd.bf16 v3, v5;
	v7 =	vunpack.i.l.bf16.f32 v2  }
0xb5: {  	v5 =	vld [tilespmem:s23+$0x1020];
	v2 =	vunpack.i.u.bf16.f32 v2;
	[tilespmem:s26+$0x40] =	vst v7  }
0xb6: {  	v3 =	vadd.bf16 v6, v3;
	v6 =	vld [tilespmem:s23+$0x3020];
	[tilespmem:s26+$0x50] =	vst v2  }
0xb7: {  	v2 =	vld [tilespmem:s23+$0xB0]  }
0xb8: {  	v22 =	vld [tilespmem:s23+$0x10B0];
	v7 =	vunpack.i.l.bf16.f32 v3  }
0xb9: {  	v3 =	vunpack.i.u.bf16.f32 v3;
	[tilespmem:s14+$0xFFFFFF80] =	vst v7;
	v7 =	vld [tilespmem:s23+$0x4020]  }
0xba: {  	[tilespmem:s14+$0xFFFFFF90] =	vst v3;
	v3 =	vadd.bf16 v5, v4;
	v5 =	vld [tilespmem:s23+$0x20B0]  }
0xbb: {  	v23 =	vld [tilespmem:s30+$0x50]  }
0xbc: {  	v3 =	vadd.bf16 v8, v3;
	v8 =	vld [tilespmem:s23+$0x30B0]  }
0xbd: {  	v24 =	vld [tilespmem:s30+$0x1050];
	v2 =	vadd.bf16 v22, v2  }
0xbe: {  	v3 =	vadd.bf16 v6, v3;
	v6 =	vld [tilespmem:s23+$0x40B0]  }
0xbf: {  	v39 =	vld [tilespmem:s28+$0x2000];
	v2 =	vadd.bf16 v5, v2  }
0xc0: {  	v5 =	vld [tilespmem:s30+$0x2050]  }
0xc1: {  	v42 =	vld [tilespmem:s28+$0x3000];
	v7 =	vadd.bf16 v7, v3;
	v8 =	vadd.bf16 v8, v2  }
0xc2: {  	v0 =	vunpack.i.u.bf16.f32 v0;
	v25 =	vld [tilespmem:s30+$0x3050]  }
0xc3: {  	v17 =	vld [tilespmem:s28+$0x80];
	[tilespmem:s14+$0xD0] =	vst v0;
	v10 =	vadd.bf16 v24, v23;
	v26 =	vunpack.i.l.bf16.f32 v7;
	v6 =	vadd.bf16 v6, v8  }
0xc4: {  	v7 =	vunpack.i.u.bf16.f32 v7;
	[tilespmem:s26+$0xFFFFFF40] =	vst v26;
	v8 =	vld [tilespmem:s30+$0x4050]  }
0xc5: {  	v18 =	vld [tilespmem:s28+$0x1000];
	[tilespmem:s26+$0xFFFFFF50] =	vst v7;
	v5 =	vadd.bf16 v5, v10;
	v27 =	vunpack.i.l.bf16.f32 v6  }
0xc6: {  	v0 =	vld [tilespmem:s30+$0xF0];
	v6 =	vunpack.i.u.bf16.f32 v6;
	[tilespmem:s26+$0x60] =	vst v27  }
0xc7: {  	v7 =	vld [tilespmem:s23+$0x30];
	v5 =	vadd.bf16 v25, v5;
	[tilespmem:s26+$0x70] =	vst v6  }
0xc8: {  	v6 =	vld [tilespmem:s23+$0xC0]  }
0xc9: {  	v5 =	vadd.bf16 v8, v5;
	v8 =	vld [tilespmem:s23+$0x10C0]  }
0xca: {  	v28 =	vld [tilespmem:s23+$0x1030]  }
0xcb: {  	v13 =	vld [tilespmem:s23+$0x20C0]  }
0xcc: {  	v29 =	vld [tilespmem:s23+$0x2030];
	v31 =	vunpack.i.l.bf16.f32 v5;
	v5 =	vunpack.i.u.bf16.f32 v5  }
0xcd: {  	[tilespmem:s14+$0xFFFFFFB0] =	vst v5;
	v5 =	vld [tilespmem:s23+$0x30C0]  }
0xce: {  	v30 =	vld [tilespmem:s23+$0x3030];
	v6 =	vadd.bf16 v8, v6  }
0xcf: {  	v7 =	vadd.bf16 v28, v7;
	v8 =	vld [tilespmem:s23+$0x40C0]  }
0xd0: {  	v14 =	vld [tilespmem:s23+$0x4030];
	v6 =	vadd.bf16 v13, v6  }
0xd1: {  	v20 =	vld [tilespmem:s28+$0x2080];
	v7 =	vadd.bf16 v29, v7  }
0xd2: {  	v1 =	vld [tilespmem:s30+$0x10F0];
	v5 =	vadd.bf16 v5, v6  }
0xd3: {  	v4 =	vld [tilespmem:s30+$0x20F0];
	v7 =	vadd.bf16 v30, v7  }
0xd4: {  	v5 =	vadd.bf16 v8, v5;
	v8 =	vld [tilespmem:s28+$0x1080]  }
0xd5: {  	v3 =	vld [tilespmem:s30+$0x30F0];
	v7 =	vadd.bf16 v14, v7  }
0xd6: {  	v2 =	vld [tilespmem:s30+$0x40F0];
	[tilespmem:s14+$0xFFFFFFA0] =	vst v31  }
0xd7: {  	v18 =	vadd.bf16 v18, v37;
	v12 =	vld [tilespmem:s30+$0x60];
	v40 =	vunpack.i.l.bf16.f32 v7;
	v7 =	vunpack.i.u.bf16.f32 v7  }
0xd8: {  	[tilespmem:s26+$0xFFFFFF70] =	vst v7;
	v7 =	vld [tilespmem:s28+$0x4000]  }
0xd9: {  	v45 =	vadd.bf16 v39, v18;
	v15 =	vld [tilespmem:s30+$0x1060];
	v8 =	vadd.bf16 v8, v17  }
0xda: {  	v32 =	vld [tilespmem:s30+$0x2060]  }
0xdb: {  	v9 =	vadd.bf16 v42, v45;
	v16 =	vld [tilespmem:s30+$0x3060];
	[tilespmem:s26+$0xFFFFFF60] =	vst v40;
	v19 =	vunpack.i.l.bf16.f32 v5;
	v8 =	vadd.bf16 v20, v8  }
0xdc: {  	v6 =	vld [tilespmem:s30+$0x4060];
	v5 =	vunpack.i.u.bf16.f32 v5;
	[tilespmem:s26+$0x80] =	vst v19  }
0xdd: {  	v44 =	vld [tilespmem:s23+$0x40];
	[tilespmem:s26+$0x90] =	vst v5;
	v7 =	vadd.bf16 v7, v9;
	v8 =	vadd.bf16 v33, v8  }
0xde: {  	v5 =	vld [tilespmem:s23+$0xD0]  }
0xdf: {  	s29 =	simm.s32 $0xAA00;
	v34 =	vld [tilespmem:s23+$0x10D0];
	v52 =	vunpack.i.l.bf16.f32 v7;
	v8 =	vadd.bf16 v35, v8  }
0xe0: {  	v36 =	vld [tilespmem:s23+$0x20D0];
	v7 =	vunpack.i.u.bf16.f32 v7;
	[tilespmem:s29+$0xFFFFFF00] =	vst v52  }
0xe1: {  	v38 =	vld [tilespmem:s23+$0x30D0];
	[tilespmem:s29+$0xFFFFFF10] =	vst v7;
	v43 =	vunpack.i.l.bf16.f32 v8  }
0xe2: {  	v41 =	vld [tilespmem:s23+$0x40D0];
	v8 =	vunpack.i.u.bf16.f32 v8;
	[tilespmem:s29+$0x0] =	vst v43  }
0xe3: {  	v12 =	vadd.bf16 v15, v12;
	v56 =	vld [tilespmem:s28+$0x10];
	[tilespmem:s29+$0x10] =	vst v8  }
0xe4: {  	v46 =	vld [tilespmem:s28+$0x90]  }
0xe5: {  	v21 =	vadd.bf16 v32, v12;
	v47 =	vld [tilespmem:s28+$0x1090]  }
0xe6: {  	v58 =	vld [tilespmem:s28+$0x1010];
	v5 =	vadd.bf16 v34, v5  }
0xe7: {  	v9 =	vadd.bf16 v16, v21;
	v50 =	vld [tilespmem:s28+$0x2090]  }
0xe8: {  	v60 =	vld [tilespmem:s28+$0x2010];
	v5 =	vadd.bf16 v36, v5  }
0xe9: {  	v6 =	vadd.bf16 v6, v9;
	v51 =	vld [tilespmem:s28+$0x3090]  }
0xea: {  	v61 =	vld [tilespmem:s28+$0x3010];
	v5 =	vadd.bf16 v38, v5;
	v14 =	vadd.bf16 v47, v46  }
0xeb: {  	v22 =	vadd.bf16 v58, v56;
	v54 =	vld [tilespmem:s28+$0x4090]  }
0xec: {  	v48 =	vld [tilespmem:s23+$0x2040];
	v30 =	vunpack.i.l.bf16.f32 v6;
	v5 =	vadd.bf16 v41, v5;
	v7 =	vadd.bf16 v50, v14  }
0xed: {  	v25 =	vld [tilespmem:s23+$0x4040];
	v6 =	vunpack.i.u.bf16.f32 v6;
	[tilespmem:s14+$0xFFFFFFC0] =	vst v30  }
0xee: {  	v63 =	vld [tilespmem:s28+$0x4010];
	[tilespmem:s14+$0xFFFFFFD0] =	vst v6;
	v12 =	vadd.bf16 v60, v22;
	v49 =	vunpack.i.l.bf16.f32 v5;
	v7 =	vadd.bf16 v51, v7  }
0xef: {  	v8 =	vld [tilespmem:s23+$0x1040];
	v5 =	vunpack.i.u.bf16.f32 v5;
	[tilespmem:s26+$0xA0] =	vst v49  }
0xf0: {  	v28 =	vadd.bf16 v61, v12;
	v61 =	vld [tilespmem:s30+$0x3070];
	[tilespmem:s26+$0xB0] =	vst v5;
	v7 =	vadd.bf16 v54, v7  }
0xf1: {  	v5 =	vld [tilespmem:s23+$0xE0]  }
0xf2: {  	v53 =	vld [tilespmem:s23+$0x10E0];
	v62 =	vunpack.i.l.bf16.f32 v7  }
0xf3: {  	v55 =	vld [tilespmem:s23+$0x20E0];
	v7 =	vunpack.i.u.bf16.f32 v7;
	[tilespmem:s29+$0x20] =	vst v62  }
0xf4: {  	v57 =	vld [tilespmem:s23+$0x30E0];
	[tilespmem:s29+$0x30] =	vst v7  }
0xf5: {  	v23 =	vld [tilespmem:s28+$0xA0]  }
0xf6: {  	v9 =	vadd.bf16 v63, v28;
	v24 =	vld [tilespmem:s28+$0x10A0]  }
0xf7: {  	v59 =	vld [tilespmem:s23+$0x40E0]  }
0xf8: {  	v6 =	vadd.bf16 v8, v44;
	v8 =	vunpack.i.l.bf16.f32 v9;
	v27 =	vld [tilespmem:s28+$0x20A0]  }
0xf9: {  	[tilespmem:s29+$0xFFFFFF20] =	vst v8;
	v8 =	vld [tilespmem:s30+$0x70];
	v5 =	vadd.bf16 v53, v5  }
0xfa: {  	v29 =	vld [tilespmem:s28+$0x30A0]  }
0xfb: {  	v9 =	vunpack.i.u.bf16.f32 v9;
	v5 =	vadd.bf16 v55, v5;
	v7 =	vld [tilespmem:s23+$0x3040];
	v13 =	vadd.bf16 v24, v23  }
0xfc: {  	[tilespmem:s29+$0xFFFFFF30] =	vst v9;
	v32 =	vld [tilespmem:s28+$0x40A0]  }
0xfd: {  	v37 =	vld [tilespmem:s28+$0x20];
	v5 =	vadd.bf16 v57, v5;
	v33 =	vadd.bf16 v27, v13  }
0xfe: {  	v6 =	vadd.bf16 v48, v6;
	v39 =	vld [tilespmem:s28+$0x1020]  }
0xff: {  	v40 =	vld [tilespmem:s28+$0x2020];
	v5 =	vadd.bf16 v59, v5;
	v35 =	vadd.bf16 v29, v33  }
0x100: {  	v42 =	vld [tilespmem:s28+$0x3020]  }
0x101: {  	v44 =	vld [tilespmem:s28+$0x4020];
	v26 =	vunpack.i.l.bf16.f32 v5;
	v6 =	vadd.bf16 v7, v6;
	v7 =	vadd.bf16 v32, v35  }
0x102: {  	v54 =	vld [tilespmem:s30+$0x1070];
	v5 =	vunpack.i.u.bf16.f32 v5;
	[tilespmem:s26+$0xC0] =	vst v26  }
0x103: {  	v55 =	vld [tilespmem:s30+$0x2070];
	[tilespmem:s26+$0xD0] =	vst v5;
	v6 =	vadd.bf16 v25, v6;
	v41 =	vunpack.i.l.bf16.f32 v7  }
0x104: {  	v5 =	vld [tilespmem:s23+$0xF0];
	v7 =	vunpack.i.u.bf16.f32 v7;
	[tilespmem:s29+$0x40] =	vst v41  }
0x105: {  	v31 =	vld [tilespmem:s23+$0x10F0];
	v43 =	vunpack.i.l.bf16.f32 v6;
	[tilespmem:s29+$0x50] =	vst v7  }
0x106: {  	v6 =	vunpack.i.u.bf16.f32 v6;
	[tilespmem:s26+$0xFFFFFF80] =	vst v43;
	v7 =	vld [tilespmem:s28+$0xB0]  }
0x107: {  	[tilespmem:s26+$0xFFFFFF90] =	vst v6;
	v6 =	vadd.bf16 v39, v37;
	v45 =	vld [tilespmem:s28+$0x10B0]  }
0x108: {  	v46 =	vld [tilespmem:s23+$0x50]  }
0x109: {  	v6 =	vadd.bf16 v40, v6;
	v47 =	vld [tilespmem:s28+$0x20B0]  }
0x10a: {  	v16 =	vld [tilespmem:s23+$0x1050]  }
0x10b: {  	v6 =	vadd.bf16 v42, v6;
	v48 =	vld [tilespmem:s28+$0x30B0]  }
0x10c: {  	v49 =	vld [tilespmem:s23+$0x2050];
	v7 =	vadd.bf16 v45, v7  }
0x10d: {  	v6 =	vadd.bf16 v44, v6;
	v50 =	vld [tilespmem:s28+$0x40B0]  }
0x10e: {  	v34 =	vld [tilespmem:s23+$0x20F0];
	v7 =	vadd.bf16 v47, v7  }
0x10f: {  	v51 =	vld [tilespmem:s23+$0x3050];
	v52 =	vunpack.i.l.bf16.f32 v6  }
0x110: {  	v36 =	vld [tilespmem:s23+$0x30F0];
	v12 =	vadd.bf16 v16, v46;
	v6 =	vunpack.i.u.bf16.f32 v6;
	[tilespmem:s29+$0xFFFFFF40] =	vst v52;
	v7 =	vadd.bf16 v48, v7  }
0x111: {  	v53 =	vld [tilespmem:s23+$0x4050];
	[tilespmem:s29+$0xFFFFFF50] =	vst v6  }
0x112: {  	v6 =	vadd.bf16 v49, v12;
	v56 =	vld [tilespmem:s28+$0x30];
	v7 =	vadd.bf16 v50, v7  }
0x113: {  	v0 =	vadd.bf16 v1, v0;
	v1 =	vld [tilespmem:s28+$0x1030]  }
0x114: {  	v38 =	vld [tilespmem:s23+$0x40F0];
	v6 =	vadd.bf16 v51, v6;
	v58 =	vunpack.i.l.bf16.f32 v7  }
0x115: {  	v0 =	vadd.bf16 v4, v0;
	v5 =	vadd.bf16 v31, v5;
	v57 =	vld [tilespmem:s28+$0x2030];
	v7 =	vunpack.i.u.bf16.f32 v7;
	[tilespmem:s29+$0x60] =	vst v58  }
0x116: {  	v4 =	vld [tilespmem:s28+$0x3030];
	v6 =	vadd.bf16 v53, v6;
	[tilespmem:s29+$0x70] =	vst v7  }
0x117: {  	v0 =	vadd.bf16 v3, v0;
	v5 =	vadd.bf16 v34, v5;
	v3 =	vld [tilespmem:s28+$0xC0]  }
0x118: {  	v59 =	vunpack.i.l.bf16.f32 v6;
	v1 =	vadd.bf16 v1, v56;
	v60 =	vld [tilespmem:s28+$0x10C0]  }
0x119: {  	v0 =	vadd.bf16 v2, v0;
	v5 =	vadd.bf16 v36, v5;
	v2 =	vunpack.i.u.bf16.f32 v6;
	[tilespmem:s26+$0xFFFFFFA0] =	vst v59;
	v7 =	vld [tilespmem:s28+$0x4030]  }
0x11a: {  	[tilespmem:s26+$0xFFFFFFB0] =	vst v2;
	v1 =	vadd.bf16 v57, v1;
	v2 =	vld [tilespmem:s28+$0x20C0]  }
0x11b: {  	v5 =	vadd.bf16 v38, v5;
	v62 =	vld [tilespmem:s23+$0x60]  }
0x11c: {  	v6 =	vunpack.i.u.bf16.f32 v0;
	v0 =	vunpack.i.l.bf16.f32 v0;
	v1 =	vadd.bf16 v4, v1;
	v63 =	vld [tilespmem:s28+$0x30C0]  }
0x11d: {  	[tilespmem:s14+$0xE0] =	vst v0;
	v4 =	vadd.bf16 v54, v8;
	v8 =	vld [tilespmem:s23+$0x1060];
	v0 =	vadd.bf16 v60, v3  }
0x11e: {  	[tilespmem:s14+$0xF0] =	vst v6;
	v6 =	vld [tilespmem:s28+$0x40C0];
	v1 =	vadd.bf16 v7, v1;
	v3 =	vunpack.i.u.bf16.f32 v5  }
0x11f: {  	[tilespmem:s26+$0xF0] =	vst v3;
	v3 =	vunpack.i.l.bf16.f32 v5;
	v5 =	vadd.bf16 v55, v4;
	v4 =	vld [tilespmem:s23+$0x2060];
	v7 =	vadd.bf16 v2, v0  }
0x120: {  	[tilespmem:s26+$0xE0] =	vst v3;
	v2 =	vunpack.i.l.bf16.f32 v1;
	v3 =	vld [tilespmem:s23+$0x3060]  }
0x121: {  	v1 =	vunpack.i.u.bf16.f32 v1;
	[tilespmem:s29+$0xFFFFFF60] =	vst v2;
	v2 =	vld [tilespmem:s23+$0x4060];
	v7 =	vadd.bf16 v63, v7  }
0x122: {  	s31 =	simm.s32 $0x10;
	s0 =	simm.s32 $0x800;
	v0 =	vadd.bf16 v61, v5;
	[tilespmem:s29+$0xFFFFFF70] =	vst v1;
	v1 =	vld [tilespmem:s30+$0x4070];
	v5 =	vadd.bf16 v8, v62  }
.LBB2_3:
0x123: {  	v8 =	vld [tilespmem:s0+$0x80];
	v6 =	vadd.bf16 v6, v7  }
0x124: {  	v7 =	vld [tilespmem:s0+$0x1080];
	v4 =	vadd.bf16 v4, v5  }
0x125: {  	v5 =	vld [tilespmem:s0+$0x1000];
	v9 =	vunpack.i.l.bf16.f32 v6  }
0x126: {  	v6 =	vunpack.i.u.bf16.f32 v6;
	v10 =	vld [tilespmem:s0+$0x2080];
	[tilespmem:s29+$0x80] =	vst v9;
	v3 =	vadd.bf16 v3, v4  }
0x127: {  	v4 =	vld [tilespmem:s0+$0x3080];
	[tilespmem:s29+$0x90] =	vst v6;
	v0 =	vadd.bf16 v1, v0  }
0x128: {  	v1 =	vld [tilespmem:s28+$0xD0];
	v2 =	vadd.bf16 v2, v3  }
0x129: {  	v3 =	vadd.bf16 v7, v8;
	v6 =	vld [tilespmem:s28+$0x10D0];
	v7 =	vunpack.i.u.bf16.f32 v0;
	v0 =	vunpack.i.l.bf16.f32 v0  }
0x12a: {  	v8 =	vld [tilespmem:s0+$0x4080];
	v9 =	vunpack.i.u.bf16.f32 v2;
	v2 =	vunpack.i.l.bf16.f32 v2;
	[tilespmem:s14+$0xFFFFFFE0] =	vst v0  }
0x12b: {  	v0 =	vadd.bf16 v10, v3;
	v3 =	vld [tilespmem:s28+$0x20D0];
	[tilespmem:s26+$0xFFFFFFC0] =	vst v2  }
0x12c: {  	v2 =	vld [tilespmem:s0+$0x0];
	[tilespmem:s26+$0xFFFFFFD0] =	vst v9  }
0x12d: {  	v0 =	vadd.bf16 v4, v0;
	v4 =	vld [tilespmem:s28+$0x30D0];
	[tilespmem:s14+$0xFFFFFFF0] =	vst v7;
	s14 =	smov.u32 s26;
	s26 =	smov.u32 s29  }
0x12e: {  	v7 =	vld [tilespmem:s0+$0x2000];
	v1 =	vadd.bf16 v6, v1  }
0x12f: {  	v0 =	vadd.bf16 v8, v0;
	v6 =	vld [tilespmem:s28+$0x40D0]  }
0x130: {  	v8 =	vld [tilespmem:s0+$0x3000];
	v1 =	vadd.bf16 v3, v1  }
0x131: {  	s29 =	sadd.s32 $0x200, s29;
	v2 =	vadd.bf16 v5, v2;
	v3 =	vld [tilespmem:s0+$0x4000];
	v5 =	vunpack.i.l.bf16.f32 v0  }
0x132: {  	s31 =	sadd.s32 $0x8, s31;
	v0 =	vunpack.i.u.bf16.f32 v0;
	[tilespmem:s29+$0x0] =	vst v5;
	v5 =	vld [tilespmem:s28+$0x40];
	v1 =	vadd.bf16 v4, v1  }
0x133: {  	p0 =	slt.u32 s31, $0x78;
	v2 =	vadd.bf16 v7, v2;
	[tilespmem:s29+$0x10] =	vst v0;
	v0 =	vld [tilespmem:s28+$0x1040]  }
0x134: {  	v4 =	vld [tilespmem:s0+$0x90];
	v1 =	vadd.bf16 v6, v1  }
0x135: {  	v2 =	vadd.bf16 v8, v2;
	v6 =	vld [tilespmem:s0+$0x1090]  }
0x136: {  	v7 =	vld [tilespmem:s28+$0x2040];
	v8 =	vunpack.i.l.bf16.f32 v1  }
0x137: {  	v1 =	vunpack.i.u.bf16.f32 v1;
	v2 =	vadd.bf16 v3, v2;
	v3 =	vld [tilespmem:s0+$0x2090];
	[tilespmem:s26+$0xA0] =	vst v8  }
0x138: {  	v8 =	vld [tilespmem:s0+$0x3090];
	v0 =	vadd.bf16 v0, v5;
	[tilespmem:s26+$0xB0] =	vst v1  }
0x139: {  	v1 =	vunpack.i.u.bf16.f32 v2;
	v2 =	vunpack.i.l.bf16.f32 v2;
	v5 =	vld [tilespmem:s28+$0xE0]  }
0x13a: {  	[tilespmem:s29+$0xFFFFFF00] =	vst v2;
	v2 =	vadd.bf16 v6, v4;
	v4 =	vld [tilespmem:s28+$0x10E0]  }
0x13b: {  	[tilespmem:s29+$0xFFFFFF10] =	vst v1;
	v1 =	vld [tilespmem:s0+$0x4090];
	v0 =	vadd.bf16 v7, v0  }
0x13c: {  	v2 =	vadd.bf16 v3, v2;
	v3 =	vld [tilespmem:s28+$0x20E0]  }
0x13d: {  	v6 =	vld [tilespmem:s0+$0x10]  }
0x13e: {  	v2 =	vadd.bf16 v8, v2;
	v7 =	vld [tilespmem:s28+$0x30E0]  }
0x13f: {  	v8 =	vld [tilespmem:s0+$0x1010];
	v4 =	vadd.bf16 v4, v5  }
0x140: {  	v1 =	vadd.bf16 v1, v2;
	v2 =	vld [tilespmem:s28+$0x40E0]  }
0x141: {  	v5 =	vld [tilespmem:s0+$0x2010];
	v3 =	vadd.bf16 v3, v4  }
0x142: {  	v4 =	vld [tilespmem:s0+$0x3010];
	v9 =	vunpack.i.l.bf16.f32 v1  }
0x143: {  	v1 =	vunpack.i.u.bf16.f32 v1;
	v10 =	vld [tilespmem:s0+$0x4010];
	[tilespmem:s29+$0x20] =	vst v9;
	v3 =	vadd.bf16 v7, v3  }
0x144: {  	v6 =	vadd.bf16 v8, v6;
	[tilespmem:s29+$0x30] =	vst v1;
	v1 =	vld [tilespmem:s28+$0x3040]  }
0x145: {  	v7 =	vld [tilespmem:s0+$0xA0];
	v2 =	vadd.bf16 v2, v3  }
0x146: {  	v3 =	vadd.bf16 v5, v6;
	v5 =	vld [tilespmem:s0+$0x10A0]  }
0x147: {  	v6 =	vld [tilespmem:s28+$0x4040];
	v8 =	vunpack.i.l.bf16.f32 v2  }
0x148: {  	v2 =	vunpack.i.u.bf16.f32 v2;
	v3 =	vadd.bf16 v4, v3;
	v4 =	vld [tilespmem:s0+$0x20A0];
	[tilespmem:s26+$0xC0] =	vst v8  }
0x149: {  	v8 =	vld [tilespmem:s0+$0x30A0];
	v0 =	vadd.bf16 v1, v0;
	[tilespmem:s26+$0xD0] =	vst v2  }
0x14a: {  	v1 =	vadd.bf16 v10, v3;
	v2 =	vld [tilespmem:s28+$0xF0]  }
0x14b: {  	v3 =	vadd.bf16 v5, v7;
	v5 =	vld [tilespmem:s28+$0x10F0]  }
0x14c: {  	v7 =	vunpack.i.u.bf16.f32 v1;
	v1 =	vunpack.i.l.bf16.f32 v1;
	v9 =	vld [tilespmem:s0+$0x40A0];
	v0 =	vadd.bf16 v6, v0  }
0x14d: {  	[tilespmem:s29+$0xFFFFFF20] =	vst v1;
	v1 =	vadd.bf16 v4, v3;
	v3 =	vld [tilespmem:s28+$0x20F0]  }
0x14e: {  	[tilespmem:s29+$0xFFFFFF30] =	vst v7;
	v4 =	vunpack.i.u.bf16.f32 v0;
	v0 =	vunpack.i.l.bf16.f32 v0;
	v6 =	vld [tilespmem:s23+$0x70]  }
0x14f: {  	v1 =	vadd.bf16 v8, v1;
	[tilespmem:s26+$0xFFFFFF80] =	vst v0;
	v0 =	vld [tilespmem:s28+$0x30F0]  }
0x150: {  	v7 =	vld [tilespmem:s0+$0x20];
	[tilespmem:s26+$0xFFFFFF90] =	vst v4;
	v2 =	vadd.bf16 v5, v2  }
0x151: {  	v1 =	vadd.bf16 v9, v1;
	v4 =	vld [tilespmem:s28+$0x40F0]  }
0x152: {  	v5 =	vld [tilespmem:s0+$0x1020];
	v2 =	vadd.bf16 v3, v2  }
0x153: {  	v3 =	vld [tilespmem:s0+$0x2020];
	v8 =	vunpack.i.l.bf16.f32 v1  }
0x154: {  	v1 =	vunpack.i.u.bf16.f32 v1;
	v9 =	vld [tilespmem:s0+$0x3020];
	[tilespmem:s29+$0x40] =	vst v8;
	v0 =	vadd.bf16 v0, v2  }
0x155: {  	v2 =	vld [tilespmem:s0+$0x4020];
	[tilespmem:s29+$0x50] =	vst v1  }
0x156: {  	v1 =	vld [tilespmem:s0+$0xB0];
	v0 =	vadd.bf16 v4, v0  }
0x157: {  	v4 =	vadd.bf16 v5, v7;
	v5 =	vld [tilespmem:s0+$0x10B0]  }
0x158: {  	v7 =	vld [tilespmem:s28+$0x50];
	v8 =	vunpack.i.u.bf16.f32 v0;
	v0 =	vunpack.i.l.bf16.f32 v0  }
0x159: {  	v3 =	vadd.bf16 v3, v4;
	v4 =	vld [tilespmem:s0+$0x20B0];
	[tilespmem:s26+$0xF0] =	vst v8  }
0x15a: {  	v8 =	vld [tilespmem:s28+$0x1050];
	[tilespmem:s26+$0xE0] =	vst v0  }
0x15b: {  	v0 =	vadd.bf16 v9, v3;
	v3 =	vld [tilespmem:s0+$0x30B0]  }
0x15c: {  	v1 =	vadd.bf16 v5, v1;
	v5 =	vld [tilespmem:s28+$0x2050]  }
0x15d: {  	v0 =	vadd.bf16 v2, v0;
	v2 =	vld [tilespmem:s0+$0x40B0]  }
0x15e: {  	v1 =	vadd.bf16 v4, v1;
	v4 =	vld [tilespmem:s28+$0x3050]  }
0x15f: {  	v9 =	vunpack.i.u.bf16.f32 v0;
	v0 =	vunpack.i.l.bf16.f32 v0;
	v7 =	vadd.bf16 v8, v7;
	v8 =	vld [tilespmem:s28+$0x4050]  }
0x160: {  	[tilespmem:s29+$0xFFFFFF40] =	vst v0;
	v0 =	vadd.bf16 v3, v1;
	v1 =	vld [tilespmem:s23+$0x1070]  }
0x161: {  	[tilespmem:s29+$0xFFFFFF50] =	vst v9;
	v3 =	vadd.bf16 v5, v7;
	v5 =	vld [tilespmem:s23+$0x2070]  }
0x162: {  	v7 =	vld [tilespmem:s0+$0x30];
	v0 =	vadd.bf16 v2, v0  }
0x163: {  	v2 =	vld [tilespmem:s0+$0x1030];
	v3 =	vadd.bf16 v4, v3  }
0x164: {  	v4 =	vld [tilespmem:s0+$0x2030];
	v9 =	vunpack.i.l.bf16.f32 v0  }
0x165: {  	v0 =	vunpack.i.u.bf16.f32 v0;
	v10 =	vld [tilespmem:s0+$0x3030];
	[tilespmem:s29+$0x60] =	vst v9;
	v3 =	vadd.bf16 v8, v3;
	v1 =	vadd.bf16 v1, v6  }
0x166: {  	v6 =	vld [tilespmem:s0+$0x4030];
	[tilespmem:s29+$0x70] =	vst v0  }
0x167: {  	v0 =	vld [tilespmem:s0+$0xC0];
	v8 =	vunpack.i.u.bf16.f32 v3;
	v3 =	vunpack.i.l.bf16.f32 v3;
	v1 =	vadd.bf16 v5, v1  }
0x168: {  	v2 =	vadd.bf16 v2, v7;
	v5 =	vld [tilespmem:s0+$0x10C0];
	[tilespmem:s26+$0xFFFFFFA0] =	vst v3  }
0x169: {  	[tilespmem:s26+$0xFFFFFFB0] =	vst v8;
	v3 =	vld [tilespmem:s23+$0x3070]  }
0x16a: {  	v2 =	vadd.bf16 v4, v2;
	v4 =	vld [tilespmem:s0+$0x20C0]  }
0x16b: {  	v8 =	vld [tilespmem:s28+$0x60]  }
0x16c: {  	v2 =	vadd.bf16 v10, v2;
	v7 =	vld [tilespmem:s0+$0x30C0]  }
0x16d: {  	v5 =	vadd.bf16 v5, v0;
	v9 =	vld [tilespmem:s28+$0x1060]  }
.Ltmp0:
0x16e: {  	v2 =	vadd.bf16 v6, v2;
	v6 =	vld [tilespmem:s0+$0x40C0];
	v0 =	vadd.bf16 v3, v1;
	(pc) =	sbr.rel @p0 .LBB2_3-.Ltmp0, $4  }
0x16f: {  	v1 =	vadd.bf16 v4, v5;
	v4 =	vld [tilespmem:s28+$0x2060]  }
0x170: {  	v5 =	vunpack.i.u.bf16.f32 v2;
	v2 =	vunpack.i.l.bf16.f32 v2;
	v3 =	vld [tilespmem:s28+$0x3060]  }
0x171: {  	[tilespmem:s29+$0xFFFFFF60] =	vst v2;
	v7 =	vadd.bf16 v7, v1;
	v2 =	vld [tilespmem:s28+$0x4060]  }
0x172: {  	[tilespmem:s29+$0xFFFFFF70] =	vst v5;
	v5 =	vadd.bf16 v9, v8;
	v1 =	vld [tilespmem:s23+$0x4070];
	s23 =	smov.u32 s28;
	s28 =	smov.u32 s0;
	s0 =	sadd.s32 $0x100, s0  }
0x173: {  	v8 =	vld [tilespmem:s28+$0x40]  }
0x174: {  	v9 =	vld [tilespmem:s28+$0x1040];
	_ =	sdelay $0x1  }
0x175: {  	v10 =	vld [tilespmem:s28+$0x2040]  }
0x176: {  	v6 =	vadd.bf16 v6, v7  }
0x177: {  	v7 =	vld [tilespmem:s28+$0x3040]  }
0x178: {  	v11 =	vunpack.i.l.bf16.f32 v6;
	v8 =	vadd.bf16 v9, v8  }
0x179: {  	v48 =	vld [tilespmem:s28+$0x4040];
	v6 =	vunpack.i.u.bf16.f32 v6;
	[tilespmem:s29+$0x80] =	vst v11  }
0x17a: {  	[tilespmem:s29+$0x90] =	vst v6;
	v6 =	vadd.bf16 v10, v8  }
0x17b: {  	v49 =	vld [tilespmem:s28+$0x10D0]  }
0x17c: {  	v8 =	vld [tilespmem:s28+$0xD0];
	v6 =	vadd.bf16 v7, v6;
	_ =	sdelay $0x1  }
0x17d: {  	v7 =	vld [tilespmem:s28+$0x20D0];
	v6 =	vadd.bf16 v48, v6;
	_ =	sdelay $0x1  }
0x17e: {  	v50 =	vld [tilespmem:s28+$0x30D0];
	v51 =	vunpack.i.l.bf16.f32 v6  }
0x17f: {  	v8 =	vadd.bf16 v49, v8;
	v6 =	vunpack.i.u.bf16.f32 v6;
	[tilespmem:s29+$0xFFFFFF80] =	vst v51  }
0x180: {  	v52 =	vld [tilespmem:s28+$0x40D0];
	[tilespmem:s29+$0xFFFFFF90] =	vst v6  }
0x181: {  	v6 =	vadd.bf16 v7, v8;
	v7 =	vld [tilespmem:s28+$0x50]  }
0x182: {  	v8 =	vld [tilespmem:s28+$0x1050]  }
0x183: {  	v6 =	vadd.bf16 v50, v6  }
0x184: {  	v53 =	vld [tilespmem:s28+$0x2050]  }
0x185: {  	v6 =	vadd.bf16 v52, v6  }
0x186: {  	v54 =	vld [tilespmem:s28+$0x3050]  }
0x187: {  	v55 =	vunpack.i.l.bf16.f32 v6;
	v7 =	vadd.bf16 v8, v7  }
0x188: {  	v6 =	vunpack.i.u.bf16.f32 v6;
	v8 =	vld [tilespmem:s28+$0x4050];
	[tilespmem:s29+$0xA0] =	vst v55  }
0x189: {  	[tilespmem:s29+$0xB0] =	vst v6;
	v6 =	vadd.bf16 v53, v7  }
0x18a: {  	v7 =	vld [tilespmem:s28+$0xE0]  }
0x18b: {  	v56 =	vld [tilespmem:s28+$0x10E0];
	v6 =	vadd.bf16 v54, v6;
	_ =	sdelay $0x1  }
0x18c: {  	v57 =	vld [tilespmem:s28+$0x20E0];
	v6 =	vadd.bf16 v8, v6;
	_ =	sdelay $0x1  }
0x18d: {  	v8 =	vld [tilespmem:s28+$0x30E0];
	v58 =	vunpack.i.l.bf16.f32 v6  }
0x18e: {  	v7 =	vadd.bf16 v56, v7;
	v6 =	vunpack.i.u.bf16.f32 v6;
	[tilespmem:s29+$0xFFFFFFA0] =	vst v58  }
0x18f: {  	v59 =	vld [tilespmem:s28+$0x40E0];
	[tilespmem:s29+$0xFFFFFFB0] =	vst v6  }
0x190: {  	v6 =	vadd.bf16 v57, v7;
	v7 =	vld [tilespmem:s28+$0x60]  }
0x191: {  	v60 =	vld [tilespmem:s28+$0x1060]  }
0x192: {  	v6 =	vadd.bf16 v8, v6  }
0x193: {  	v4 =	vadd.bf16 v4, v5;
	v5 =	vld [tilespmem:s28+$0x2060]  }
0x194: {  	v6 =	vadd.bf16 v59, v6  }
0x195: {  	v3 =	vadd.bf16 v3, v4;
	v4 =	vld [tilespmem:s28+$0x3060]  }
0x196: {  	v8 =	vunpack.i.l.bf16.f32 v6;
	v7 =	vadd.bf16 v60, v7  }
0x197: {  	v2 =	vadd.bf16 v2, v3;
	v3 =	vunpack.i.u.bf16.f32 v6;
	v6 =	vld [tilespmem:s28+$0x4060];
	[tilespmem:s29+$0xC0] =	vst v8  }
0x198: {  	[tilespmem:s29+$0xD0] =	vst v3;
	v3 =	vadd.bf16 v5, v7  }
0x199: {  	v7 =	vld [tilespmem:s28+$0xF0]  }
0x19a: {  	v5 =	vunpack.i.l.bf16.f32 v2;
	v8 =	vld [tilespmem:s28+$0x40F0];
	v3 =	vadd.bf16 v4, v3  }
0x19b: {  	v2 =	vunpack.i.u.bf16.f32 v2;
	[tilespmem:s26+$0xFFFFFFC0] =	vst v5;
	v5 =	vld [tilespmem:s28+$0x10F0]  }
0x19c: {  	[tilespmem:s26+$0xFFFFFFD0] =	vst v2;
	v2 =	vld [tilespmem:s28+$0x20F0];
	v3 =	vadd.bf16 v6, v3  }
0x19d: {  	v4 =	vld [tilespmem:s23+$0x70]  }
0x19e: {  	v62 =	vld [tilespmem:s23+$0x1070];
	v61 =	vunpack.i.l.bf16.f32 v3  }
0x19f: {  	v63 =	vld [tilespmem:s23+$0x2070];
	v3 =	vunpack.i.u.bf16.f32 v3;
	[tilespmem:s29+$0xFFFFFFC0] =	vst v61  }
0x1a0: {  	v6 =	vld [tilespmem:s28+$0x30F0];
	[tilespmem:s29+$0xFFFFFFD0] =	vst v3  }
0x1a1: {  	v3 =	vld [tilespmem:s28+$0x70]  }
0x1a2: {  	v5 =	vadd.bf16 v5, v7;
	v7 =	vld [tilespmem:s28+$0x1070]  }
0x1a3: {  	v12 =	vld [tilespmem:s23+$0x3070]  }
0x1a4: {  	v4 =	vadd.bf16 v62, v4;
	v2 =	vadd.bf16 v2, v5;
	v5 =	vld [tilespmem:s28+$0x2070]  }
0x1a5: {  	v0 =	vadd.bf16 v1, v0;
	v13 =	vld [tilespmem:s23+$0x4070]  }
0x1a6: {  	v4 =	vadd.bf16 v63, v4;
	v1 =	vadd.bf16 v6, v2;
	v2 =	vld [tilespmem:s28+$0x3070]  }
0x1a7: {  	v3 =	vadd.bf16 v7, v3  }
0x1a8: {  	v6 =	vld [tilespmem:s28+$0x4070];
	v4 =	vadd.bf16 v12, v4  }
0x1a9: {  	v1 =	vadd.bf16 v8, v1;
	v7 =	vunpack.i.l.bf16.f32 v0;
	v3 =	vadd.bf16 v5, v3  }
0x1aa: {  	v0 =	vunpack.i.u.bf16.f32 v0;
	[tilespmem:s14+$0xFFFFFFE0] =	vst v7  }
0x1ab: {  	v4 =	vadd.bf16 v13, v4;
	[tilespmem:s14+$0xFFFFFFF0] =	vst v0;
	v0 =	vunpack.i.u.bf16.f32 v1;
	v2 =	vadd.bf16 v2, v3  }
0x1ac: {  	v1 =	vunpack.i.l.bf16.f32 v1;
	[tilespmem:s29+$0xF0] =	vst v0  }
0x1ad: {  	[tilespmem:s29+$0xE0] =	vst v1;
	v0 =	vunpack.i.l.bf16.f32 v4;
	v1 =	vadd.bf16 v6, v2  }
0x1ae: {  	s0 =	sshll.u32 s24, $0xE;
	[tilespmem:s26+$0xFFFFFFE0] =	vst v0;
	v2 =	vunpack.i.u.bf16.f32 v4  }
0x1af: {  	s0 =	sadd.s32 s12, s0;
	[tilespmem:s26+$0xFFFFFFF0] =	vst v2;
	v0 =	vunpack.i.l.bf16.f32 v1  }
0x1b0: {  	p0 =	seq.s32 s24, $0x63;
	s0 =	sshrl.u32 s0, $0x3;
	v1 =	vunpack.i.u.bf16.f32 v1;
	[tilespmem:s29+$0xFFFFFFE0] =	vst v0  }
0x1b1: {  	s0 =	sadd.s32 s2, s0;
	s14 =	smul.u32 @!p0 $0x500, s24;
	[tilespmem:s29+$0xFFFFFFF0] =	vst v1  }
0x1b2: {  	[hbm4b:s0+s3] =	stream.linear.scatter [tilespmem:s20], [sflag:$0x3], $0x2000, $0x38;
	[tilespmem:$0xE500] =	vst v63  }
0x1b3: {  	s0 =	sadd.s32 @!p0 s14, s13;
	_ =	swait.ge [sflag:s15], $0x2000  }
0x1b4: {  	s0 =	sshrl.u32 @!p0 s0, $0x3;
	[sflag:s15] =	ssyncset.done $0x0  }
0x1b5: {  	s14 =	simm.s32 @!p0 $0x0;
	s0 =	sadd.s32 @!p0 s4, s0;
	[sflag:s15] =	ssyncadd.s32 $0xFFFFE000  }
0x1b6: {  	[tilespmem:s14], [sflag:$0x3] =	stream.linear.gather @!p0 [hbm4b:s0+s14], $0x280, $0x38;
	[tilespmem:$0xE500] =	vst v63  }
0x1b7: {  	s0 =	simm.s32 @!p0 $0x3  }
0x1b8: {  	_ =	swait.ge @!p0 [sflag:s0], $0x280  }
0x1b9: {  	[sflag:s0] =	ssyncset.done @!p0 $0x0  }
0x1ba: {  	s23 =	simm.s32 @!p0 $0x500;
	[sflag:s0] =	ssyncadd.s32 @!p0 $0xFFFFFD80;
	s0 =	simm.s32 @!p0 $0x80  }
0x1bb: {  	[tilespmem:s23], [sflag:$0x1] =	stream.indirect.gather @!p0 [hbm4b:s5+s0], $0x20, s14, s0, $0xb8;
	[tilespmem:$0xE500] =	vst v63  }
0x1bc: {  	s14 =	simm.s32 @!p0 $0x1500  }
0x1bd: {  	[tilespmem:s14], [sflag:$0x1] =	stream.indirect.gather @!p0 [hbm4b:s6+s0], $0x20, s0, s0, $0xb8;
	[tilespmem:$0xE500] =	vst v63  }
0x1be: {  	s23 =	simm.s32 @!p0 $0x2500;
	s14 =	simm.s32 @!p0 $0x100  }
0x1bf: {  	[tilespmem:s23], [sflag:$0x1] =	stream.indirect.gather @!p0 [hbm4b:s8+s0], $0x20, s14, s0, $0xb8;
	[tilespmem:$0xE500] =	vst v63  }
0x1c0: {  	s14 =	simm.s32 @!p0 $0x180;
	s23 =	simm.s32 @!p0 $0x3500  }
0x1c1: {  	[tilespmem:s23], [sflag:$0x1] =	stream.indirect.gather @!p0 [hbm4b:s9+s0], $0x20, s14, s0, $0xb8;
	[tilespmem:$0xE500] =	vst v63  }
0x1c2: {  	s14 =	simm.s32 @!p0 $0x200;
	s23 =	simm.s32 @!p0 $0x4500  }
0x1c3: {  	[tilespmem:s23], [sflag:$0x1] =	stream.indirect.gather @!p0 [hbm4b:s10+s0], $0x20, s14, s0, $0xb8;
	[tilespmem:$0xE500] =	vst v63  }
0x1c4: {  	_ =	swait.ge [sflag:s21], $0x1000  }
0x1c5: {  	[sflag:s21] =	ssyncset.done $0x0  }
0x1c6: {  	[sflag:s21] =	ssyncadd.s32 $0xFFFFF000  }
0x1c7: {  	_ =	swait.ge [sflag:s21], $0x1000  }
0x1c8: {  	[sflag:s21] =	ssyncset.done $0x0  }
0x1c9: {  	[sflag:s21] =	ssyncadd.s32 $0xFFFFF000  }
0x1ca: {  	_ =	swait.ge [sflag:s21], $0x1000  }
0x1cb: {  	[sflag:s21] =	ssyncset.done $0x0  }
0x1cc: {  	[sflag:s21] =	ssyncadd.s32 $0xFFFFF000  }
0x1cd: {  	_ =	swait.ge [sflag:s21], $0x1000  }
0x1ce: {  	[sflag:s21] =	ssyncset.done $0x0  }
0x1cf: {  	[sflag:s21] =	ssyncadd.s32 $0xFFFFF000  }
0x1d0: {  	_ =	swait.ge [sflag:s21], $0x1000  }
0x1d1: {  	[sflag:s21] =	ssyncset.done $0x0  }
0x1d2: {  	s30 =	simm.s32 $0x95F0;
	[sflag:s21] =	ssyncadd.s32 $0xFFFFF000  }
0x1d3: {  	v0 =	vld [tilespmem:s30+$0xFFFFBF90]  }
0x1d4: {  	v1 =	vld [tilespmem:s30+$0xFFFFCF90];
	_ =	sdelay $0x1  }
0x1d5: {  	v2 =	vld [tilespmem:s30+$0xFFFFDF90];
	_ =	sdelay $0x1  }
0x1d6: {  	v3 =	vld [tilespmem:s30+$0xFFFFEF90]  }
0x1d7: {  	v0 =	vadd.bf16 v1, v0  }
0x1d8: {  	v1 =	vld [tilespmem:s30+$0xFFFFFF90]  }
0x1d9: {  	v0 =	vadd.bf16 v2, v0;
	_ =	sdelay $0x1  }
0x1da: {  	v0 =	vadd.bf16 v3, v0;
	_ =	sdelay $0x1  }
0x1db: {  	v0 =	vadd.bf16 v1, v0;
	_ =	sdelay $0x1  }
0x1dc: {  	s14 =	simm.s32 $0xC6F0;
	v2 =	vunpack.i.l.bf16.f32 v0  }
0x1dd: {  	v3 =	vld [tilespmem:s30+$0xFFFFBF10];
	v0 =	vunpack.i.u.bf16.f32 v0;
	[tilespmem:s14+$0xFFFFFF10] =	vst v2  }
0x1de: {  	v1 =	vld [tilespmem:s30+$0xFFFFCF10];
	[tilespmem:s14+$0xFFFFFF20] =	vst v0  }
0x1df: {  	v0 =	vld [tilespmem:s30+$0xFFFFBFA0]  }
0x1e0: {  	v4 =	vld [tilespmem:s30+$0xFFFFCFA0]  }
0x1e1: {  	v2 =	vld [tilespmem:s30+$0xFFFFDF10]  }
0x1e2: {  	v6 =	vld [tilespmem:s30+$0xFFFFDFA0]  }
0x1e3: {  	v5 =	vld [tilespmem:s30+$0xFFFFEF10]  }
0x1e4: {  	v7 =	vld [tilespmem:s30+$0xFFFFEFA0];
	v1 =	vadd.bf16 v1, v3  }
0x1e5: {  	v3 =	vld [tilespmem:s30+$0xFFFFFF10];
	v0 =	vadd.bf16 v4, v0  }
0x1e6: {  	v1 =	vadd.bf16 v2, v1;
	v2 =	vld [tilespmem:s30+$0xFFFFFFA0]  }
0x1e7: {  	v0 =	vadd.bf16 v6, v0  }
0x1e8: {  	v1 =	vadd.bf16 v5, v1  }
0x1e9: {  	v0 =	vadd.bf16 v7, v0  }
0x1ea: {  	v1 =	vadd.bf16 v3, v1  }
0x1eb: {  	v0 =	vadd.bf16 v2, v0  }
0x1ec: {  	v3 =	vunpack.i.l.bf16.f32 v1;
	v1 =	vunpack.i.u.bf16.f32 v1  }
0x1ed: {  	[tilespmem:s14+$0xFFFFFE20] =	vst v1;
	v1 =	vunpack.i.l.bf16.f32 v0  }
0x1ee: {  	v0 =	vunpack.i.u.bf16.f32 v0;
	[tilespmem:s14+$0xFFFFFF30] =	vst v1  }
0x1ef: {  	[tilespmem:s14+$0xFFFFFF40] =	vst v0  }
0x1f0: {  	v0 =	vld [tilespmem:s30+$0xFFFFBFB0]  }
0x1f1: {  	[tilespmem:s14+$0xFFFFFE10] =	vst v3;
	v2 =	vld [tilespmem:s30+$0xFFFFCFB0]  }
0x1f2: {  	v3 =	vld [tilespmem:s30+$0xFFFFCF20]  }
0x1f3: {  	v4 =	vld [tilespmem:s30+$0xFFFFDFB0]  }
0x1f4: {  	v1 =	vld [tilespmem:s30+$0xFFFFBF20]  }
0x1f5: {  	v6 =	vld [tilespmem:s30+$0xFFFFEFB0]  }
0x1f6: {  	v5 =	vld [tilespmem:s30+$0xFFFFDF20];
	v0 =	vadd.bf16 v2, v0  }
0x1f7: {  	v2 =	vld [tilespmem:s30+$0xFFFFFFB0]  }
0x1f8: {  	v7 =	vld [tilespmem:s30+$0xFFFFEF20];
	v0 =	vadd.bf16 v4, v0  }
0x1f9: {  	v1 =	vadd.bf16 v3, v1  }
0x1fa: {  	v3 =	vld [tilespmem:s30+$0xFFFFFF20];
	v0 =	vadd.bf16 v6, v0  }
0x1fb: {  	v1 =	vadd.bf16 v5, v1  }
0x1fc: {  	v0 =	vadd.bf16 v2, v0  }
0x1fd: {  	v1 =	vadd.bf16 v7, v1  }
0x1fe: {  	v2 =	vunpack.i.l.bf16.f32 v0  }
0x1ff: {  	v1 =	vadd.bf16 v3, v1;
	v0 =	vunpack.i.u.bf16.f32 v0;
	[tilespmem:s14+$0xFFFFFF50] =	vst v2  }
0x200: {  	[tilespmem:s14+$0xFFFFFF60] =	vst v0  }
0x201: {  	v2 =	vunpack.i.l.bf16.f32 v1;
	v0 =	vunpack.i.u.bf16.f32 v1;
	v1 =	vld [tilespmem:s30+$0xFFFFBFC0]  }
0x202: {  	[tilespmem:s14+$0xFFFFFE40] =	vst v0;
	v0 =	vld [tilespmem:s30+$0xFFFFCFC0]  }
0x203: {  	v3 =	vld [tilespmem:s30+$0xFFFFDFC0]  }
0x204: {  	[tilespmem:s14+$0xFFFFFE30] =	vst v2;
	v5 =	vld [tilespmem:s30+$0xFFFFEFC0]  }
0x205: {  	v2 =	vld [tilespmem:s30+$0xFFFFBF30]  }
0x206: {  	v4 =	vld [tilespmem:s30+$0xFFFFCF30]  }
0x207: {  	v6 =	vld [tilespmem:s30+$0xFFFFDF30];
	v0 =	vadd.bf16 v0, v1  }
0x208: {  	v1 =	vld [tilespmem:s30+$0xFFFFFFC0]  }
0x209: {  	v0 =	vadd.bf16 v3, v0  }
0x20a: {  	v3 =	vld [tilespmem:s30+$0xFFFFEF30]  }
0x20b: {  	v2 =	vadd.bf16 v4, v2;
	v0 =	vadd.bf16 v5, v0;
	_ =	sdelay $0x1  }
0x20c: {  	v4 =	vld [tilespmem:s30+$0xFFFFFF30];
	v2 =	vadd.bf16 v6, v2;
	v0 =	vadd.bf16 v1, v0;
	_ =	sdelay $0x1  }
0x20d: {  	v1 =	vadd.bf16 v3, v2;
	v2 =	vunpack.i.l.bf16.f32 v0  }
0x20e: {  	v0 =	vunpack.i.u.bf16.f32 v0;
	[tilespmem:s14+$0xFFFFFF70] =	vst v2  }
0x20f: {  	[tilespmem:s14+$0xFFFFFF80] =	vst v0  }
0x210: {  	v1 =	vadd.bf16 v4, v1;
	v0 =	vld [tilespmem:s30+$0xFFFFBFD0]  }
0x211: {  	v3 =	vld [tilespmem:s30+$0xFFFFCFD0]  }
0x212: {  	v2 =	vunpack.i.l.bf16.f32 v1;
	v1 =	vunpack.i.u.bf16.f32 v1  }
0x213: {  	[tilespmem:s14+$0xFFFFFE60] =	vst v1;
	v1 =	vld [tilespmem:s30+$0xFFFFDFD0];
	_ =	sdelay $0x1  }
0x214: {  	s23 =	simm.s32 $0x96F0;
	v4 =	vld [tilespmem:s30+$0xFFFFEFD0]  }
0x215: {  	v15 =	vld [tilespmem:s23+$0xFFFFEF90];
	v0 =	vadd.bf16 v3, v0  }
0x216: {  	v3 =	vld [tilespmem:s30+$0xFFFFFFD0]  }
0x217: {  	v16 =	vld [tilespmem:s23+$0xFFFFCF10];
	v0 =	vadd.bf16 v1, v0  }
0x218: {  	v1 =	vld [tilespmem:s23+$0xFFFFBF90]  }
0x219: {  	v0 =	vadd.bf16 v4, v0;
	v4 =	vld [tilespmem:s23+$0xFFFFCF90]  }
0x21a: {  	v17 =	vld [tilespmem:s23+$0xFFFFBF10]  }
0x21b: {  	[tilespmem:s14+$0xFFFFFE50] =	vst v2;
	v0 =	vadd.bf16 v3, v0;
	v3 =	vld [tilespmem:s23+$0xFFFFDF90]  }
0x21c: {  	v2 =	vld [tilespmem:s30+$0xFFFFBF40]  }
0x21d: {  	v5 =	vld [tilespmem:s30+$0xFFFFCF40];
	v14 =	vunpack.i.l.bf16.f32 v0  }
0x21e: {  	v6 =	vld [tilespmem:s30+$0xFFFFDF40];
	v0 =	vunpack.i.u.bf16.f32 v0;
	[tilespmem:s14+$0xFFFFFF90] =	vst v14;
	v1 =	vadd.bf16 v4, v1  }
0x21f: {  	[tilespmem:s14+$0xFFFFFFA0] =	vst v0;
	v0 =	vld [tilespmem:s23+$0xFFFFFF90]  }
0x220: {  	v4 =	vld [tilespmem:s30+$0xFFFFBFE0];
	v1 =	vadd.bf16 v3, v1  }
0x221: {  	v3 =	vld [tilespmem:s30+$0xFFFFCFE0]  }
0x222: {  	v7 =	vld [tilespmem:s30+$0xFFFFEF40];
	v1 =	vadd.bf16 v15, v1  }
0x223: {  	v2 =	vadd.bf16 v5, v2;
	v9 =	vld [tilespmem:s30+$0xFFFFDFE0]  }
0x224: {  	v8 =	vld [tilespmem:s30+$0xFFFFFF40];
	v0 =	vadd.bf16 v0, v1  }
0x225: {  	v2 =	vadd.bf16 v6, v2;
	v5 =	vld [tilespmem:s30+$0xFFFFEFE0]  }
0x226: {  	s26 =	simm.s32 $0xC8F0;
	v1 =	vld [tilespmem:s23+$0xFFFFDF10];
	v3 =	vadd.bf16 v3, v4;
	v6 =	vunpack.i.l.bf16.f32 v0  }
0x227: {  	v2 =	vadd.bf16 v7, v2;
	v4 =	vld [tilespmem:s30+$0xFFFFFFE0];
	v0 =	vunpack.i.u.bf16.f32 v0;
	[tilespmem:s26+$0xFFFFFF10] =	vst v6  }
0x228: {  	v12 =	vld [tilespmem:s23+$0xFFFFEF10];
	v3 =	vadd.bf16 v9, v3;
	[tilespmem:s26+$0xFFFFFF20] =	vst v0  }
0x229: {  	v2 =	vadd.bf16 v8, v2;
	v7 =	vld [tilespmem:s23+$0xFFFFBFA0]  }
0x22a: {  	v0 =	vadd.bf16 v16, v17;
	v3 =	vadd.bf16 v5, v3;
	v5 =	vld [tilespmem:s23+$0xFFFFCFA0]  }
0x22b: {  	v6 =	vld [tilespmem:s23+$0xFFFFFF10]  }
0x22c: {  	v0 =	vadd.bf16 v1, v0;
	v1 =	vunpack.i.l.bf16.f32 v2;
	v3 =	vadd.bf16 v4, v3;
	v4 =	vld [tilespmem:s23+$0xFFFFDFA0]  }
0x22d: {  	v2 =	vunpack.i.u.bf16.f32 v2;
	[tilespmem:s14+$0xFFFFFE70] =	vst v1  }
0x22e: {  	[tilespmem:s14+$0xFFFFFE80] =	vst v2;
	v2 =	vld [tilespmem:s23+$0xFFFFEFA0];
	v1 =	vunpack.i.l.bf16.f32 v3  }
0x22f: {  	v0 =	vadd.bf16 v12, v0;
	v8 =	vld [tilespmem:s30+$0xFFFFBF50];
	v3 =	vunpack.i.u.bf16.f32 v3;
	[tilespmem:s14+$0xFFFFFFB0] =	vst v1;
	v1 =	vadd.bf16 v5, v7  }
0x230: {  	[tilespmem:s14+$0xFFFFFFC0] =	vst v3;
	v3 =	vld [tilespmem:s23+$0xFFFFFFA0]  }
0x231: {  	v0 =	vadd.bf16 v6, v0;
	v6 =	vld [tilespmem:s30+$0xFFFFBFF0];
	v1 =	vadd.bf16 v4, v1  }
0x232: {  	v7 =	vld [tilespmem:s30+$0xFFFFFFF0]  }
0x233: {  	v5 =	vunpack.i.l.bf16.f32 v0;
	v0 =	vunpack.i.u.bf16.f32 v0;
	v4 =	vld [tilespmem:s30+$0xFFFFCFF0];
	v1 =	vadd.bf16 v2, v1  }
0x234: {  	[tilespmem:s26+$0xFFFFFE20] =	vst v0;
	v0 =	vld [tilespmem:s30+$0xFFFFDFF0]  }
0x235: {  	[tilespmem:s26+$0xFFFFFE10] =	vst v5;
	v5 =	vld [tilespmem:s30+$0xFFFFEFF0];
	v1 =	vadd.bf16 v3, v1  }
0x236: {  	v2 =	vld [tilespmem:s23+$0xFFFFBF20]  }
0x237: {  	v3 =	vld [tilespmem:s23+$0xFFFFCF20];
	v18 =	vunpack.i.l.bf16.f32 v1  }
0x238: {  	v19 =	vld [tilespmem:s23+$0xFFFFDF20];
	v1 =	vunpack.i.u.bf16.f32 v1;
	[tilespmem:s26+$0xFFFFFF30] =	vst v18  }
0x239: {  	v4 =	vadd.bf16 v4, v6;
	v6 =	vld [tilespmem:s23+$0xFFFFEF20];
	[tilespmem:s26+$0xFFFFFF40] =	vst v1  }
0x23a: {  	v1 =	vld [tilespmem:s23+$0xFFFFBFB0]  }
0x23b: {  	v0 =	vadd.bf16 v0, v4;
	v4 =	vld [tilespmem:s23+$0xFFFFCFB0]  }
0x23c: {  	v20 =	vld [tilespmem:s23+$0xFFFFFF20];
	v2 =	vadd.bf16 v3, v2  }
0x23d: {  	v0 =	vadd.bf16 v5, v0;
	v3 =	vld [tilespmem:s23+$0xFFFFDFB0]  }
0x23e: {  	v5 =	vld [tilespmem:s30+$0xFFFFCF50];
	v2 =	vadd.bf16 v19, v2  }
0x23f: {  	v0 =	vadd.bf16 v7, v0;
	v7 =	vld [tilespmem:s23+$0xFFFFEFB0]  }
0x240: {  	v21 =	vld [tilespmem:s30+$0xFFFFDF50];
	v2 =	vadd.bf16 v6, v2;
	v1 =	vadd.bf16 v4, v1  }
0x241: {  	s28 =	simm.s32 $0x97F0;
	v4 =	vld [tilespmem:s23+$0xFFFFFFB0]  }
0x242: {  	v33 =	vld [tilespmem:s28+$0xFFFFEF90];
	v2 =	vadd.bf16 v20, v2;
	v1 =	vadd.bf16 v3, v1  }
0x243: {  	v6 =	vunpack.i.l.bf16.f32 v0;
	v3 =	vld [tilespmem:s30+$0xFFFFEF50]  }
0x244: {  	v35 =	vld [tilespmem:s28+$0xFFFFFF90];
	[tilespmem:s14+$0xFFFFFFD0] =	vst v6;
	v5 =	vadd.bf16 v5, v8;
	v8 =	vunpack.i.l.bf16.f32 v2;
	v7 =	vadd.bf16 v7, v1  }
0x245: {  	v6 =	vld [tilespmem:s30+$0xFFFFFF50];
	v2 =	vunpack.i.u.bf16.f32 v2;
	[tilespmem:s26+$0xFFFFFE30] =	vst v8  }
0x246: {  	v37 =	vld [tilespmem:s28+$0xFFFFBF10];
	v5 =	vadd.bf16 v21, v5;
	[tilespmem:s26+$0xFFFFFE40] =	vst v2;
	v2 =	vadd.bf16 v4, v7  }
0x247: {  	v4 =	vld [tilespmem:s23+$0xFFFFBF30]  }
0x248: {  	v8 =	vld [tilespmem:s23+$0xFFFFDF30];
	v3 =	vadd.bf16 v3, v5;
	v7 =	vunpack.i.l.bf16.f32 v2  }
0x249: {  	v5 =	vld [tilespmem:s23+$0xFFFFCF30];
	v2 =	vunpack.i.u.bf16.f32 v2;
	[tilespmem:s26+$0xFFFFFF50] =	vst v7  }
0x24a: {  	v3 =	vadd.bf16 v6, v3;
	v6 =	vld [tilespmem:s23+$0xFFFFEF30];
	[tilespmem:s26+$0xFFFFFF60] =	vst v2  }
0x24b: {  	v2 =	vld [tilespmem:s23+$0xFFFFBFC0]  }
0x24c: {  	v22 =	vld [tilespmem:s23+$0xFFFFCFC0];
	v7 =	vunpack.i.l.bf16.f32 v3  }
0x24d: {  	v3 =	vunpack.i.u.bf16.f32 v3;
	[tilespmem:s14+$0xFFFFFE90] =	vst v7;
	v7 =	vld [tilespmem:s23+$0xFFFFFF30]  }
0x24e: {  	[tilespmem:s14+$0xFFFFFEA0] =	vst v3;
	v3 =	vadd.bf16 v5, v4;
	v5 =	vld [tilespmem:s23+$0xFFFFDFC0]  }
0x24f: {  	v23 =	vld [tilespmem:s30+$0xFFFFBF60]  }
0x250: {  	v3 =	vadd.bf16 v8, v3;
	v8 =	vld [tilespmem:s23+$0xFFFFEFC0]  }
0x251: {  	v24 =	vld [tilespmem:s30+$0xFFFFCF60];
	v2 =	vadd.bf16 v22, v2  }
0x252: {  	v3 =	vadd.bf16 v6, v3;
	v6 =	vld [tilespmem:s23+$0xFFFFFFC0]  }
0x253: {  	v39 =	vld [tilespmem:s28+$0xFFFFDF10];
	v2 =	vadd.bf16 v5, v2  }
0x254: {  	v5 =	vld [tilespmem:s30+$0xFFFFDF60]  }
0x255: {  	v42 =	vld [tilespmem:s28+$0xFFFFEF10];
	v7 =	vadd.bf16 v7, v3;
	v8 =	vadd.bf16 v8, v2  }
0x256: {  	v0 =	vunpack.i.u.bf16.f32 v0;
	v25 =	vld [tilespmem:s30+$0xFFFFEF60]  }
0x257: {  	v17 =	vld [tilespmem:s28+$0xFFFFBF90];
	[tilespmem:s14+$0xFFFFFFE0] =	vst v0;
	v10 =	vadd.bf16 v24, v23;
	v26 =	vunpack.i.l.bf16.f32 v7;
	v6 =	vadd.bf16 v6, v8  }
0x258: {  	v7 =	vunpack.i.u.bf16.f32 v7;
	[tilespmem:s26+$0xFFFFFE50] =	vst v26;
	v8 =	vld [tilespmem:s30+$0xFFFFFF60]  }
0x259: {  	v18 =	vld [tilespmem:s28+$0xFFFFCF10];
	[tilespmem:s26+$0xFFFFFE60] =	vst v7;
	v5 =	vadd.bf16 v5, v10;
	v27 =	vunpack.i.l.bf16.f32 v6  }
0x25a: {  	v0 =	vld [tilespmem:s30+$0xFFFFC000];
	v6 =	vunpack.i.u.bf16.f32 v6;
	[tilespmem:s26+$0xFFFFFF70] =	vst v27  }
0x25b: {  	v7 =	vld [tilespmem:s23+$0xFFFFBF40];
	v5 =	vadd.bf16 v25, v5;
	[tilespmem:s26+$0xFFFFFF80] =	vst v6  }
0x25c: {  	v6 =	vld [tilespmem:s23+$0xFFFFBFD0]  }
0x25d: {  	v5 =	vadd.bf16 v8, v5;
	v8 =	vld [tilespmem:s23+$0xFFFFCFD0]  }
0x25e: {  	v28 =	vld [tilespmem:s23+$0xFFFFCF40]  }
0x25f: {  	v13 =	vld [tilespmem:s23+$0xFFFFDFD0]  }
0x260: {  	v29 =	vld [tilespmem:s23+$0xFFFFDF40];
	v31 =	vunpack.i.l.bf16.f32 v5;
	v5 =	vunpack.i.u.bf16.f32 v5  }
0x261: {  	[tilespmem:s14+$0xFFFFFEC0] =	vst v5;
	v5 =	vld [tilespmem:s23+$0xFFFFEFD0]  }
0x262: {  	v30 =	vld [tilespmem:s23+$0xFFFFEF40];
	v6 =	vadd.bf16 v8, v6  }
0x263: {  	v7 =	vadd.bf16 v28, v7;
	v8 =	vld [tilespmem:s23+$0xFFFFFFD0]  }
0x264: {  	v14 =	vld [tilespmem:s23+$0xFFFFFF40];
	v6 =	vadd.bf16 v13, v6  }
0x265: {  	v20 =	vld [tilespmem:s28+$0xFFFFDF90];
	v7 =	vadd.bf16 v29, v7  }
0x266: {  	v1 =	vld [tilespmem:s30+$0xFFFFD000];
	v5 =	vadd.bf16 v5, v6  }
0x267: {  	v4 =	vld [tilespmem:s30+$0xFFFFE000];
	v7 =	vadd.bf16 v30, v7  }
0x268: {  	v5 =	vadd.bf16 v8, v5;
	v8 =	vld [tilespmem:s28+$0xFFFFCF90]  }
0x269: {  	v3 =	vld [tilespmem:s30+$0xFFFFF000];
	v7 =	vadd.bf16 v14, v7  }
0x26a: {  	v2 =	vld [tilespmem:s30+$0x0];
	[tilespmem:s14+$0xFFFFFEB0] =	vst v31  }
0x26b: {  	v18 =	vadd.bf16 v18, v37;
	v12 =	vld [tilespmem:s30+$0xFFFFBF70];
	v40 =	vunpack.i.l.bf16.f32 v7;
	v7 =	vunpack.i.u.bf16.f32 v7  }
0x26c: {  	[tilespmem:s26+$0xFFFFFE80] =	vst v7;
	v7 =	vld [tilespmem:s28+$0xFFFFFF10]  }
0x26d: {  	v45 =	vadd.bf16 v39, v18;
	v15 =	vld [tilespmem:s30+$0xFFFFCF70];
	v8 =	vadd.bf16 v8, v17  }
0x26e: {  	v32 =	vld [tilespmem:s30+$0xFFFFDF70]  }
0x26f: {  	v9 =	vadd.bf16 v42, v45;
	v16 =	vld [tilespmem:s30+$0xFFFFEF70];
	[tilespmem:s26+$0xFFFFFE70] =	vst v40;
	v19 =	vunpack.i.l.bf16.f32 v5;
	v8 =	vadd.bf16 v20, v8  }
0x270: {  	v6 =	vld [tilespmem:s30+$0xFFFFFF70];
	v5 =	vunpack.i.u.bf16.f32 v5;
	[tilespmem:s26+$0xFFFFFF90] =	vst v19  }
0x271: {  	v44 =	vld [tilespmem:s23+$0xFFFFBF50];
	[tilespmem:s26+$0xFFFFFFA0] =	vst v5;
	v7 =	vadd.bf16 v7, v9;
	v8 =	vadd.bf16 v33, v8  }
0x272: {  	v5 =	vld [tilespmem:s23+$0xFFFFBFE0]  }
0x273: {  	s29 =	simm.s32 $0xCAF0;
	v34 =	vld [tilespmem:s23+$0xFFFFCFE0];
	v52 =	vunpack.i.l.bf16.f32 v7;
	v8 =	vadd.bf16 v35, v8  }
0x274: {  	v36 =	vld [tilespmem:s23+$0xFFFFDFE0];
	v7 =	vunpack.i.u.bf16.f32 v7;
	[tilespmem:s29+$0xFFFFFE10] =	vst v52  }
0x275: {  	v38 =	vld [tilespmem:s23+$0xFFFFEFE0];
	[tilespmem:s29+$0xFFFFFE20] =	vst v7;
	v43 =	vunpack.i.l.bf16.f32 v8  }
0x276: {  	v41 =	vld [tilespmem:s23+$0xFFFFFFE0];
	v8 =	vunpack.i.u.bf16.f32 v8;
	[tilespmem:s29+$0xFFFFFF10] =	vst v43  }
0x277: {  	v12 =	vadd.bf16 v15, v12;
	v56 =	vld [tilespmem:s28+$0xFFFFBF20];
	[tilespmem:s29+$0xFFFFFF20] =	vst v8  }
0x278: {  	v46 =	vld [tilespmem:s28+$0xFFFFBFA0]  }
0x279: {  	v21 =	vadd.bf16 v32, v12;
	v47 =	vld [tilespmem:s28+$0xFFFFCFA0]  }
0x27a: {  	v58 =	vld [tilespmem:s28+$0xFFFFCF20];
	v5 =	vadd.bf16 v34, v5  }
0x27b: {  	v9 =	vadd.bf16 v16, v21;
	v50 =	vld [tilespmem:s28+$0xFFFFDFA0]  }
0x27c: {  	v60 =	vld [tilespmem:s28+$0xFFFFDF20];
	v5 =	vadd.bf16 v36, v5  }
0x27d: {  	v6 =	vadd.bf16 v6, v9;
	v51 =	vld [tilespmem:s28+$0xFFFFEFA0]  }
0x27e: {  	v61 =	vld [tilespmem:s28+$0xFFFFEF20];
	v5 =	vadd.bf16 v38, v5;
	v14 =	vadd.bf16 v47, v46  }
0x27f: {  	v22 =	vadd.bf16 v58, v56;
	v54 =	vld [tilespmem:s28+$0xFFFFFFA0]  }
0x280: {  	v48 =	vld [tilespmem:s23+$0xFFFFDF50];
	v30 =	vunpack.i.l.bf16.f32 v6;
	v5 =	vadd.bf16 v41, v5;
	v7 =	vadd.bf16 v50, v14  }
0x281: {  	v25 =	vld [tilespmem:s23+$0xFFFFFF50];
	v6 =	vunpack.i.u.bf16.f32 v6;
	[tilespmem:s14+$0xFFFFFED0] =	vst v30  }
0x282: {  	v63 =	vld [tilespmem:s28+$0xFFFFFF20];
	[tilespmem:s14+$0xFFFFFEE0] =	vst v6;
	v12 =	vadd.bf16 v60, v22;
	v49 =	vunpack.i.l.bf16.f32 v5;
	v7 =	vadd.bf16 v51, v7  }
0x283: {  	v8 =	vld [tilespmem:s23+$0xFFFFCF50];
	v5 =	vunpack.i.u.bf16.f32 v5;
	[tilespmem:s26+$0xFFFFFFB0] =	vst v49  }
0x284: {  	v28 =	vadd.bf16 v61, v12;
	v61 =	vld [tilespmem:s30+$0xFFFFEF80];
	[tilespmem:s26+$0xFFFFFFC0] =	vst v5;
	v7 =	vadd.bf16 v54, v7  }
0x285: {  	v5 =	vld [tilespmem:s23+$0xFFFFBFF0]  }
0x286: {  	v53 =	vld [tilespmem:s23+$0xFFFFCFF0];
	v62 =	vunpack.i.l.bf16.f32 v7  }
0x287: {  	v55 =	vld [tilespmem:s23+$0xFFFFDFF0];
	v7 =	vunpack.i.u.bf16.f32 v7;
	[tilespmem:s29+$0xFFFFFF30] =	vst v62  }
0x288: {  	v57 =	vld [tilespmem:s23+$0xFFFFEFF0];
	[tilespmem:s29+$0xFFFFFF40] =	vst v7  }
0x289: {  	v23 =	vld [tilespmem:s28+$0xFFFFBFB0]  }
0x28a: {  	v9 =	vadd.bf16 v63, v28;
	v24 =	vld [tilespmem:s28+$0xFFFFCFB0]  }
0x28b: {  	v59 =	vld [tilespmem:s23+$0xFFFFFFF0]  }
0x28c: {  	v6 =	vadd.bf16 v8, v44;
	v8 =	vunpack.i.l.bf16.f32 v9;
	v27 =	vld [tilespmem:s28+$0xFFFFDFB0]  }
0x28d: {  	[tilespmem:s29+$0xFFFFFE30] =	vst v8;
	v8 =	vld [tilespmem:s30+$0xFFFFBF80];
	v5 =	vadd.bf16 v53, v5  }
0x28e: {  	v29 =	vld [tilespmem:s28+$0xFFFFEFB0]  }
0x28f: {  	v9 =	vunpack.i.u.bf16.f32 v9;
	v5 =	vadd.bf16 v55, v5;
	v7 =	vld [tilespmem:s23+$0xFFFFEF50];
	v13 =	vadd.bf16 v24, v23  }
0x290: {  	[tilespmem:s29+$0xFFFFFE40] =	vst v9;
	v32 =	vld [tilespmem:s28+$0xFFFFFFB0]  }
0x291: {  	v37 =	vld [tilespmem:s28+$0xFFFFBF30];
	v5 =	vadd.bf16 v57, v5;
	v33 =	vadd.bf16 v27, v13  }
0x292: {  	v6 =	vadd.bf16 v48, v6;
	v39 =	vld [tilespmem:s28+$0xFFFFCF30]  }
0x293: {  	v40 =	vld [tilespmem:s28+$0xFFFFDF30];
	v5 =	vadd.bf16 v59, v5;
	v35 =	vadd.bf16 v29, v33  }
0x294: {  	v42 =	vld [tilespmem:s28+$0xFFFFEF30]  }
0x295: {  	v44 =	vld [tilespmem:s28+$0xFFFFFF30];
	v26 =	vunpack.i.l.bf16.f32 v5;
	v6 =	vadd.bf16 v7, v6;
	v7 =	vadd.bf16 v32, v35  }
0x296: {  	v54 =	vld [tilespmem:s30+$0xFFFFCF80];
	v5 =	vunpack.i.u.bf16.f32 v5;
	[tilespmem:s26+$0xFFFFFFD0] =	vst v26  }
0x297: {  	v55 =	vld [tilespmem:s30+$0xFFFFDF80];
	[tilespmem:s26+$0xFFFFFFE0] =	vst v5;
	v6 =	vadd.bf16 v25, v6;
	v41 =	vunpack.i.l.bf16.f32 v7  }
0x298: {  	v5 =	vld [tilespmem:s23+$0xFFFFC000];
	v7 =	vunpack.i.u.bf16.f32 v7;
	[tilespmem:s29+$0xFFFFFF50] =	vst v41  }
0x299: {  	v31 =	vld [tilespmem:s23+$0xFFFFD000];
	v43 =	vunpack.i.l.bf16.f32 v6;
	[tilespmem:s29+$0xFFFFFF60] =	vst v7  }
0x29a: {  	v6 =	vunpack.i.u.bf16.f32 v6;
	[tilespmem:s26+$0xFFFFFE90] =	vst v43;
	v7 =	vld [tilespmem:s28+$0xFFFFBFC0]  }
0x29b: {  	[tilespmem:s26+$0xFFFFFEA0] =	vst v6;
	v6 =	vadd.bf16 v39, v37;
	v45 =	vld [tilespmem:s28+$0xFFFFCFC0]  }
0x29c: {  	v46 =	vld [tilespmem:s23+$0xFFFFBF60]  }
0x29d: {  	v6 =	vadd.bf16 v40, v6;
	v47 =	vld [tilespmem:s28+$0xFFFFDFC0]  }
0x29e: {  	v16 =	vld [tilespmem:s23+$0xFFFFCF60]  }
0x29f: {  	v6 =	vadd.bf16 v42, v6;
	v48 =	vld [tilespmem:s28+$0xFFFFEFC0]  }
0x2a0: {  	v49 =	vld [tilespmem:s23+$0xFFFFDF60];
	v7 =	vadd.bf16 v45, v7  }
0x2a1: {  	v6 =	vadd.bf16 v44, v6;
	v50 =	vld [tilespmem:s28+$0xFFFFFFC0]  }
0x2a2: {  	v34 =	vld [tilespmem:s23+$0xFFFFE000];
	v7 =	vadd.bf16 v47, v7  }
0x2a3: {  	v51 =	vld [tilespmem:s23+$0xFFFFEF60];
	v52 =	vunpack.i.l.bf16.f32 v6  }
0x2a4: {  	v36 =	vld [tilespmem:s23+$0xFFFFF000];
	v12 =	vadd.bf16 v16, v46;
	v6 =	vunpack.i.u.bf16.f32 v6;
	[tilespmem:s29+$0xFFFFFE50] =	vst v52;
	v7 =	vadd.bf16 v48, v7  }
0x2a5: {  	v53 =	vld [tilespmem:s23+$0xFFFFFF60];
	[tilespmem:s29+$0xFFFFFE60] =	vst v6  }
0x2a6: {  	v6 =	vadd.bf16 v49, v12;
	v56 =	vld [tilespmem:s28+$0xFFFFBF40];
	v7 =	vadd.bf16 v50, v7  }
0x2a7: {  	v0 =	vadd.bf16 v1, v0;
	v1 =	vld [tilespmem:s28+$0xFFFFCF40]  }
0x2a8: {  	v38 =	vld [tilespmem:s23+$0x0];
	v6 =	vadd.bf16 v51, v6;
	v58 =	vunpack.i.l.bf16.f32 v7  }
0x2a9: {  	v0 =	vadd.bf16 v4, v0;
	v5 =	vadd.bf16 v31, v5;
	v57 =	vld [tilespmem:s28+$0xFFFFDF40];
	v7 =	vunpack.i.u.bf16.f32 v7;
	[tilespmem:s29+$0xFFFFFF70] =	vst v58  }
0x2aa: {  	v4 =	vld [tilespmem:s28+$0xFFFFEF40];
	v6 =	vadd.bf16 v53, v6;
	[tilespmem:s29+$0xFFFFFF80] =	vst v7  }
0x2ab: {  	v0 =	vadd.bf16 v3, v0;
	v5 =	vadd.bf16 v34, v5;
	v3 =	vld [tilespmem:s28+$0xFFFFBFD0]  }
0x2ac: {  	v59 =	vunpack.i.l.bf16.f32 v6;
	v1 =	vadd.bf16 v1, v56;
	v60 =	vld [tilespmem:s28+$0xFFFFCFD0]  }
0x2ad: {  	v0 =	vadd.bf16 v2, v0;
	v5 =	vadd.bf16 v36, v5;
	v2 =	vunpack.i.u.bf16.f32 v6;
	[tilespmem:s26+$0xFFFFFEB0] =	vst v59;
	v7 =	vld [tilespmem:s28+$0xFFFFFF40]  }
0x2ae: {  	[tilespmem:s26+$0xFFFFFEC0] =	vst v2;
	v1 =	vadd.bf16 v57, v1;
	v2 =	vld [tilespmem:s28+$0xFFFFDFD0]  }
0x2af: {  	v5 =	vadd.bf16 v38, v5;
	v62 =	vld [tilespmem:s23+$0xFFFFBF70]  }
0x2b0: {  	v6 =	vunpack.i.u.bf16.f32 v0;
	v0 =	vunpack.i.l.bf16.f32 v0;
	v1 =	vadd.bf16 v4, v1;
	v63 =	vld [tilespmem:s28+$0xFFFFEFD0]  }
0x2b1: {  	[tilespmem:s14+$0xFFFFFFF0] =	vst v0;
	v4 =	vadd.bf16 v54, v8;
	v8 =	vld [tilespmem:s23+$0xFFFFCF70];
	v0 =	vadd.bf16 v60, v3  }
0x2b2: {  	[tilespmem:s14+$0x0] =	vst v6;
	v6 =	vld [tilespmem:s28+$0xFFFFFFD0];
	v1 =	vadd.bf16 v7, v1;
	v3 =	vunpack.i.u.bf16.f32 v5  }
0x2b3: {  	[tilespmem:s26+$0x0] =	vst v3;
	v3 =	vunpack.i.l.bf16.f32 v5;
	v5 =	vadd.bf16 v55, v4;
	v4 =	vld [tilespmem:s23+$0xFFFFDF70];
	v7 =	vadd.bf16 v2, v0  }
0x2b4: {  	[tilespmem:s26+$0xFFFFFFF0] =	vst v3;
	v2 =	vunpack.i.l.bf16.f32 v1;
	v3 =	vld [tilespmem:s23+$0xFFFFEF70]  }
0x2b5: {  	v1 =	vunpack.i.u.bf16.f32 v1;
	[tilespmem:s29+$0xFFFFFE70] =	vst v2;
	v2 =	vld [tilespmem:s23+$0xFFFFFF70];
	v7 =	vadd.bf16 v63, v7  }
0x2b6: {  	s31 =	simm.s32 $0x10;
	s0 =	simm.s32 $0x98F0;
	v0 =	vadd.bf16 v61, v5;
	[tilespmem:s29+$0xFFFFFE80] =	vst v1;
	v5 =	vadd.bf16 v8, v62;
	v1 =	vld [tilespmem:s30+$0xFFFFFF80]  }
.LBB2_5:
0x2b7: {  	v8 =	vld [tilespmem:s0+$0xFFFFBF90];
	v6 =	vadd.bf16 v6, v7  }
0x2b8: {  	v7 =	vld [tilespmem:s0+$0xFFFFCF90];
	v4 =	vadd.bf16 v4, v5  }
0x2b9: {  	v5 =	vld [tilespmem:s0+$0xFFFFCF10];
	v9 =	vunpack.i.l.bf16.f32 v6  }
0x2ba: {  	v6 =	vunpack.i.u.bf16.f32 v6;
	v10 =	vld [tilespmem:s0+$0xFFFFDF90];
	[tilespmem:s29+$0xFFFFFF90] =	vst v9;
	v3 =	vadd.bf16 v3, v4  }
0x2bb: {  	v4 =	vld [tilespmem:s0+$0xFFFFEF90];
	[tilespmem:s29+$0xFFFFFFA0] =	vst v6;
	v0 =	vadd.bf16 v1, v0  }
0x2bc: {  	v1 =	vld [tilespmem:s28+$0xFFFFBFE0];
	v2 =	vadd.bf16 v2, v3  }
0x2bd: {  	v3 =	vadd.bf16 v7, v8;
	v6 =	vld [tilespmem:s28+$0xFFFFCFE0];
	v7 =	vunpack.i.u.bf16.f32 v0;
	v0 =	vunpack.i.l.bf16.f32 v0  }
0x2be: {  	v8 =	vld [tilespmem:s0+$0xFFFFFF90];
	v9 =	vunpack.i.u.bf16.f32 v2;
	v2 =	vunpack.i.l.bf16.f32 v2;
	[tilespmem:s14+$0xFFFFFEF0] =	vst v0  }
0x2bf: {  	v0 =	vadd.bf16 v10, v3;
	v3 =	vld [tilespmem:s28+$0xFFFFDFE0];
	[tilespmem:s26+$0xFFFFFED0] =	vst v2  }
0x2c0: {  	v2 =	vld [tilespmem:s0+$0xFFFFBF10];
	[tilespmem:s26+$0xFFFFFEE0] =	vst v9  }
0x2c1: {  	v0 =	vadd.bf16 v4, v0;
	v4 =	vld [tilespmem:s28+$0xFFFFEFE0];
	[tilespmem:s14+$0xFFFFFF00] =	vst v7;
	s14 =	smov.u32 s26;
	s26 =	smov.u32 s29  }
0x2c2: {  	v7 =	vld [tilespmem:s0+$0xFFFFDF10];
	v1 =	vadd.bf16 v6, v1  }
0x2c3: {  	v0 =	vadd.bf16 v8, v0;
	v6 =	vld [tilespmem:s28+$0xFFFFFFE0]  }
0x2c4: {  	v8 =	vld [tilespmem:s0+$0xFFFFEF10];
	v1 =	vadd.bf16 v3, v1  }
0x2c5: {  	s29 =	sadd.s32 $0x200, s29;
	v2 =	vadd.bf16 v5, v2;
	v3 =	vld [tilespmem:s0+$0xFFFFFF10];
	v5 =	vunpack.i.l.bf16.f32 v0  }
0x2c6: {  	s31 =	sadd.s32 $0x8, s31;
	v0 =	vunpack.i.u.bf16.f32 v0;
	[tilespmem:s29+$0xFFFFFF10] =	vst v5;
	v5 =	vld [tilespmem:s28+$0xFFFFBF50];
	v1 =	vadd.bf16 v4, v1  }
0x2c7: {  	p0 =	slt.u32 s31, $0x78;
	v2 =	vadd.bf16 v7, v2;
	[tilespmem:s29+$0xFFFFFF20] =	vst v0;
	v0 =	vld [tilespmem:s28+$0xFFFFCF50]  }
0x2c8: {  	v4 =	vld [tilespmem:s0+$0xFFFFBFA0];
	v1 =	vadd.bf16 v6, v1  }
0x2c9: {  	v2 =	vadd.bf16 v8, v2;
	v6 =	vld [tilespmem:s0+$0xFFFFCFA0]  }
0x2ca: {  	v7 =	vld [tilespmem:s28+$0xFFFFDF50];
	v8 =	vunpack.i.l.bf16.f32 v1  }
0x2cb: {  	v1 =	vunpack.i.u.bf16.f32 v1;
	v2 =	vadd.bf16 v3, v2;
	v3 =	vld [tilespmem:s0+$0xFFFFDFA0];
	[tilespmem:s26+$0xFFFFFFB0] =	vst v8  }
0x2cc: {  	v8 =	vld [tilespmem:s0+$0xFFFFEFA0];
	v0 =	vadd.bf16 v0, v5;
	[tilespmem:s26+$0xFFFFFFC0] =	vst v1  }
0x2cd: {  	v1 =	vunpack.i.u.bf16.f32 v2;
	v2 =	vunpack.i.l.bf16.f32 v2;
	v5 =	vld [tilespmem:s28+$0xFFFFBFF0]  }
0x2ce: {  	[tilespmem:s29+$0xFFFFFE10] =	vst v2;
	v2 =	vadd.bf16 v6, v4;
	v4 =	vld [tilespmem:s28+$0xFFFFCFF0]  }
0x2cf: {  	[tilespmem:s29+$0xFFFFFE20] =	vst v1;
	v1 =	vld [tilespmem:s0+$0xFFFFFFA0];
	v0 =	vadd.bf16 v7, v0  }
0x2d0: {  	v2 =	vadd.bf16 v3, v2;
	v3 =	vld [tilespmem:s28+$0xFFFFDFF0]  }
0x2d1: {  	v6 =	vld [tilespmem:s0+$0xFFFFBF20]  }
0x2d2: {  	v2 =	vadd.bf16 v8, v2;
	v7 =	vld [tilespmem:s28+$0xFFFFEFF0]  }
0x2d3: {  	v8 =	vld [tilespmem:s0+$0xFFFFCF20];
	v4 =	vadd.bf16 v4, v5  }
0x2d4: {  	v1 =	vadd.bf16 v1, v2;
	v2 =	vld [tilespmem:s28+$0xFFFFFFF0]  }
0x2d5: {  	v5 =	vld [tilespmem:s0+$0xFFFFDF20];
	v3 =	vadd.bf16 v3, v4  }
0x2d6: {  	v4 =	vld [tilespmem:s0+$0xFFFFEF20];
	v9 =	vunpack.i.l.bf16.f32 v1  }
0x2d7: {  	v1 =	vunpack.i.u.bf16.f32 v1;
	v10 =	vld [tilespmem:s0+$0xFFFFFF20];
	[tilespmem:s29+$0xFFFFFF30] =	vst v9;
	v3 =	vadd.bf16 v7, v3  }
0x2d8: {  	v6 =	vadd.bf16 v8, v6;
	[tilespmem:s29+$0xFFFFFF40] =	vst v1;
	v1 =	vld [tilespmem:s28+$0xFFFFEF50]  }
0x2d9: {  	v7 =	vld [tilespmem:s0+$0xFFFFBFB0];
	v2 =	vadd.bf16 v2, v3  }
0x2da: {  	v3 =	vadd.bf16 v5, v6;
	v5 =	vld [tilespmem:s0+$0xFFFFCFB0]  }
0x2db: {  	v6 =	vld [tilespmem:s28+$0xFFFFFF50];
	v8 =	vunpack.i.l.bf16.f32 v2  }
0x2dc: {  	v2 =	vunpack.i.u.bf16.f32 v2;
	v3 =	vadd.bf16 v4, v3;
	v4 =	vld [tilespmem:s0+$0xFFFFDFB0];
	[tilespmem:s26+$0xFFFFFFD0] =	vst v8  }
0x2dd: {  	v8 =	vld [tilespmem:s0+$0xFFFFEFB0];
	v0 =	vadd.bf16 v1, v0;
	[tilespmem:s26+$0xFFFFFFE0] =	vst v2  }
0x2de: {  	v1 =	vadd.bf16 v10, v3;
	v2 =	vld [tilespmem:s28+$0xFFFFC000]  }
0x2df: {  	v3 =	vadd.bf16 v5, v7;
	v5 =	vld [tilespmem:s28+$0xFFFFD000]  }
0x2e0: {  	v7 =	vunpack.i.u.bf16.f32 v1;
	v1 =	vunpack.i.l.bf16.f32 v1;
	v9 =	vld [tilespmem:s0+$0xFFFFFFB0];
	v0 =	vadd.bf16 v6, v0  }
0x2e1: {  	[tilespmem:s29+$0xFFFFFE30] =	vst v1;
	v1 =	vadd.bf16 v4, v3;
	v3 =	vld [tilespmem:s28+$0xFFFFE000]  }
0x2e2: {  	[tilespmem:s29+$0xFFFFFE40] =	vst v7;
	v4 =	vunpack.i.u.bf16.f32 v0;
	v0 =	vunpack.i.l.bf16.f32 v0;
	v6 =	vld [tilespmem:s23+$0xFFFFBF80]  }
0x2e3: {  	v1 =	vadd.bf16 v8, v1;
	[tilespmem:s26+$0xFFFFFE90] =	vst v0;
	v0 =	vld [tilespmem:s28+$0xFFFFF000]  }
0x2e4: {  	v7 =	vld [tilespmem:s0+$0xFFFFBF30];
	[tilespmem:s26+$0xFFFFFEA0] =	vst v4;
	v2 =	vadd.bf16 v5, v2  }
0x2e5: {  	v1 =	vadd.bf16 v9, v1;
	v4 =	vld [tilespmem:s28+$0x0]  }
0x2e6: {  	v5 =	vld [tilespmem:s0+$0xFFFFCF30];
	v2 =	vadd.bf16 v3, v2  }
0x2e7: {  	v3 =	vld [tilespmem:s0+$0xFFFFDF30];
	v8 =	vunpack.i.l.bf16.f32 v1  }
0x2e8: {  	v1 =	vunpack.i.u.bf16.f32 v1;
	v9 =	vld [tilespmem:s0+$0xFFFFEF30];
	[tilespmem:s29+$0xFFFFFF50] =	vst v8;
	v0 =	vadd.bf16 v0, v2  }
0x2e9: {  	v2 =	vld [tilespmem:s0+$0xFFFFFF30];
	[tilespmem:s29+$0xFFFFFF60] =	vst v1  }
0x2ea: {  	v1 =	vld [tilespmem:s0+$0xFFFFBFC0];
	v0 =	vadd.bf16 v4, v0  }
0x2eb: {  	v4 =	vadd.bf16 v5, v7;
	v5 =	vld [tilespmem:s0+$0xFFFFCFC0]  }
0x2ec: {  	v7 =	vld [tilespmem:s28+$0xFFFFBF60];
	v8 =	vunpack.i.u.bf16.f32 v0;
	v0 =	vunpack.i.l.bf16.f32 v0  }
0x2ed: {  	v3 =	vadd.bf16 v3, v4;
	v4 =	vld [tilespmem:s0+$0xFFFFDFC0];
	[tilespmem:s26+$0x0] =	vst v8  }
0x2ee: {  	v8 =	vld [tilespmem:s28+$0xFFFFCF60];
	[tilespmem:s26+$0xFFFFFFF0] =	vst v0  }
0x2ef: {  	v0 =	vadd.bf16 v9, v3;
	v3 =	vld [tilespmem:s0+$0xFFFFEFC0]  }
0x2f0: {  	v1 =	vadd.bf16 v5, v1;
	v5 =	vld [tilespmem:s28+$0xFFFFDF60]  }
0x2f1: {  	v0 =	vadd.bf16 v2, v0;
	v2 =	vld [tilespmem:s0+$0xFFFFFFC0]  }
0x2f2: {  	v1 =	vadd.bf16 v4, v1;
	v4 =	vld [tilespmem:s28+$0xFFFFEF60]  }
0x2f3: {  	v9 =	vunpack.i.u.bf16.f32 v0;
	v0 =	vunpack.i.l.bf16.f32 v0;
	v7 =	vadd.bf16 v8, v7;
	v8 =	vld [tilespmem:s28+$0xFFFFFF60]  }
0x2f4: {  	[tilespmem:s29+$0xFFFFFE50] =	vst v0;
	v0 =	vadd.bf16 v3, v1;
	v1 =	vld [tilespmem:s23+$0xFFFFCF80]  }
0x2f5: {  	[tilespmem:s29+$0xFFFFFE60] =	vst v9;
	v3 =	vadd.bf16 v5, v7;
	v5 =	vld [tilespmem:s23+$0xFFFFDF80]  }
0x2f6: {  	v7 =	vld [tilespmem:s0+$0xFFFFBF40];
	v0 =	vadd.bf16 v2, v0  }
0x2f7: {  	v2 =	vld [tilespmem:s0+$0xFFFFCF40];
	v3 =	vadd.bf16 v4, v3  }
0x2f8: {  	v4 =	vld [tilespmem:s0+$0xFFFFDF40];
	v9 =	vunpack.i.l.bf16.f32 v0  }
0x2f9: {  	v0 =	vunpack.i.u.bf16.f32 v0;
	v10 =	vld [tilespmem:s0+$0xFFFFEF40];
	[tilespmem:s29+$0xFFFFFF70] =	vst v9;
	v3 =	vadd.bf16 v8, v3;
	v1 =	vadd.bf16 v1, v6  }
0x2fa: {  	v6 =	vld [tilespmem:s0+$0xFFFFFF40];
	[tilespmem:s29+$0xFFFFFF80] =	vst v0  }
0x2fb: {  	v0 =	vld [tilespmem:s0+$0xFFFFBFD0];
	v8 =	vunpack.i.u.bf16.f32 v3;
	v3 =	vunpack.i.l.bf16.f32 v3;
	v1 =	vadd.bf16 v5, v1  }
0x2fc: {  	v2 =	vadd.bf16 v2, v7;
	v5 =	vld [tilespmem:s0+$0xFFFFCFD0];
	[tilespmem:s26+$0xFFFFFEB0] =	vst v3  }
0x2fd: {  	[tilespmem:s26+$0xFFFFFEC0] =	vst v8;
	v3 =	vld [tilespmem:s23+$0xFFFFEF80]  }
0x2fe: {  	v2 =	vadd.bf16 v4, v2;
	v4 =	vld [tilespmem:s0+$0xFFFFDFD0]  }
0x2ff: {  	v8 =	vld [tilespmem:s28+$0xFFFFBF70]  }
0x300: {  	v2 =	vadd.bf16 v10, v2;
	v7 =	vld [tilespmem:s0+$0xFFFFEFD0]  }
0x301: {  	v5 =	vadd.bf16 v5, v0;
	v9 =	vld [tilespmem:s28+$0xFFFFCF70]  }
.Ltmp1:
0x302: {  	v2 =	vadd.bf16 v6, v2;
	v6 =	vld [tilespmem:s0+$0xFFFFFFD0];
	v0 =	vadd.bf16 v3, v1;
	(pc) =	sbr.rel @p0 .LBB2_5-.Ltmp1, $4  }
0x303: {  	v1 =	vadd.bf16 v4, v5;
	v4 =	vld [tilespmem:s28+$0xFFFFDF70]  }
0x304: {  	v5 =	vunpack.i.u.bf16.f32 v2;
	v2 =	vunpack.i.l.bf16.f32 v2;
	v3 =	vld [tilespmem:s28+$0xFFFFEF70]  }
0x305: {  	[tilespmem:s29+$0xFFFFFE70] =	vst v2;
	v7 =	vadd.bf16 v7, v1;
	v2 =	vld [tilespmem:s28+$0xFFFFFF70]  }
0x306: {  	[tilespmem:s29+$0xFFFFFE80] =	vst v5;
	v5 =	vadd.bf16 v9, v8;
	v1 =	vld [tilespmem:s23+$0xFFFFFF80];
	s23 =	smov.u32 s28;
	s28 =	smov.u32 s0;
	s0 =	sadd.s32 $0x100, s0  }
0x307: {  	v8 =	vld [tilespmem:s28+$0xFFFFBF50]  }
0x308: {  	v9 =	vld [tilespmem:s28+$0xFFFFCF50];
	_ =	sdelay $0x1  }
0x309: {  	v10 =	vld [tilespmem:s28+$0xFFFFDF50];
	_ =	sdelay $0x1  }
0x30a: {  	v62 =	vld [tilespmem:s28+$0xFFFFEF50]  }
0x30b: {  	v8 =	vadd.bf16 v9, v8  }
0x30c: {  	v6 =	vadd.bf16 v6, v7;
	v63 =	vld [tilespmem:s28+$0xFFFFFF50]  }
0x30d: {  	v12 =	vadd.bf16 v10, v8  }
0x30e: {  	v11 =	vunpack.i.l.bf16.f32 v6;
	v6 =	vunpack.i.u.bf16.f32 v6  }
0x30f: {  	[tilespmem:s29+$0xFFFFFFA0] =	vst v6;
	v6 =	vadd.bf16 v62, v12  }
0x310: {  	[tilespmem:s29+$0xFFFFFF90] =	vst v11  }
0x311: {  	v13 =	vld [tilespmem:s28+$0xFFFFBFE0];
	v6 =	vadd.bf16 v63, v6  }
0x312: {  	v14 =	vld [tilespmem:s28+$0xFFFFCFE0]  }
0x313: {  	v17 =	vunpack.i.l.bf16.f32 v6  }
0x314: {  	v15 =	vld [tilespmem:s28+$0xFFFFDFE0];
	v6 =	vunpack.i.u.bf16.f32 v6;
	[tilespmem:s29+$0xFFFFFE90] =	vst v17  }
0x315: {  	v16 =	vld [tilespmem:s28+$0xFFFFEFE0];
	[tilespmem:s29+$0xFFFFFEA0] =	vst v6  }
0x316: {  	v20 =	vld [tilespmem:s28+$0xFFFFBF60]  }
0x317: {  	v8 =	vadd.bf16 v14, v13;
	v21 =	vld [tilespmem:s28+$0xFFFFCF60]  }
0x318: {  	v18 =	vld [tilespmem:s28+$0xFFFFFFE0]  }
0x319: {  	v19 =	vadd.bf16 v15, v8;
	v22 =	vld [tilespmem:s28+$0xFFFFDF60];
	_ =	sdelay $0x1  }
0x31a: {  	v6 =	vadd.bf16 v16, v19;
	v23 =	vld [tilespmem:s28+$0xFFFFEF60]  }
0x31b: {  	v7 =	vadd.bf16 v21, v20  }
0x31c: {  	v25 =	vld [tilespmem:s28+$0xFFFFFF60];
	v6 =	vadd.bf16 v18, v6  }
0x31d: {  	v26 =	vadd.bf16 v22, v7  }
0x31e: {  	v24 =	vunpack.i.l.bf16.f32 v6;
	v6 =	vunpack.i.u.bf16.f32 v6  }
0x31f: {  	[tilespmem:s29+$0xFFFFFFC0] =	vst v6;
	v6 =	vadd.bf16 v23, v26;
	_ =	sdelay $0x1  }
0x320: {  	v6 =	vadd.bf16 v25, v6  }
0x321: {  	[tilespmem:s29+$0xFFFFFFB0] =	vst v24  }
0x322: {  	v27 =	vld [tilespmem:s28+$0xFFFFBFF0];
	v31 =	vunpack.i.l.bf16.f32 v6  }
0x323: {  	v28 =	vld [tilespmem:s28+$0xFFFFCFF0];
	v6 =	vunpack.i.u.bf16.f32 v6;
	[tilespmem:s29+$0xFFFFFEB0] =	vst v31  }
0x324: {  	v29 =	vld [tilespmem:s28+$0xFFFFDFF0];
	[tilespmem:s29+$0xFFFFFEC0] =	vst v6  }
0x325: {  	v4 =	vadd.bf16 v4, v5;
	v34 =	vld [tilespmem:s28+$0xFFFFBF70]  }
0x326: {  	v35 =	vld [tilespmem:s28+$0xFFFFCF70]  }
0x327: {  	v3 =	vadd.bf16 v3, v4;
	v30 =	vld [tilespmem:s28+$0xFFFFEFF0]  }
0x328: {  	v7 =	vadd.bf16 v28, v27;
	v36 =	vld [tilespmem:s28+$0xFFFFDF70]  }
0x329: {  	v2 =	vadd.bf16 v2, v3;
	v32 =	vld [tilespmem:s28+$0xFFFFFFF0]  }
0x32a: {  	v33 =	vadd.bf16 v29, v7;
	v37 =	vld [tilespmem:s28+$0xFFFFEF70]  }
0x32b: {  	v42 =	vunpack.i.l.bf16.f32 v2;
	v7 =	vadd.bf16 v35, v34  }
0x32c: {  	v2 =	vunpack.i.u.bf16.f32 v2;
	[tilespmem:s26+$0xFFFFFED0] =	vst v42;
	v6 =	vadd.bf16 v30, v33;
	v40 =	vld [tilespmem:s28+$0xFFFFFF70]  }
0x32d: {  	[tilespmem:s26+$0xFFFFFEE0] =	vst v2;
	v41 =	vadd.bf16 v36, v7  }
0x32e: {  	v46 =	vld [tilespmem:s23+$0xFFFFBF80];
	v6 =	vadd.bf16 v32, v6  }
0x32f: {  	v49 =	vld [tilespmem:s23+$0xFFFFCF80];
	v3 =	vadd.bf16 v37, v41  }
0x330: {  	v50 =	vld [tilespmem:s23+$0xFFFFDF80];
	v38 =	vunpack.i.l.bf16.f32 v6  }
0x331: {  	v52 =	vld [tilespmem:s23+$0xFFFFEF80];
	v39 =	vunpack.i.u.bf16.f32 v6;
	[tilespmem:s29+$0xFFFFFFD0] =	vst v38;
	v3 =	vadd.bf16 v40, v3  }
0x332: {  	v54 =	vld [tilespmem:s23+$0xFFFFFF80];
	[tilespmem:s29+$0xFFFFFFE0] =	vst v39  }
0x333: {  	v43 =	vld [tilespmem:s28+$0xFFFFC000];
	v48 =	vunpack.i.l.bf16.f32 v3  }
0x334: {  	v44 =	vld [tilespmem:s28+$0xFFFFD000];
	v3 =	vunpack.i.u.bf16.f32 v3;
	[tilespmem:s29+$0xFFFFFED0] =	vst v48  }
0x335: {  	v45 =	vld [tilespmem:s28+$0xFFFFE000];
	[tilespmem:s29+$0xFFFFFEE0] =	vst v3  }
0x336: {  	v3 =	vld [tilespmem:s28+$0xFFFFBF80]  }
0x337: {  	v4 =	vadd.bf16 v49, v46;
	v51 =	vld [tilespmem:s28+$0xFFFFCF80]  }
0x338: {  	v47 =	vld [tilespmem:s28+$0xFFFFF000]  }
0x339: {  	v4 =	vadd.bf16 v50, v4;
	v53 =	vld [tilespmem:s28+$0xFFFFDF80]  }
0x33a: {  	v8 =	vld [tilespmem:s28+$0x0];
	v5 =	vadd.bf16 v44, v43  }
0x33b: {  	v0 =	vadd.bf16 v1, v0;
	v4 =	vadd.bf16 v52, v4;
	v56 =	vld [tilespmem:s28+$0xFFFFEF80]  }
0x33c: {  	v2 =	vadd.bf16 v45, v5;
	v3 =	vadd.bf16 v51, v3  }
0x33d: {  	v4 =	vadd.bf16 v54, v4;
	v57 =	vld [tilespmem:s28+$0xFFFFFF80]  }
0x33e: {  	v58 =	vunpack.i.l.bf16.f32 v0;
	v55 =	vadd.bf16 v47, v2;
	v3 =	vadd.bf16 v53, v3  }
0x33f: {  	v0 =	vunpack.i.u.bf16.f32 v0;
	[tilespmem:s14+$0xFFFFFEF0] =	vst v58  }
0x340: {  	[tilespmem:s14+$0xFFFFFF00] =	vst v0;
	v60 =	vunpack.i.l.bf16.f32 v4;
	v1 =	vadd.bf16 v8, v55;
	v2 =	vadd.bf16 v56, v3  }
0x341: {  	v62 =	vunpack.i.u.bf16.f32 v4;
	[tilespmem:s26+$0xFFFFFEF0] =	vst v60  }
0x342: {  	[tilespmem:s26+$0xFFFFFF00] =	vst v62;
	v59 =	vunpack.i.u.bf16.f32 v1;
	v61 =	vadd.bf16 v57, v2  }
0x343: {  	s0 =	sshll.u32 s11, $0xD;
	v1 =	vunpack.i.l.bf16.f32 v1;
	[tilespmem:s29+$0x0] =	vst v59  }
0x344: {  	s24 =	sadd.s32 $0x1, s24;
	s0 =	sadd.s32 s12, s0;
	[tilespmem:s29+$0xFFFFFFF0] =	vst v1;
	v63 =	vunpack.i.l.bf16.f32 v61  }
0x345: {  	p0 =	sne.s32 s24, $0x64;
	s0 =	sshrl.u32 s0, $0x3;
	v1 =	vunpack.i.u.bf16.f32 v61;
	[tilespmem:s29+$0xFFFFFEF0] =	vst v63  }
.Ltmp2:
0x346: {  	s0 =	sadd.s32 s2, s0;
	[tilespmem:s29+$0xFFFFFF00] =	vst v1;
	(pc) =	sbr.rel @p0 .LBB2_2-.Ltmp2, $4  }
0x347: {  	[hbm4b:s0+s3] =	stream.linear.scatter [tilespmem:s22], [sflag:$0x3], $0x2000, $0x38;
	[tilespmem:$0xE500] =	vst v63  }
0x348: {  	_ =	swait.ge [sflag:s15], $0x2000  }
0x349: {  	[sflag:s15] =	ssyncset.done $0x0  }
0x34a: {  	[sflag:s15] =	ssyncadd.s32 $0xFFFFE000  }
0x34b: {  	s11 =	rddreg [dreg:$0x5]  }
0x34c: {  	s0 =	rddreg [dreg:$0x4];
	s11 =	sadd.s32 $0x1, s11  }
0x34d: {  	p0 =	sne.s32 s11, s0  }
.Ltmp3:
0x34e: {  	_ = 	snop;
	(pc) =	sbr.rel @p0 .LBB2_1-.Ltmp3, $1  }
0x34f: {  	_ =	sdelay $0x3  }
0x350: {  	_ =	sfence.sel $0x180000  }
0x351: {  	[bflag:$0x0] =	sbarrier.arrive $0xFFFF  }
0x352: {  	_ =	strace $0x90000047  }
0x353: {  	s0 =	stileid.u32;
	[bflag:$0x2] =	sbarrier.arrive $0xFFFF  }
0x354: {  	p0 =	sne.s32 s0, $0x0;
	s0 =	rddreg [dreg:$0x2]  }
0x355: {  	s0 =	sadd.s32 @!p0 $0x100000, s0  }
0x356: {  	[sflag:s0] =	ssyncadd.tile.s32 @!p0 $0x1;
	_ =	shalt  }
.Lfunc_end2:
_tile_overlayer_lowered:
.L_overlay_start_2:
0x357: {  	(tag) =	ssettag $0x2  }
0x358: {  	s0 =	rddreg [dreg:$0x0];
	s2 =	stileid.u32  }
0x359: {  	s1 =	rddreg [dreg:$0x1];
	p0 =	sne.s32 s2, $0x0  }
0x35a: {  	s3 =	rddreg [dreg:$0x2];
	[bflag:$0x3] =	sbarrier.arrive $0xFFFF;
	s2 =	simm.s32 @!p0 $0x1C03  }
0x35b: {  	[timem:s3], [sflag:s2] =	dma.local @!p0 [hbm:s0], s1  }
0x35c: {  	s0 =	simm.s32 @!p0 $0x3  }
0x35d: {  	_ =	swait.ge @!p0 [sflag:s0], s1  }
0x35e: {  	s1 =	ssub.s32 @!p0 $0x0, s1;
	[sflag:s0] =	ssyncset.done @!p0 $0x0  }
0x35f: {  	[sflag:s0] =	ssyncadd.s32 @!p0 s1  }
0x360: {  	[bflag:$0x3] =	sbarrier.arrive $0xFFFF  }
0x361: {  	_ =	shalt  }

// kernel: sparse-core-data-format-call.cloned.1.call-start
scs
called_computation_lowered:
.L_overlay_start_0:
0x0: {  	s2 =	sld [smem:$0x3FD9]  }
0x1: {  	s3 =	sld [smem:$0x3FFE];
	_ =	sdelay $0x1  }
0x2: {  	s1 =	srdreg.scid  }
0x3: {  	s0 =	sand.u32 $0x1, s1  }
0x4: {  	s18 =	sshll.u32 s0, $0xA;
	s2 =	sadd.s32 s3, s2  }
0x5: {  	s2 =	sadd.s32 s2, s18  }
0x6: {  	[smem:$0x3FC1] =	sst s2  }
0x7: {  	_ = 	snop  }
0x8: {  	s2 =	sld [smem:$0x3FD0];
	(tm) =	ssettm $0x1  }
0x9: {  	s19 =	sld [smem:$0x3FFB];
	_ =	sdelay $0x3  }
0xa: {  	_ =	strace s19  }
0xb: {  	s3 =	sld [smem:$0x3FFC];
	_ =	sdelay $0x3  }
0xc: {  	_ =	strace s3  }
0xd: {  	s3 =	sld [smem:$0x3FFD];
	_ =	sdelay $0x3  }
0xe: {  	_ =	strace s3  }
0xf: {  	_ =	strace $0x8FFFFFFF  }
0x10: {  	s20 =	sld [smem:$0x3FDB];
	_ =	sdelay $0x1  }
0x11: {  	s4 =	simm.s32 $_scs_section_size  }
0x12: {  	s5 =	simm.s32 $_size__tile_overlayer_lowered;
	s6 =	simm.s32 $_tile_overlayer_lowered  }
0x13: {  	s23 =	simm.s32 $0x1BFF;
	s22 =	sshll.u32 s6, $0x1;
	s3 =	sadd.s32 s4, s20  }
0x14: {  	s7 =	simm.s32 $0x0;
	s21 =	sshll.u32 s5, $0x1;
	s5 =	sadd.s32 s22, s3  }
0x15: {  	[timem:s7], [sflag:s23] =	dma.local [hbm:s5], s21  }
0x16: {  	_ =	swait.ge [sflag:s23], s21  }
0x17: {  	s4 =	ssub.s32 $0x0, s21;
	[sflag:s23] =	ssyncset.done $0x0  }
0x18: {  	[sflag:s23] =	ssyncadd.s32 s4;
	_ =	sdelay $0x1  }
0x19: {  	s24 =	simm.s32 $0x1B8B  }
0x1a: {  	_ =	swait.ge [sflag:s24], $0x1  }
0x1b: {  	[sflag:s24] =	ssyncset.done $0x0  }
0x1c: {  	s26 =	simm.s32 $0x1B8E;
	s25 =	sld [smem:$0x3FFE];
	[sflag:s24] =	ssyncadd.s32 $0xFFFFFFFF  }
0x1d: {  	s27 =	simm.s32 $execute0_lowered;
	[smem:$0x3FD2] =	sst s26  }
0x1e: {  	s5 =	sshll.u32 s27, $0x1;
	_ =	strace $0x80000049;
	[dreg:$0x1] =	wrdreg $0xFFFFFFFF  }
0x1f: {  	s28 =	simm.s32 $_size_execute0_lowered;
	s3 =	sadd.s32 s3, s5;
	[dreg:$0x0] =	wrdreg $0x0  }
0x20: {  	s5 =	sshll.u32 s28, $0x1;
	[dreg:$0x2] =	wrdreg s3  }
0x21: {  	[dreg:$0x3] =	wrdreg s5  }
0x22: {  	[dreg:$0x4] =	wrdreg $0xC0  }
0x23: {  	_ =	task [dreg:s7], $0x5FFFF  }
0x24: {  	[dreg:$0x1] =	wrdreg $0xFFFFFFFF  }
0x25: {  	[dreg:$0x0] =	wrdreg $0x60  }
0x26: {  	[dreg:$0x2] =	wrdreg s25  }
0x27: {  	[dreg:$0x3] =	wrdreg s2  }
0x28: {  	[dreg:$0x4] =	wrdreg $0x9  }
0x29: {  	_ =	task.clear_ibuf [dreg:s7], $0x5FFFF;
	_ =	strace $0x90000049  }
0x2a: {  	s29 =	simm.s32 $0x9;
	_ =	strace $0x8000004B  }
0x2b: {  	_ =	swait.ge [sflag:s29], $0x1  }
0x2c: {  	[sflag:s29] =	ssyncadd.s32 $0xFFFFFFFF  }
0x2d: {  	_ =	strace $0x9000004B  }
0x2e: {  	_ =	sfence  }
0x2f: {  	s30 =	sld [smem:$0x0];
	_ =	sdelay $0x2  }
0x30: {  	s31 =	sshll.u32 s1, $0xD;
	s1 =	sshrl.u32 s1, $0x2  }
0x31: {  	s3 =	sand.u32 $0x4000, s31;
	s1 =	sadd.s32 s1, s30  }
0x32: {  	s0 =	sor.u32 s3, s0;
	s1 =	sshll.u32 s1, $0x11  }
0x33: {  	s0 =	sor.u32 s1, s0  }
0x34: {  	s0 =	sadd.s32 $0x8F2B, s0  }
0x35: {  	[sflag:s0] =	ssyncadd.remote.s32 $0x1  }
0x36: {  	_ =	sfence.sel $0xFFFF  }
0x37: {  	[dreg:$0x0] =	wrdreg $0xFFFFFFFF;
	(pc) =	sbr.abs _section_cstart, $3  }
0x38: {  	[dreg:$0x1] =	wrdreg $0xFFFFFFFF  }
0x39: {  	_ =	task.clear_ibuf [dreg:s7], $0x2FFFF;
	_ =	strace $0x9FFFFFFF  }
0x3a: {  	(tm) =	ssettm $0x7FFFFFFF  }
0x3b: {  	_ =	shalt  }
tec
execute0_lowered:
.L_overlay_start_1:
0x0: {  	(tag) =	ssettag $0x1  }
0x1: {  	s0 =	srdreg.scid  }
0x2: {  	s1 =	sshll.u32 s0, $0x4  }
0x3: {  	s0 =	stileid.u32;
	s1 =	sand.u32 $0x10, s1  }
0x4: {  	s1 =	sor.u32 s0, s1  }
0x5: {  	s6 =	rddreg [dreg:$0x0];
	s4 =	simm.s32 $0x1;
	s2 =	sshll.u32 s1, $0x7  }
0x6: {  	s7 =	simm.s32 $0x2;
	s12 =	simm.s32 $0x0;
	s1 =	ssub.s32 $0x1000, s2  }
0x7: {  	s8 =	simm.s32 $0x8000;
	s13 =	simm.s32 $0x0;
	s3 =	sand.u32 $0xF80, s1  }
0x8: {  	s9 =	simm.s32 $0x0;
	s5 =	sshrl.u32 s1, $0xC;
	p0 =	sne.s32 s3, $0x0  }
.Ltmp0:
0x9: {  	s1 =	rddreg [dreg:$0x2];
	s4 =	simm.s32 @!p0 $0x0;
	(pc) =	sbr.rel .LBB1_1-.Ltmp0, $4  }
0xa: {  	s11 =	simm.s32 $0x0;
	s3 =	rddreg [dreg:$0x1];
	s5 =	sadd.s32 s4, s5  }
0xb: {  	_ =	strace $0x8000004A;
	s4 =	simm.s32 $0x1;
	s5 =	smul.u32 $0xC8, s5  }
0xc: {  	s6 =	sadd.s32 $0xE00, s6;
	s10 =	smov.u32 s2;
	[sflag:s4] =	ssyncpa.u1 $0x0  }
0xd: {  	p0 =	por $0x0, $0x0;
	[sflag:s7] =	ssyncpa.u1 $0x0;
	s7 =	sor.u32 $0x1, s5  }
.LBB1_4:
0xe: {  	s16 =	sshll.u32 s13, $0x3;
	s17 =	sand.u32 $0x78, s13  }
0xf: {  	s30 =	sand.u32 $0x7E00, s13;
	s12 =	sshll.u32 s12, $0xF;
	s16 =	sand.u32 $0xC00, s16  }
0x10: {  	[tilespmem:s15+$0x810 ss:$0x81] =	vst.msk $0xffff, v2;
	s31 =	sand.u32 $0x7, s13;
	s16 =	sor.u32 s17, s16;
	s17 =	sadd.s32 s3, s30  }
0x11: {  	[tilespmem:s15+$0x1020 ss:$0x81] =	vst.msk $0xffff, v0;
	s13 =	sshll.u32 s31, $0x12;
	s12 =	sadd.s32 s12, s17;
	s16 =	sshrl.u32 s16, $0x3  }
0x12: {  	[tilespmem:s15+$0x0 ss:$0x81] =	vst.msk $0xffff, v1;
	s13 =	sor.u32 $0x400, s13;
	s12 =	sadd.s32 s16, s12  }
0x13: {  	[hbm4b:s12+s13] =	stream.strided.scatter [tilespmem:s14], [sflag:$0x2], $0x2000, s8, s13, $0x20;
	[tilespmem:$0x8080] =	vst v63  }
.LBB1_5:
0x14: {  	s14 =	sadd.s32 $0x1, s9  }
0x15: {  	s12 =	sadd.s32 $0x1000, s10;
	s16 =	smov.u32 s10;
	p2 =	sgt.s32 s14, $0xC7  }
0x16: {  	s16 =	smov.u32 @p2 s12  }
0x17: {  	s14 =	simm.s32 @p2 $0x0;
	p2 =	sgt.s32 s16, $0xFFF  }
0x18: {  	s16 =	smov.u32 @p2 s2;
	p2 =	sne.s32 s11, s7  }
.Ltmp1:
0x19: {  	p1 =	slt.u32 s11, $0x2;
	(pc) =	sbr.rel @!p2 .LBB1_6-.Ltmp1, $4  }
0x1a: {  	s15 =	simm.s32 @!p1 $0x2  }
0x1b: {  	s13 =	smov.u32 s10;
	p0 =	por !p0, !p0;
	_ =	swait.ge @!p1 [sflag:s15], $0x2000  }
0x1c: {  	s12 =	smov.u32 s9;
	[sflag:s15] =	ssyncset.done @!p1 $0x0;
	s9 =	smov.u32 s14  }
0x1d: {  	s11 =	sadd.s32 $0x1, s11;
	[sflag:s15] =	ssyncadd.s32 @!p1 $0xFFFFE000;
	s10 =	smov.u32 s16  }
.LBB1_1:
0x1e: {  	p1 =	sge.u32 s11, s5  }
0x1f: {  	s14 =	sand.u32 @!p1 $0x1FFFFFF, s9  }
0x20: {  	s15 =	smulhi.u32 @!p1 $0x147AE15, s14;
	_ =	sdelay $0x1  }
0x21: {  	s15 =	smul.u32 @!p1 $0xC8, s15  }
0x22: {  	s16 =	sxor.u32 @!p1 $0xFFFFFFFF, s11;
	s17 =	smul.u32 @!p1 $0xC80, s10  }
0x23: {  	s31 =	sadd.s32 $0xFFFFFFFF, s11;
	s16 =	sshll.u32 @!p1 s16, $0xD;
	s14 =	ssub.s32 @!p1 s14, s15  }
0x24: {  	s15 =	sand.u32 @!p1 $0x2000, s16;
	s16 =	sadd.s32 @!p1 s6, s17;
	s14 =	sshll.u32 @!p1 s14, $0x4  }
0x25: {  	s17 =	simm.s32 @!p1 $0x6400;
	s14 =	sadd.s32 @!p1 s14, s16;
	s16 =	simm.s32 @!p1 $0x40  }
0x26: {  	[tilespmem:s15], [sflag:$0x1] =	stream.strided.gather @!p1 [hbm4b:s14+s16], $0x2000, s17, s16, $0x38;
	[tilespmem:$0x8080] =	vst v63  }
0x27: {  	p1 =	sge.u32 s31, s5  }
.Ltmp2:
0x28: {  	_ = 	snop;
	(pc) =	sbr.rel @p1 .LBB1_5-.Ltmp2, $1  }
0x29: {  	_ =	sdelay $0x3  }
0x2a: {  	s14 =	simm.s32 $0x1  }
0x2b: {  	_ =	swait.ge [sflag:s4], $0x2000;
	s14 =	simm.s32 @!p0 $0x0  }
0x2c: {  	[sflag:s4] =	ssyncset.done $0x0;
	s15 =	sshll.u32 s14, $0xD  }
0x2d: {  	[sflag:s4] =	ssyncadd.s32 $0xFFFFE000;
	s18 =	sor.u32 $0x20, s15  }
0x2e: {  	s14 =	smul.u32 $0x8100, s14;
	v3 =	vld [tilespmem:s18+$0x10]  }
0x2f: {  	s30 =	sand.u32 $0x1, s11;
	v2 =	vld [tilespmem:s18+$0xFFFFFFF0]  }
0x30: {  	s15 =	smul.u32 $0x8100, s30;
	s14 =	sshrl.u32 s14, $0x2;
	v0 =	vld [tilespmem:s18+$0x0]  }
0x31: {  	v1 =	vld [tilespmem:s18+$0xFFFFFFE0];
	s16 =	sor.u32 $0x4000, s14  }
0x32: {  	s31 =	sshrl.u32 s15, $0x2;
	s15 =	sadd.s32 $0x0, s16  }
0x33: {  	s17 =	simm.s32 $0x4;
	s18 =	sadd.s32 $0x40, s18;
	s14 =	sor.u32 $0x4000, s31;
	[tilespmem:s15+$0x1830 ss:$0x81] =	vst.msk $0xffff, v3  }
.LBB1_3:
0x34: {  	v3 =	vld [tilespmem:s18+$0x10];
	p1 =	sne.s32 s17, $0x1FC;
	[tilespmem:s15+$0x810 ss:$0x81] =	vst.msk $0xffff, v2;
	s19 =	smov.u32 s17;
	s17 =	sadd.s32 $0x4, s17  }
.Ltmp3:
0x35: {  	v2 =	vld [tilespmem:s18+$0xFFFFFFF0];
	[tilespmem:s15+$0x1020 ss:$0x81] =	vst.msk $0xffff, v0;
	(pc) =	sbr.rel @p1 .LBB1_3-.Ltmp3, $4  }
0x36: {  	v0 =	vld [tilespmem:s18+$0x0];
	[tilespmem:s15+$0x0 ss:$0x81] =	vst.msk $0xffff, v1  }
0x37: {  	s15 =	sshra.s32 s19, $0x2;
	v1 =	vld [tilespmem:s18+$0xFFFFFFE0]  }
0x38: {  	s15 =	sadd.s32 s15, s16  }
0x39: {  	s18 =	sadd.s32 $0x40, s18;
	[tilespmem:s15+$0x1830 ss:$0x81] =	vst.msk $0xffff, v3  }
.Ltmp4:
0x3a: {  	_ = 	snop;
	(pc) =	sbr.rel .LBB1_4-.Ltmp4, $1  }
0x3b: {  	_ =	sdelay $0x3  }
.LBB1_6:
0x3c: {  	_ =	sfence.sel $0x180000  }
0x3d: {  	s2 =	simm.s32 $0x1;
	[bflag:$0x0] =	sbarrier.arrive $0xFFFF  }
0x3e: {  	s31 =	simm.s32 $0x2;
	[sflag:s2] =	ssyncpa.u1 $0x1  }
0x3f: {  	[sflag:s31] =	ssyncpa.u1 $0x1  }
0x40: {  	p0 =	sne.s32 s0, $0x0;
	_ =	strace $0x9000004A  }
0x41: {  	s0 =	sadd.s32 @!p0 $0x100000, s1;
	[bflag:$0x2] =	sbarrier.arrive $0xFFFF  }
0x42: {  	[sflag:s0] =	ssyncadd.tile.s32 @!p0 $0x1;
	_ =	shalt  }
.Lfunc_end1:
_tile_overlayer_lowered:
.L_overlay_start_2:
0x43: {  	(tag) =	ssettag $0x2  }
0x44: {  	s0 =	rddreg [dreg:$0x0];
	s2 =	stileid.u32  }
0x45: {  	s1 =	rddreg [dreg:$0x1];
	p0 =	sne.s32 s2, $0x0  }
0x46: {  	s3 =	rddreg [dreg:$0x2];
	[bflag:$0x3] =	sbarrier.arrive $0xFFFF;
	s2 =	simm.s32 @!p0 $0x1C01  }
0x47: {  	[timem:s3], [sflag:s2] =	dma.local @!p0 [hbm:s0], s1  }
0x48: {  	s0 =	simm.s32 @!p0 $0x1  }
0x49: {  	_ =	swait.ge @!p0 [sflag:s0], s1  }
0x4a: {  	s1 =	ssub.s32 @!p0 $0x0, s1;
	[sflag:s0] =	ssyncset.done @!p0 $0x0  }
0x4b: {  	[sflag:s0] =	ssyncadd.s32 @!p0 s1  }
0x4c: {  	[bflag:$0x3] =	sbarrier.arrive $0xFFFF  }
0x4d: {  	_ =	shalt  }

</sc_bundles>
